<compile_context>
chip_gen: v7x
topology: tpu7x:2x2x1
jax: 0.10.2.dev20260603
libtpu: 0.0.44.dev20260713+nightly
codegen_flags: <defaults>
</compile_context>

<pallas_src>
import jax
import jax.numpy as jnp
from jax.experimental import pallas as pl
from jax.experimental.pallas import tpu as pltpu
from jax.experimental.pallas import tpu_sc as plsc

B = 8
N = 4096
S = 1024
K = 32
CF = 64
R2 = 0.2 * 0.2
D_PAD = 128
TS = 256
T = 128
GW = 256
NIDX = B * S * K



def _fps_body(x_ref, y_ref, z_ref, nx_ref, ny_ref, nz_ref):
    x = x_ref[...]
    y = y_ref[...]
    z = z_ref[...]
    iota = jax.lax.broadcasted_iota(jnp.int32, (B, N), 1).astype(jnp.float32)
    siota = jax.lax.broadcasted_iota(jnp.int32, (B, S), 1)

    def step(i, carry):
        dist, cx, cy, cz, ax, ay, az = carry
        hit = siota == i
        ax = jnp.where(hit, cx, ax)
        ay = jnp.where(hit, cy, ay)
        az = jnp.where(hit, cz, az)
        dx = x - cx
        dy = y - cy
        dz = z - cz
        d = dx * dx + dy * dy + dz * dz
        dist = jnp.minimum(dist, d)
        m = jnp.max(dist, axis=1, keepdims=True)
        far = jnp.min(jnp.where(dist == m, iota, float(N)), axis=1,
                      keepdims=True)
        one = iota == far
        ncx = jnp.sum(jnp.where(one, x, 0.0), axis=1, keepdims=True)
        ncy = jnp.sum(jnp.where(one, y, 0.0), axis=1, keepdims=True)
        ncz = jnp.sum(jnp.where(one, z, 0.0), axis=1, keepdims=True)
        return dist, ncx, ncy, ncz, ax, ay, az

    dist0 = jnp.full((B, N), 1e10, jnp.float32)
    zero_s = jnp.zeros((B, S), jnp.float32)
    carry = jax.lax.fori_loop(
        0, S, step,
        (dist0, x[:, 0:1], y[:, 0:1], z[:, 0:1], zero_s, zero_s, zero_s),
        unroll=16)
    nx_ref[...] = carry[4]
    ny_ref[...] = carry[5]
    nz_ref[...] = carry[6]


def _fps(px, py, pz):
    out = jax.ShapeDtypeStruct((B, S), jnp.float32)
    return pl.pallas_call(
        _fps_body,
        out_shape=(out, out, out),
    )(px, py, pz)



def _bq_body(px_ref, py_ref, pz_ref, cx_ref, cy_ref, cz_ref, idx_ref):
    b = pl.program_id(0)
    px = px_ref[...].reshape(1, N)
    py = py_ref[...].reshape(1, N)
    pz = pz_ref[...].reshape(1, N)
    lane = jax.lax.broadcasted_iota(jnp.int32, (TS, B), 1)
    sel = lane == b

    def col(ref):
        return jnp.sum(jnp.where(sel, ref[...], 0.0), axis=1, keepdims=True)

    cx = col(cx_ref)
    cy = col(cy_ref)
    cz = col(cz_ref)
    def bf(v):
        return v.astype(jnp.bfloat16).astype(jnp.float32)

    cxb, cyb, czb = bf(cx), bf(cy), bf(cz)
    pxb, pyb, pzb = bf(px), bf(py), bf(pz)
    d = (-2.0 * (cxb * pxb + cyb * pyb + czb * pzb)
         + (cx * cx + cy * cy + cz * cz)
         + (px * px + py * py + pz * pz))
    iota = jax.lax.broadcasted_iota(jnp.int32, (TS, N), 1).astype(jnp.float32)
    val = jnp.where(d <= R2, iota, float(N))
    base = b * N
    first = None
    for k in range(K):
        mk = jnp.min(val, axis=1, keepdims=True)
        if k == 0:
            first = mk
            out_k = mk
        else:
            out_k = jnp.where(mk >= float(N), first, mk)
        idx_ref[:, k:k + 1] = out_k.astype(jnp.int32) + base
        val = jnp.where(iota == mk, float(N), val)


def _ball_query(px, py, pz, cxt, cyt, czt):
    grid = (B, S // TS)
    return pl.pallas_call(
        _bq_body,
        grid=grid,
        in_specs=[
            pl.BlockSpec((1, 1, N), lambda b, s: (b, 0, 0)),
            pl.BlockSpec((1, 1, N), lambda b, s: (b, 0, 0)),
            pl.BlockSpec((1, 1, N), lambda b, s: (b, 0, 0)),
            pl.BlockSpec((TS, B), lambda b, s: (s, 0)),
            pl.BlockSpec((TS, B), lambda b, s: (s, 0)),
            pl.BlockSpec((TS, B), lambda b, s: (s, 0)),
        ],
        out_specs=pl.BlockSpec((TS, K), lambda b, s: (b * (S // TS) + s, 0)),
        out_shape=jax.ShapeDtypeStruct((B * S, K), jnp.int32),
        compiler_params=pltpu.CompilerParams(
            dimension_semantics=("parallel", "parallel")),
    )(px, py, pz, cxt, cyt, czt)



def _sc_gather(table, flat_idx):
    mesh = plsc.VectorSubcoreMesh(core_axis_name="core",
                                  subcore_axis_name="subcore")

    @pl.kernel(out_type=jax.ShapeDtypeStruct((NIDX, D_PAD), jnp.float32),
               mesh=mesh)
    def gather_kernel(x_hbm, i_hbm, o_hbm):
        def body(i_vmem, o_vmem):
            pltpu.sync_copy(x_hbm.at[i_vmem.at[0]], o_vmem)

        pltpu.emit_pipeline(
            body,
            grid=(NIDX // GW,),
            in_specs=[pl.BlockSpec((1, GW), index_map=lambda i: (0, i))],
            out_specs=[pl.BlockSpec((GW, D_PAD), index_map=lambda i: (i, 0))],
            core_axis_name=("core", "subcore"),
            dimension_semantics=(pltpu.PARALLEL,),
        )(i_hbm, o_hbm)

    return gather_kernel(table, flat_idx)



def _mlp_body(g_ref, c_ref, w1_ref, w1c_ref, b1_ref, w2_ref, b2_ref,
              w3_ref, b3_ref, o_ref):
    g = g_ref[...]
    h1 = jnp.dot(g, w1_ref[...], preferred_element_type=jnp.float32)
    c = c_ref[...].reshape(T, 3)
    w1c = w1c_ref[...]
    corr = (c[:, 0:1] * w1c[0:1, :]
            + c[:, 1:2] * w1c[1:2, :]
            + c[:, 2:3] * w1c[2:3, :])
    h1 = h1.reshape(T, K, CF) - corr[:, None, :] + b1_ref[...][None]
    h1 = jnp.maximum(h1, 0.0).reshape(T * K, CF)
    h2 = jnp.dot(h1, w2_ref[...], preferred_element_type=jnp.float32)
    h2 = jnp.maximum(h2 + b2_ref[...], 0.0)
    h3 = jnp.dot(h2, w3_ref[...], preferred_element_type=jnp.float32)
    h3 = jnp.maximum(h3 + b3_ref[...], 0.0)
    o_ref[...] = jnp.max(h3.reshape(T, K, 128), axis=1).T.reshape(1, 128, T)


def _mlp(gathered, new_xyz, w1g, w1c, b1, w2t, b2, w3t, b3):
    grid = (B * S // T,)
    st = S // T
    return pl.pallas_call(
        _mlp_body,
        grid=grid,
        in_specs=[
            pl.BlockSpec((T * K, D_PAD), lambda i: (i, 0)),
            pl.BlockSpec((1, T, 3), lambda i: (i // st, i % st, 0)),
            pl.BlockSpec((D_PAD, CF), lambda i: (0, 0)),
            pl.BlockSpec((3, CF), lambda i: (0, 0)),
            pl.BlockSpec((1, CF), lambda i: (0, 0)),
            pl.BlockSpec((CF, CF), lambda i: (0, 0)),
            pl.BlockSpec((1, CF), lambda i: (0, 0)),
            pl.BlockSpec((CF, 128), lambda i: (0, 0)),
            pl.BlockSpec((1, 128), lambda i: (0, 0)),
        ],
        out_specs=pl.BlockSpec((1, 128, T), lambda i: (i // st, 0, i % st)),
        out_shape=jax.ShapeDtypeStruct((B, 128, S), jnp.float32),
        compiler_params=pltpu.CompilerParams(
            dimension_semantics=("parallel",)),
    )(gathered, new_xyz, w1g, w1c, b1, w2t, b2, w3t, b3)



def kernel(xyz, features, W1, b1, W2, b2, W3, b3):
    px = xyz[:, :, 0]
    py = xyz[:, :, 1]
    pz = xyz[:, :, 2]

    nx, ny, nz = _fps(px, py, pz)
    new_xyz = jnp.stack([nx, ny, nz], axis=-1)

    idx = _ball_query(px[:, None, :], py[:, None, :], pz[:, None, :],
                      nx.T, ny.T, nz.T)

    feats_t = jnp.transpose(features, (0, 2, 1))
    table = jnp.concatenate(
        [xyz, feats_t,
         jnp.zeros((B, N, D_PAD - 3 - CF), jnp.float32)],
        axis=-1).reshape(B * N, D_PAD)

    gathered = _sc_gather(table, idx.reshape(1, NIDX))

    w1g = jnp.concatenate(
        [W1.T, jnp.zeros((D_PAD - 3 - CF, CF), jnp.float32)], axis=0)
    w1c = W1[:, :3].T

    new_features = _mlp(gathered, new_xyz, w1g, w1c, b1[None, :],
                        W2.T, b2[None, :], W3.T, b3[None, :])
    return new_xyz, new_features

# --- scband reference (transcript-rebuilt; emitter-appended) ---
"""Pipeline reference for scband-pointnet-samodule-5153960755817 (READ-ONLY COPY).

The authoritative reference and input builder live on the scoring server;
editing this copy changes nothing except your own understanding.
"""

import jax, jax.numpy as jnp
import numpy as np

NPOINT = 1024
RADIUS = 0.2
NSAMPLE = 32


def setup_inputs(seed: int = 0) -> dict:
    key = jax.random.key(seed)
    ks = jax.random.split(key, 6)
    xyz = jax.random.uniform(ks[0], (8, 4096, 3), dtype=jnp.float32)
    features = jax.random.normal(ks[1], (8, 64, 4096), dtype=jnp.float32)
    # shared MLP params (Conv2d k=1 with bias, since bn=False): spec [64+3, 64, 64, 128]
    W1 = jax.random.normal(ks[2], (64, 67), dtype=jnp.float32) * 0.05
    b1 = jnp.zeros((64,), jnp.float32)
    W2 = jax.random.normal(ks[3], (64, 64), dtype=jnp.float32) * 0.05
    b2 = jnp.zeros((64,), jnp.float32)
    W3 = jax.random.normal(ks[4], (128, 64), dtype=jnp.float32) * 0.05
    b3 = jnp.zeros((128,), jnp.float32)
    return {"xyz": xyz, "features": features, "W1": W1, "b1": b1, "W2": W2, "b2": b2, "W3": W3, "b3": b3}


def _square_distance(src, dst):
    dist = -2.0 * jnp.matmul(src, jnp.transpose(dst, (0, 2, 1)))
    dist = dist + jnp.sum(src ** 2, -1)[:, :, None]
    dist = dist + jnp.sum(dst ** 2, -1)[:, None, :]
    return dist


def _index_points(points, idx):
    # points: (B, N, C), idx: (B, ...) -> (B, ..., C)
    return jax.vmap(lambda p, i: p[i])(points, idx)


def _farthest_point_sample(xyz, npoint):
    B, N, _ = xyz.shape
    distance0 = jnp.full((B, N), 1e10, dtype=jnp.float32)
    farthest0 = jnp.zeros((B,), dtype=jnp.int32)  # deterministic start (torch uses randint)

    def step(carry, _):
        distance, farthest = carry
        centroid = xyz[jnp.arange(B), farthest][:, None, :]  # (B,1,3)
        dist = jnp.sum((xyz - centroid) ** 2, -1)
        distance = jnp.minimum(distance, dist)
        new_far = jnp.argmax(distance, -1).astype(jnp.int32)
        return (distance, new_far), farthest

    (_, _), cents = jax.lax.scan(step, (distance0, farthest0), None, length=npoint)
    return jnp.transpose(cents)  # (B, npoint)


def _query_ball_point(radius, nsample, xyz, new_xyz):
    B, N, _ = xyz.shape
    S = new_xyz.shape[1]
    sqrdists = _square_distance(new_xyz, xyz)  # (B,S,N)
    gi = jnp.broadcast_to(jnp.arange(N, dtype=jnp.int32), (B, S, N))
    gi = jnp.where(sqrdists > radius ** 2, N, gi)
    gi = jnp.sort(gi, axis=-1)[:, :, :nsample]
    first = gi[:, :, 0:1]
    gi = jnp.where(gi == N, jnp.broadcast_to(first, gi.shape), gi)
    return gi


def reference(xyz, features, W1, b1, W2, b2, W3, b3):
    fps_idx = _farthest_point_sample(xyz, NPOINT)
    new_xyz = _index_points(xyz, fps_idx)  # (B, npoint, 3)
    idx = _query_ball_point(RADIUS, NSAMPLE, xyz, new_xyz)  # (B, npoint, nsample)
    grouped_xyz = _index_points(xyz, idx) - new_xyz[:, :, None, :]
    grouped_feat = _index_points(jnp.transpose(features, (0, 2, 1)), idx)
    nf = jnp.concatenate([grouped_xyz, grouped_feat], axis=-1)  # (B,S,K,3+C)
    nf = jnp.transpose(nf, (0, 3, 1, 2))  # (B, 67, S, K)

    def conv1x1(x, W, b):
        return jnp.einsum('oc,bcsk->bosk', W, x) + b[None, :, None, None]

    nf = jax.nn.relu(conv1x1(nf, W1, b1))
    nf = jax.nn.relu(conv1x1(nf, W2, b2))
    nf = jax.nn.relu(conv1x1(nf, W3, b3))
    new_features = jnp.max(nf, axis=-1)  # (B, 128, npoint)
    return new_xyz, new_features

if __name__ == "__main__":
    import jax
    _d = setup_inputs()
    print(jax.jit(kernel)(*tuple(_d.values())))

</pallas_src>

<mosaic_0001>
#map = affine_map<(d0, d1) -> (0, 0)>
module attributes {stable_mosaic.version = 14 : i64} {
  func.func @gather_kernel(%arg0: i32, %arg1: i32, %arg2: memref<32768x128xf32, #tpu.memory_space<hbm>>, %arg3: memref<1x262144xi32, #tpu.memory_space<hbm>>, %arg4: memref<262144x128xf32, #tpu.memory_space<hbm>>) attributes {dimension_semantics = [#tpu.dimension_semantics<core_parallel>, #tpu.dimension_semantics<subcore_parallel>], iteration_bounds = array<i64: 2, 16>, scalar_prefetch = 0 : i64, scratch_operands = 0 : i64, tpu.core_type = #tpu.core_type<sc_vector_subcore>, window_params = [{transform_indices = #map}, {transform_indices = #map}, {transform_indices = #map}]} {
    %mul3A = arith.constant 1 : i32
    %mul3A_0 = arith.muli %arg1, %mul3A : i32
    %add3A = arith.constant 0 : i32
    %add3A_1 = arith.addi %add3A, %mul3A_0 : i32
    %mul3A_2 = arith.constant 16 : i32
    %mul3A_3 = arith.muli %arg0, %mul3A_2 : i32
    %add3A_4 = arith.addi %add3A_1, %mul3A_3 : i32
    %mul3A_5 = arith.constant 32 : i32
    %mul3A_6 = arith.muli %add3A_4, %mul3A_5 : i32
    "tpu.region"() ({
      %run_scoped3A = memref.alloca() : memref<2x1x256xi32, #tpu.memory_space<vmem>>
      %run_scoped3A_7 = tpu.sem_alloc : memref<2x!tpu.dma_semaphore, #tpu.memory_space<semaphore_mem>>
      %run_scoped3A_8 = memref.alloca() : memref<2x256x128xf32, #tpu.memory_space<vmem>>
      %run_scoped3A_9 = tpu.sem_alloc : memref<2x!tpu.dma_semaphore, #tpu.memory_space<semaphore_mem>>
      %add3A_10 = arith.constant 0 : i32
      %add3A_11 = arith.addi %add3A_10, %mul3A_6 : i32
      %select_n3A = arith.constant true
      %select_n3A_12 = arith.constant 0 : i32
      %select_n3A_13 = arith.constant -1 : i32
      %select_n3A_14 = arith.select %select_n3A, %select_n3A_13, %select_n3A_12 : i32
      %eq3A = arith.constant -1 : i32
      %eq3A_15 = arith.cmpi eq, %select_n3A_14, %eq3A : i32
      %select_n3A_16 = arith.constant 31 : i32
      %select_n3A_17 = arith.select %eq3A_15, %select_n3A_16, %select_n3A_14 : i32
      %add3A_18 = arith.addi %select_n3A_17, %mul3A_6 : i32
      %select_n3A_19 = arith.constant true
      %select_n3A_20 = arith.constant 0 : i32
      %select_n3A_21 = arith.constant 1 : i32
      %select_n3A_22 = arith.select %select_n3A_19, %select_n3A_21, %select_n3A_20 : i32
      %eq3A_23 = arith.constant 32 : i32
      %eq3A_24 = arith.cmpi eq, %select_n3A_22, %eq3A_23 : i32
      %select_n3A_25 = arith.constant 0 : i32
      %select_n3A_26 = arith.select %eq3A_24, %select_n3A_25, %select_n3A_22 : i32
      %add3A_27 = arith.addi %select_n3A_26, %mul3A_6 : i32
      %add3A_28 = arith.constant 1 : i32
      %add3A_29 = arith.addi %select_n3A_26, %add3A_28 : i32
      %select_n3A_30 = arith.constant true
      %select_n3A_31 = arith.select %select_n3A_30, %add3A_29, %select_n3A_26 : i32
      %eq3A_32 = arith.constant 32 : i32
      %eq3A_33 = arith.cmpi eq, %select_n3A_31, %eq3A_32 : i32
      %select_n3A_34 = arith.constant 0 : i32
      %select_n3A_35 = arith.select %eq3A_33, %select_n3A_34, %select_n3A_31 : i32
      %add3A_36 = arith.addi %select_n3A_35, %mul3A_6 : i32
      "tpu.trace_start"() <{level = 10 : i32, message = "ep_initialize_0"}> : () -> ()
      %rem3A = arith.constant 0 : i32
      %rem3A_37 = arith.constant 2 : i32
      %rem3A_38 = arith.remui %rem3A, %rem3A_37 : i32
      %mul3A_39 = arith.constant 256 : i32
      %mul3A_40 = arith.muli %mul3A_39, %add3A_11 : i32
      %dma_start3A = arith.constant 0 : i32
      %dma_start3A_41 = arith.constant 0 : i32
      %dma_start3A_42 = tpu.memref_slice %run_scoped3A[%rem3A_38, %dma_start3A, %dma_start3A_41] : memref<2x1x256xi32, #tpu.memory_space<vmem>> -> memref<1x1x256xi32, #tpu.memory_space<vmem>>
      %dma_start3A_43 = tpu.memref_squeeze %dma_start3A_42 : memref<1x1x256xi32, #tpu.memory_space<vmem>> -> memref<1x256xi32, #tpu.memory_space<vmem>>
      %dma_start3A_44 = arith.constant 0 : i32
      %dma_start3A_45 = tpu.memref_slice %arg3[%dma_start3A_44, %mul3A_40] : memref<1x262144xi32, #tpu.memory_space<hbm>> -> memref<1x256xi32, #tpu.memory_space<hbm>>
      %dma_start3A_46 = tpu.memref_slice %run_scoped3A_7[%rem3A_38] : memref<2x!tpu.dma_semaphore, #tpu.memory_space<semaphore_mem>> -> memref<1x!tpu.dma_semaphore, #tpu.memory_space<semaphore_mem>>
      %dma_start3A_47 = tpu.memref_squeeze %dma_start3A_46 : memref<1x!tpu.dma_semaphore, #tpu.memory_space<semaphore_mem>> -> memref<!tpu.dma_semaphore, #tpu.memory_space<semaphore_mem>>
      %dma_start3A_48 = arith.constant 0 : i32
      %dma_start3A_49 = arith.constant 0 : i32
      %dma_start3A_50 = tpu.memref_slice %run_scoped3A[%rem3A_38, %dma_start3A_48, %dma_start3A_49] : memref<2x1x256xi32, #tpu.memory_space<vmem>> -> memref<1x1x256xi32, #tpu.memory_space<vmem>>
      %dma_start3A_51 = tpu.memref_squeeze %dma_start3A_50 : memref<1x1x256xi32, #tpu.memory_space<vmem>> -> memref<1x256xi32, #tpu.memory_space<vmem>>
      %dma_start3A_52 = arith.constant 0 : i32
      %dma_start3A_53 = tpu.memref_slice %arg3[%dma_start3A_52, %mul3A_40] : memref<1x262144xi32, #tpu.memory_space<hbm>> -> memref<1x256xi32, #tpu.memory_space<hbm>>
      tpu.enqueue_dma source(%dma_start3A_53 : memref<1x256xi32, #tpu.memory_space<hbm>>) target(%dma_start3A_51 : memref<1x256xi32, #tpu.memory_space<vmem>>) target_semaphore(%dma_start3A_47 : memref<!tpu.dma_semaphore, #tpu.memory_space<semaphore_mem>>)
      %add3A_54 = arith.constant 0 : i32
      %add3A_55 = arith.constant 1 : i32
      %add3A_56 = arith.addi %add3A_54, %add3A_55 : i32
      %select_n3A_57 = arith.constant true
      %select_n3A_58 = arith.constant 0 : i32
      %select_n3A_59 = arith.select %select_n3A_57, %add3A_56, %select_n3A_58 : i32
      "tpu.trace_stop"() : () -> ()
      %scan3A = arith.constant 0 : i32
      %scan3A_60 = arith.constant 0 : i32
      %scan3A_61 = arith.constant 0 : i32
      %scan3A_62 = arith.constant 0 : i32
      %scan3A_63 = arith.constant 0 : i32
      %scan3A_64 = arith.constant 32 : i32
      %scan3A_65 = arith.addi %scan3A_63, %scan3A_64 : i32
      %scan3A_66 = arith.constant 1 : i32
      %scan3A_67:5 = scf.for %scan3A_121 = %scan3A_63 to %scan3A_65 step %scan3A_66 iter_args(%scan3A_122 = %select_n3A_59, %scan3A_123 = %scan3A, %scan3A_124 = %scan3A_60, %scan3A_125 = %scan3A_61, %scan3A_126 = %scan3A_62) -> (i32, i32, i32, i32, i32)  : i32 {
        %eq3A_127 = arith.constant 0 : i32
        %eq3A_128 = arith.cmpi eq, %scan3A_121, %eq3A_127 : i32
        %eq3A_129 = arith.constant 31 : i32
        %eq3A_130 = arith.cmpi eq, %scan3A_121, %eq3A_129 : i32
        %add3A_131 = arith.addi %scan3A_126, %mul3A_6 : i32
        %sub3A_132 = arith.constant 1 : i32
        %sub3A_133 = arith.subi %scan3A_126, %sub3A_132 : i32
        %select_n3A_134 = arith.constant true
        %select_n3A_135 = arith.select %select_n3A_134, %sub3A_133, %scan3A_126 : i32
        %eq3A_136 = arith.constant -1 : i32
        %eq3A_137 = arith.cmpi eq, %select_n3A_135, %eq3A_136 : i32
        %select_n3A_138 = arith.constant 31 : i32
        %select_n3A_139 = arith.select %eq3A_137, %select_n3A_138, %select_n3A_135 : i32
        %add3A_140 = arith.addi %select_n3A_139, %mul3A_6 : i32
        %add3A_141 = arith.constant 1 : i32
        %add3A_142 = arith.addi %scan3A_126, %add3A_141 : i32
        %select_n3A_143 = arith.constant true
        %select_n3A_144 = arith.select %select_n3A_143, %add3A_142, %scan3A_126 : i32
        %eq3A_145 = arith.constant 32 : i32
        %eq3A_146 = arith.cmpi eq, %select_n3A_144, %eq3A_145 : i32
        %select_n3A_147 = arith.constant 0 : i32
        %select_n3A_148 = arith.select %eq3A_146, %select_n3A_147, %select_n3A_144 : i32
        %add3A_149 = arith.addi %select_n3A_148, %mul3A_6 : i32
        %add3A_150 = arith.constant 1 : i32
        %add3A_151 = arith.addi %select_n3A_148, %add3A_150 : i32
        %select_n3A_152 = arith.constant true
        %select_n3A_153 = arith.select %select_n3A_152, %add3A_151, %select_n3A_148 : i32
        %eq3A_154 = arith.constant 32 : i32
        %eq3A_155 = arith.cmpi eq, %select_n3A_153, %eq3A_154 : i32
        %select_n3A_156 = arith.constant 0 : i32
        %select_n3A_157 = arith.select %eq3A_155, %select_n3A_156, %select_n3A_153 : i32
        %add3A_158 = arith.addi %select_n3A_157, %mul3A_6 : i32
        %ne3A = arith.cmpi ne, %add3A_131, %add3A_149 : i32
        %or3A = arith.constant false
        %or3A_159 = arith.ori %or3A, %ne3A : i1
        %ge3A = arith.constant 31 : i32
        %ge3A_160 = arith.cmpi sge, %scan3A_121, %ge3A : i32
        %not3A = arith.constant true
        %not3A_161 = arith.xori %ge3A_160, %not3A : i1
        %and3A = arith.andi %or3A_159, %not3A_161 : i1
        %convert_element_type3A = arith.extui %and3A : i1 to i32
        %cond3A = arith.constant 0 : i32
        %cond3A_162 = arith.cmpi ne, %convert_element_type3A, %cond3A : i32
        scf.if %cond3A_162 {
          "tpu.trace_start"() <{level = 10 : i32, message = "ep_copy_in"}> : () -> ()
          %rem3A_264 = arith.constant 2 : i32
          %rem3A_265 = arith.remui %scan3A_122, %rem3A_264 : i32
          %mul3A_266 = arith.constant 256 : i32
          %mul3A_267 = arith.muli %mul3A_266, %add3A_149 : i32
          %dma_start3A_268 = arith.constant 0 : i32
          %dma_start3A_269 = arith.constant 0 : i32
          %dma_start3A_270 = tpu.memref_slice %run_scoped3A[%rem3A_265, %dma_start3A_268, %dma_start3A_269] : memref<2x1x256xi32, #tpu.memory_space<vmem>> -> memref<1x1x256xi32, #tpu.memory_space<vmem>>
          %dma_start3A_271 = tpu.memref_squeeze %dma_start3A_270 : memref<1x1x256xi32, #tpu.memory_space<vmem>> -> memref<1x256xi32, #tpu.memory_space<vmem>>
          %dma_start3A_272 = arith.constant 0 : i32
          %dma_start3A_273 = tpu.memref_slice %arg3[%dma_start3A_272, %mul3A_267] : memref<1x262144xi32, #tpu.memory_space<hbm>> -> memref<1x256xi32, #tpu.memory_space<hbm>>
          %dma_start3A_274 = tpu.memref_slice %run_scoped3A_7[%rem3A_265] : memref<2x!tpu.dma_semaphore, #tpu.memory_space<semaphore_mem>> -> memref<1x!tpu.dma_semaphore, #tpu.memory_space<semaphore_mem>>
          %dma_start3A_275 = tpu.memref_squeeze %dma_start3A_274 : memref<1x!tpu.dma_semaphore, #tpu.memory_space<semaphore_mem>> -> memref<!tpu.dma_semaphore, #tpu.memory_space<semaphore_mem>>
          %dma_start3A_276 = arith.constant 0 : i32
          %dma_start3A_277 = arith.constant 0 : i32
          %dma_start3A_278 = tpu.memref_slice %run_scoped3A[%rem3A_265, %dma_start3A_276, %dma_start3A_277] : memref<2x1x256xi32, #tpu.memory_space<vmem>> -> memref<1x1x256xi32, #tpu.memory_space<vmem>>
          %dma_start3A_279 = tpu.memref_squeeze %dma_start3A_278 : memref<1x1x256xi32, #tpu.memory_space<vmem>> -> memref<1x256xi32, #tpu.memory_space<vmem>>
          %dma_start3A_280 = arith.constant 0 : i32
          %dma_start3A_281 = tpu.memref_slice %arg3[%dma_start3A_280, %mul3A_267] : memref<1x262144xi32, #tpu.memory_space<hbm>> -> memref<1x256xi32, #tpu.memory_space<hbm>>
          tpu.enqueue_dma source(%dma_start3A_281 : memref<1x256xi32, #tpu.memory_space<hbm>>) target(%dma_start3A_279 : memref<1x256xi32, #tpu.memory_space<vmem>>) target_semaphore(%dma_start3A_275 : memref<!tpu.dma_semaphore, #tpu.memory_space<semaphore_mem>>)
          "tpu.trace_stop"() : () -> ()
        } else {
        }
        %and3A_163 = arith.constant true
        %and3A_164 = arith.andi %and3A, %and3A_163 : i1
        %add3A_165 = arith.constant 1 : i32
        %add3A_166 = arith.addi %scan3A_122, %add3A_165 : i32
        %select_n3A_167 = arith.select %and3A_164, %add3A_166, %scan3A_122 : i32
        %ne3A_168 = arith.cmpi ne, %add3A_131, %add3A_149 : i32
        %or3A_169 = arith.constant false
        %or3A_170 = arith.ori %or3A_169, %ne3A_168 : i1
        %or3A_171 = arith.constant false
        %or3A_172 = arith.ori %or3A_170, %or3A_171 : i1
        %ge3A_173 = arith.constant 31 : i32
        %ge3A_174 = arith.cmpi sge, %scan3A_121, %ge3A_173 : i32
        %not3A_175 = arith.constant true
        %not3A_176 = arith.xori %ge3A_174, %not3A_175 : i1
        %and3A_177 = arith.andi %or3A_172, %not3A_176 : i1
        %ne3A_178 = arith.cmpi ne, %add3A_131, %add3A_140 : i32
        %or3A_179 = arith.constant false
        %or3A_180 = arith.ori %or3A_179, %ne3A_178 : i1
        %or3A_181 = arith.ori %or3A_180, %eq3A_128 : i1
        %convert_element_type3A_182 = arith.extui %or3A_181 : i1 to i32
        %cond3A_183 = arith.constant 0 : i32
        %cond3A_184 = arith.cmpi ne, %convert_element_type3A_182, %cond3A_183 : i32
        scf.if %cond3A_184 {
          "tpu.trace_start"() <{level = 10 : i32, message = "ep_wait_in"}> : () -> ()
          %mul3A_264 = arith.constant 256 : i32
          %mul3A_265 = arith.muli %mul3A_264, %add3A_131 : i32
          %rem3A_266 = arith.constant 2 : i32
          %rem3A_267 = arith.remui %scan3A_123, %rem3A_266 : i32
          %dma_wait3A_268 = arith.constant 0 : i32
          %dma_wait3A_269 = arith.constant 0 : i32
          %dma_wait3A_270 = tpu.memref_slice %run_scoped3A[%rem3A_267, %dma_wait3A_268, %dma_wait3A_269] : memref<2x1x256xi32, #tpu.memory_space<vmem>> -> memref<1x1x256xi32, #tpu.memory_space<vmem>>
          %dma_wait3A_271 = tpu.memref_squeeze %dma_wait3A_270 : memref<1x1x256xi32, #tpu.memory_space<vmem>> -> memref<1x256xi32, #tpu.memory_space<vmem>>
          %dma_wait3A_272 = arith.constant 0 : i32
          %dma_wait3A_273 = tpu.memref_slice %arg3[%dma_wait3A_272, %mul3A_265] : memref<1x262144xi32, #tpu.memory_space<hbm>> -> memref<1x256xi32, #tpu.memory_space<hbm>>
          %dma_wait3A_274 = tpu.memref_slice %run_scoped3A_7[%rem3A_267] : memref<2x!tpu.dma_semaphore, #tpu.memory_space<semaphore_mem>> -> memref<1x!tpu.dma_semaphore, #tpu.memory_space<semaphore_mem>>
          %dma_wait3A_275 = tpu.memref_squeeze %dma_wait3A_274 : memref<1x!tpu.dma_semaphore, #tpu.memory_space<semaphore_mem>> -> memref<!tpu.dma_semaphore, #tpu.memory_space<semaphore_mem>>
          %dma_wait3A_276 = arith.constant 0 : i32
          %dma_wait3A_277 = arith.constant 0 : i32
          %dma_wait3A_278 = tpu.memref_slice %run_scoped3A[%rem3A_267, %dma_wait3A_276, %dma_wait3A_277] : memref<2x1x256xi32, #tpu.memory_space<vmem>> -> memref<1x1x256xi32, #tpu.memory_space<vmem>>
          %dma_wait3A_279 = tpu.memref_squeeze %dma_wait3A_278 : memref<1x1x256xi32, #tpu.memory_space<vmem>> -> memref<1x256xi32, #tpu.memory_space<vmem>>
          %dma_wait3A_280 = arith.constant 0 : i32
          %dma_wait3A_281 = tpu.memref_slice %arg3[%dma_wait3A_280, %mul3A_265] : memref<1x262144xi32, #tpu.memory_space<hbm>> -> memref<1x256xi32, #tpu.memory_space<hbm>>
          tpu.wait_dma2 semaphore(%dma_wait3A_275 : memref<!tpu.dma_semaphore, #tpu.memory_space<semaphore_mem>>) src(%dma_wait3A_281 : memref<1x256xi32, #tpu.memory_space<hbm>>) dst(%dma_wait3A_279 : memref<1x256xi32, #tpu.memory_space<vmem>>)
          "tpu.trace_stop"() : () -> ()
        } else {
        }
        %ne3A_185 = arith.cmpi ne, %add3A_131, %add3A_140 : i32
        %or3A_186 = arith.constant false
        %or3A_187 = arith.ori %or3A_186, %ne3A_185 : i1
        %or3A_188 = arith.constant false
        %or3A_189 = arith.ori %or3A_187, %or3A_188 : i1
        %or3A_190 = arith.ori %or3A_189, %eq3A_128 : i1
        %convert_element_type3A_191 = arith.extui %or3A_190 : i1 to i32
        %cond3A_192 = arith.constant 0 : i32
        %cond3A_193 = arith.cmpi ne, %convert_element_type3A_191, %cond3A_192 : i32
        scf.if %cond3A_193 {
        } else {
        }
        %rem3A_194 = arith.constant 2 : i32
        %rem3A_195 = arith.remui %scan3A_123, %rem3A_194 : i32
        %rem3A_196 = arith.constant 2 : i32
        %rem3A_197 = arith.remui %scan3A_124, %rem3A_196 : i32
        %run_scoped3A_198 = arith.constant 0 : i32
        "tpu.trace_start"() <{level = 10 : i32, message = "ep_run_kernel"}> : () -> ()
        "tpu.region"() ({
          %run_scoped3A_264 = tpu.sem_alloc : memref<!tpu.dma_semaphore, #tpu.memory_space<semaphore_mem>>
          %dma_start3A_265 = arith.constant 0 : i32
          %dma_start3A_266 = arith.constant 0 : i32
          %dma_start3A_267 = tpu.memref_slice %run_scoped3A_8[%rem3A_197, %dma_start3A_265, %dma_start3A_266] : memref<2x256x128xf32, #tpu.memory_space<vmem>> -> memref<1x256x128xf32, #tpu.memory_space<vmem>>
          %dma_start3A_268 = tpu.memref_squeeze %dma_start3A_267 : memref<1x256x128xf32, #tpu.memory_space<vmem>> -> memref<256x128xf32, #tpu.memory_space<vmem>>
          %dma_start3A_269 = arith.constant 0 : i32
          %dma_start3A_270 = arith.constant 0 : i32
          %dma_start3A_271 = tpu.memref_slice %run_scoped3A[%rem3A_195, %dma_start3A_269, %dma_start3A_270] : memref<2x1x256xi32, #tpu.memory_space<vmem>> -> memref<1x1x256xi32, #tpu.memory_space<vmem>>
          %dma_start3A_272 = tpu.memref_squeeze %dma_start3A_271 : memref<1x1x256xi32, #tpu.memory_space<vmem>> -> memref<1x256xi32, #tpu.memory_space<vmem>>
          %dma_start3A_273 = arith.constant 0 : i32
          %dma_start3A_274 = tpu.memref_slice %dma_start3A_272[%run_scoped3A_198, %dma_start3A_273] : memref<1x256xi32, #tpu.memory_space<vmem>> -> memref<1x256xi32, #tpu.memory_space<vmem>>
          %dma_start3A_275 = tpu.memref_squeeze %dma_start3A_274 : memref<1x256xi32, #tpu.memory_space<vmem>> -> memref<256xi32, #tpu.memory_space<vmem>>
          %dma_start3A_276 = arith.constant 0 : i32
          %dma_start3A_277 = arith.constant 0 : i32
          %dma_start3A_278 = tpu.memref_slice %arg2[%dma_start3A_276, %dma_start3A_277] : memref<32768x128xf32, #tpu.memory_space<hbm>> -> memref<32768x128xf32, #tpu.memory_space<hbm>>
          tpu.enqueue_indirect_dma source(%dma_start3A_278 : memref<32768x128xf32, #tpu.memory_space<hbm>>) target(%dma_start3A_268 : memref<256x128xf32, #tpu.memory_space<vmem>>) offsets(%dma_start3A_275 : memref<256xi32, #tpu.memory_space<vmem>>) semaphore(%run_scoped3A_264 : memref<!tpu.dma_semaphore, #tpu.memory_space<semaphore_mem>>)
          %dma_wait3A_279 = arith.constant 0 : i32
          %dma_wait3A_280 = arith.constant 0 : i32
          %dma_wait3A_281 = tpu.memref_slice %run_scoped3A_8[%rem3A_197, %dma_wait3A_279, %dma_wait3A_280] : memref<2x256x128xf32, #tpu.memory_space<vmem>> -> memref<1x256x128xf32, #tpu.memory_space<vmem>>
          %dma_wait3A_282 = tpu.memref_squeeze %dma_wait3A_281 : memref<1x256x128xf32, #tpu.memory_space<vmem>> -> memref<256x128xf32, #tpu.memory_space<vmem>>
          %dma_wait3A_283 = arith.constant 0 : i32
          %dma_wait3A_284 = arith.constant 0 : i32
          %dma_wait3A_285 = tpu.memref_slice %run_scoped3A[%rem3A_195, %dma_wait3A_283, %dma_wait3A_284] : memref<2x1x256xi32, #tpu.memory_space<vmem>> -> memref<1x1x256xi32, #tpu.memory_space<vmem>>
          %dma_wait3A_286 = tpu.memref_squeeze %dma_wait3A_285 : memref<1x1x256xi32, #tpu.memory_space<vmem>> -> memref<1x256xi32, #tpu.memory_space<vmem>>
          %dma_wait3A_287 = arith.constant 0 : i32
          %dma_wait3A_288 = tpu.memref_slice %dma_wait3A_286[%run_scoped3A_198, %dma_wait3A_287] : memref<1x256xi32, #tpu.memory_space<vmem>> -> memref<1x256xi32, #tpu.memory_space<vmem>>
          %dma_wait3A_289 = tpu.memref_squeeze %dma_wait3A_288 : memref<1x256xi32, #tpu.memory_space<vmem>> -> memref<256xi32, #tpu.memory_space<vmem>>
          %dma_wait3A_290 = arith.constant 0 : i32
          %dma_wait3A_291 = arith.constant 0 : i32
          %dma_wait3A_292 = tpu.memref_slice %arg2[%dma_wait3A_290, %dma_wait3A_291] : memref<32768x128xf32, #tpu.memory_space<hbm>> -> memref<32768x128xf32, #tpu.memory_space<hbm>>
          tpu.wait_indirect_dma semaphore(%run_scoped3A_264 : memref<!tpu.dma_semaphore, #tpu.memory_space<semaphore_mem>>) src(%dma_wait3A_292 : memref<32768x128xf32, #tpu.memory_space<hbm>>) dst(%dma_wait3A_282 : memref<256x128xf32, #tpu.memory_space<vmem>>)
          tpu.yield
        }) : () -> ()
        "tpu.trace_stop"() : () -> ()
        %ne3A_199 = arith.cmpi ne, %add3A_131, %add3A_149 : i32
        %or3A_200 = arith.constant false
        %or3A_201 = arith.ori %or3A_200, %ne3A_199 : i1
        %or3A_202 = arith.ori %or3A_201, %eq3A_130 : i1
        %convert_element_type3A_203 = arith.extui %or3A_202 : i1 to i32
        %cond3A_204 = arith.constant 0 : i32
        %cond3A_205 = arith.cmpi ne, %convert_element_type3A_203, %cond3A_204 : i32
        scf.if %cond3A_205 {
        } else {
        }
        %and3A_206 = arith.constant false
        %and3A_207 = arith.andi %or3A_202, %and3A_206 : i1
        %ne3A_208 = arith.cmpi ne, %add3A_131, %add3A_149 : i32
        %or3A_209 = arith.constant false
        %or3A_210 = arith.ori %or3A_209, %ne3A_208 : i1
        %or3A_211 = arith.constant false
        %or3A_212 = arith.ori %or3A_210, %or3A_211 : i1
        %or3A_213 = arith.ori %or3A_212, %eq3A_130 : i1
        %convert_element_type3A_214 = arith.extui %or3A_213 : i1 to i32
        %cond3A_215 = arith.constant 0 : i32
        %cond3A_216 = arith.cmpi ne, %convert_element_type3A_214, %cond3A_215 : i32
        scf.if %cond3A_216 {
          "tpu.trace_start"() <{level = 10 : i32, message = "ep_copy_out"}> : () -> ()
          %rem3A_264 = arith.constant 2 : i32
          %rem3A_265 = arith.remui %scan3A_124, %rem3A_264 : i32
          %mul3A_266 = arith.constant 256 : i32
          %mul3A_267 = arith.muli %mul3A_266, %add3A_131 : i32
          %dma_start3A_268 = arith.constant 0 : i32
          %dma_start3A_269 = arith.constant 0 : i32
          %dma_start3A_270 = tpu.memref_slice %run_scoped3A_8[%rem3A_265, %dma_start3A_268, %dma_start3A_269] : memref<2x256x128xf32, #tpu.memory_space<vmem>> -> memref<1x256x128xf32, #tpu.memory_space<vmem>>
          %dma_start3A_271 = tpu.memref_squeeze %dma_start3A_270 : memref<1x256x128xf32, #tpu.memory_space<vmem>> -> memref<256x128xf32, #tpu.memory_space<vmem>>
          %dma_start3A_272 = arith.constant 0 : i32
          %dma_start3A_273 = tpu.memref_slice %arg4[%mul3A_267, %dma_start3A_272] : memref<262144x128xf32, #tpu.memory_space<hbm>> -> memref<256x128xf32, #tpu.memory_space<hbm>>
          %dma_start3A_274 = tpu.memref_slice %run_scoped3A_9[%rem3A_265] : memref<2x!tpu.dma_semaphore, #tpu.memory_space<semaphore_mem>> -> memref<1x!tpu.dma_semaphore, #tpu.memory_space<semaphore_mem>>
          %dma_start3A_275 = tpu.memref_squeeze %dma_start3A_274 : memref<1x!tpu.dma_semaphore, #tpu.memory_space<semaphore_mem>> -> memref<!tpu.dma_semaphore, #tpu.memory_space<semaphore_mem>>
          %dma_start3A_276 = arith.constant 0 : i32
          %dma_start3A_277 = tpu.memref_slice %arg4[%mul3A_267, %dma_start3A_276] : memref<262144x128xf32, #tpu.memory_space<hbm>> -> memref<256x128xf32, #tpu.memory_space<hbm>>
          %dma_start3A_278 = arith.constant 0 : i32
          %dma_start3A_279 = arith.constant 0 : i32
          %dma_start3A_280 = tpu.memref_slice %run_scoped3A_8[%rem3A_265, %dma_start3A_278, %dma_start3A_279] : memref<2x256x128xf32, #tpu.memory_space<vmem>> -> memref<1x256x128xf32, #tpu.memory_space<vmem>>
          %dma_start3A_281 = tpu.memref_squeeze %dma_start3A_280 : memref<1x256x128xf32, #tpu.memory_space<vmem>> -> memref<256x128xf32, #tpu.memory_space<vmem>>
          tpu.enqueue_dma source(%dma_start3A_281 : memref<256x128xf32, #tpu.memory_space<vmem>>) target(%dma_start3A_277 : memref<256x128xf32, #tpu.memory_space<hbm>>) target_semaphore(%dma_start3A_275 : memref<!tpu.dma_semaphore, #tpu.memory_space<semaphore_mem>>)
          "tpu.trace_stop"() : () -> ()
        } else {
        }
        %and3A_217 = arith.constant true
        %and3A_218 = arith.andi %or3A_213, %and3A_217 : i1
        %add3A_219 = arith.constant 1 : i32
        %add3A_220 = arith.addi %scan3A_124, %add3A_219 : i32
        %select_n3A_221 = arith.select %and3A_218, %add3A_220, %scan3A_124 : i32
        %ne3A_222 = arith.cmpi ne, %add3A_131, %add3A_140 : i32
        %or3A_223 = arith.constant false
        %or3A_224 = arith.ori %or3A_223, %ne3A_222 : i1
        %not3A_225 = arith.constant true
        %not3A_226 = arith.xori %eq3A_128, %not3A_225 : i1
        %and3A_227 = arith.andi %or3A_224, %not3A_226 : i1
        %convert_element_type3A_228 = arith.extui %and3A_227 : i1 to i32
        %cond3A_229 = arith.constant 0 : i32
        %cond3A_230 = arith.cmpi ne, %convert_element_type3A_228, %cond3A_229 : i32
        scf.if %cond3A_230 {
        } else {
        }
        %and3A_231 = arith.constant false
        %and3A_232 = arith.andi %and3A_227, %and3A_231 : i1
        %ne3A_233 = arith.cmpi ne, %add3A_131, %add3A_140 : i32
        %or3A_234 = arith.constant false
        %or3A_235 = arith.ori %or3A_234, %ne3A_233 : i1
        %or3A_236 = arith.constant false
        %or3A_237 = arith.ori %or3A_235, %or3A_236 : i1
        %not3A_238 = arith.constant true
        %not3A_239 = arith.xori %eq3A_128, %not3A_238 : i1
        %and3A_240 = arith.andi %or3A_237, %not3A_239 : i1
        %convert_element_type3A_241 = arith.extui %and3A_240 : i1 to i32
        %cond3A_242 = arith.constant 0 : i32
        %cond3A_243 = arith.cmpi ne, %convert_element_type3A_241, %cond3A_242 : i32
        scf.if %cond3A_243 {
          "tpu.trace_start"() <{level = 10 : i32, message = "ep_wait_out"}> : () -> ()
          %rem3A_264 = arith.constant 2 : i32
          %rem3A_265 = arith.remui %scan3A_125, %rem3A_264 : i32
          %mul3A_266 = arith.constant 256 : i32
          %mul3A_267 = arith.muli %mul3A_266, %add3A_140 : i32
          %dma_wait3A_268 = arith.constant 0 : i32
          %dma_wait3A_269 = arith.constant 0 : i32
          %dma_wait3A_270 = tpu.memref_slice %run_scoped3A_8[%rem3A_265, %dma_wait3A_268, %dma_wait3A_269] : memref<2x256x128xf32, #tpu.memory_space<vmem>> -> memref<1x256x128xf32, #tpu.memory_space<vmem>>
          %dma_wait3A_271 = tpu.memref_squeeze %dma_wait3A_270 : memref<1x256x128xf32, #tpu.memory_space<vmem>> -> memref<256x128xf32, #tpu.memory_space<vmem>>
          %dma_wait3A_272 = arith.constant 0 : i32
          %dma_wait3A_273 = tpu.memref_slice %arg4[%mul3A_267, %dma_wait3A_272] : memref<262144x128xf32, #tpu.memory_space<hbm>> -> memref<256x128xf32, #tpu.memory_space<hbm>>
          %dma_wait3A_274 = tpu.memref_slice %run_scoped3A_9[%rem3A_265] : memref<2x!tpu.dma_semaphore, #tpu.memory_space<semaphore_mem>> -> memref<1x!tpu.dma_semaphore, #tpu.memory_space<semaphore_mem>>
          %dma_wait3A_275 = tpu.memref_squeeze %dma_wait3A_274 : memref<1x!tpu.dma_semaphore, #tpu.memory_space<semaphore_mem>> -> memref<!tpu.dma_semaphore, #tpu.memory_space<semaphore_mem>>
          %dma_wait3A_276 = arith.constant 0 : i32
          %dma_wait3A_277 = tpu.memref_slice %arg4[%mul3A_267, %dma_wait3A_276] : memref<262144x128xf32, #tpu.memory_space<hbm>> -> memref<256x128xf32, #tpu.memory_space<hbm>>
          %dma_wait3A_278 = arith.constant 0 : i32
          %dma_wait3A_279 = arith.constant 0 : i32
          %dma_wait3A_280 = tpu.memref_slice %run_scoped3A_8[%rem3A_265, %dma_wait3A_278, %dma_wait3A_279] : memref<2x256x128xf32, #tpu.memory_space<vmem>> -> memref<1x256x128xf32, #tpu.memory_space<vmem>>
          %dma_wait3A_281 = tpu.memref_squeeze %dma_wait3A_280 : memref<1x256x128xf32, #tpu.memory_space<vmem>> -> memref<256x128xf32, #tpu.memory_space<vmem>>
          tpu.wait_dma2 semaphore(%dma_wait3A_275 : memref<!tpu.dma_semaphore, #tpu.memory_space<semaphore_mem>>) src(%dma_wait3A_281 : memref<256x128xf32, #tpu.memory_space<vmem>>) dst(%dma_wait3A_277 : memref<256x128xf32, #tpu.memory_space<hbm>>)
          "tpu.trace_stop"() : () -> ()
        } else {
        }
        %and3A_244 = arith.constant true
        %and3A_245 = arith.andi %and3A_240, %and3A_244 : i1
        %add3A_246 = arith.constant 1 : i32
        %add3A_247 = arith.addi %scan3A_125, %add3A_246 : i32
        %select_n3A_248 = arith.select %and3A_245, %add3A_247, %scan3A_125 : i32
        %ne3A_249 = arith.cmpi ne, %add3A_131, %add3A_149 : i32
        %or3A_250 = arith.constant false
        %or3A_251 = arith.ori %or3A_250, %ne3A_249 : i1
        %or3A_252 = arith.ori %or3A_251, %eq3A_130 : i1
        %add3A_253 = arith.constant 1 : i32
        %add3A_254 = arith.addi %scan3A_123, %add3A_253 : i32
        %select_n3A_255 = arith.select %or3A_252, %add3A_254, %scan3A_123 : i32
        %add3A_256 = arith.constant 1 : i32
        %add3A_257 = arith.addi %scan3A_126, %add3A_256 : i32
        %select_n3A_258 = arith.constant true
        %select_n3A_259 = arith.select %select_n3A_258, %add3A_257, %scan3A_126 : i32
        %eq3A_260 = arith.constant 32 : i32
        %eq3A_261 = arith.cmpi eq, %select_n3A_259, %eq3A_260 : i32
        %select_n3A_262 = arith.constant 0 : i32
        %select_n3A_263 = arith.select %eq3A_261, %select_n3A_262, %select_n3A_259 : i32
        scf.yield %select_n3A_167, %select_n3A_255, %select_n3A_221, %select_n3A_248, %select_n3A_263 : i32, i32, i32, i32, i32
      }
      %scan3A_68 = arith.constant 32 : i32
      %sub3A = arith.constant 1 : i32
      %sub3A_69 = arith.subi %scan3A_67#4, %sub3A : i32
      %select_n3A_70 = arith.constant true
      %select_n3A_71 = arith.select %select_n3A_70, %sub3A_69, %scan3A_67#4 : i32
      %eq3A_72 = arith.constant -1 : i32
      %eq3A_73 = arith.cmpi eq, %select_n3A_71, %eq3A_72 : i32
      %select_n3A_74 = arith.constant 31 : i32
      %select_n3A_75 = arith.select %eq3A_73, %select_n3A_74, %select_n3A_71 : i32
      %add3A_76 = arith.addi %select_n3A_75, %mul3A_6 : i32
      %sub3A_77 = arith.constant 1 : i32
      %sub3A_78 = arith.subi %select_n3A_75, %sub3A_77 : i32
      %select_n3A_79 = arith.constant true
      %select_n3A_80 = arith.select %select_n3A_79, %sub3A_78, %select_n3A_75 : i32
      %eq3A_81 = arith.constant -1 : i32
      %eq3A_82 = arith.cmpi eq, %select_n3A_80, %eq3A_81 : i32
      %select_n3A_83 = arith.constant 31 : i32
      %select_n3A_84 = arith.select %eq3A_82, %select_n3A_83, %select_n3A_80 : i32
      %add3A_85 = arith.addi %select_n3A_84, %mul3A_6 : i32
      %add3A_86 = arith.constant 1 : i32
      %add3A_87 = arith.addi %select_n3A_75, %add3A_86 : i32
      %select_n3A_88 = arith.constant true
      %select_n3A_89 = arith.select %select_n3A_88, %add3A_87, %select_n3A_75 : i32
      %eq3A_90 = arith.constant 32 : i32
      %eq3A_91 = arith.cmpi eq, %select_n3A_89, %eq3A_90 : i32
      %select_n3A_92 = arith.constant 0 : i32
      %select_n3A_93 = arith.select %eq3A_91, %select_n3A_92, %select_n3A_89 : i32
      %add3A_94 = arith.addi %select_n3A_93, %mul3A_6 : i32
      %add3A_95 = arith.constant 1 : i32
      %add3A_96 = arith.addi %select_n3A_93, %add3A_95 : i32
      %select_n3A_97 = arith.constant true
      %select_n3A_98 = arith.select %select_n3A_97, %add3A_96, %select_n3A_93 : i32
      %eq3A_99 = arith.constant 32 : i32
      %eq3A_100 = arith.cmpi eq, %select_n3A_98, %eq3A_99 : i32
      %select_n3A_101 = arith.constant 0 : i32
      %select_n3A_102 = arith.select %eq3A_100, %select_n3A_101, %select_n3A_98 : i32
      %add3A_103 = arith.addi %select_n3A_102, %mul3A_6 : i32
      "tpu.trace_start"() <{level = 10 : i32, message = "ep_finalize"}> : () -> ()
      %rem3A_104 = arith.constant 2 : i32
      %rem3A_105 = arith.remui %scan3A_67#3, %rem3A_104 : i32
      %mul3A_106 = arith.constant 256 : i32
      %mul3A_107 = arith.muli %mul3A_106, %add3A_76 : i32
      %dma_wait3A = arith.constant 0 : i32
      %dma_wait3A_108 = arith.constant 0 : i32
      %dma_wait3A_109 = tpu.memref_slice %run_scoped3A_8[%rem3A_105, %dma_wait3A, %dma_wait3A_108] : memref<2x256x128xf32, #tpu.memory_space<vmem>> -> memref<1x256x128xf32, #tpu.memory_space<vmem>>
      %dma_wait3A_110 = tpu.memref_squeeze %dma_wait3A_109 : memref<1x256x128xf32, #tpu.memory_space<vmem>> -> memref<256x128xf32, #tpu.memory_space<vmem>>
      %dma_wait3A_111 = arith.constant 0 : i32
      %dma_wait3A_112 = tpu.memref_slice %arg4[%mul3A_107, %dma_wait3A_111] : memref<262144x128xf32, #tpu.memory_space<hbm>> -> memref<256x128xf32, #tpu.memory_space<hbm>>
      %dma_wait3A_113 = tpu.memref_slice %run_scoped3A_9[%rem3A_105] : memref<2x!tpu.dma_semaphore, #tpu.memory_space<semaphore_mem>> -> memref<1x!tpu.dma_semaphore, #tpu.memory_space<semaphore_mem>>
      %dma_wait3A_114 = tpu.memref_squeeze %dma_wait3A_113 : memref<1x!tpu.dma_semaphore, #tpu.memory_space<semaphore_mem>> -> memref<!tpu.dma_semaphore, #tpu.memory_space<semaphore_mem>>
      %dma_wait3A_115 = arith.constant 0 : i32
      %dma_wait3A_116 = tpu.memref_slice %arg4[%mul3A_107, %dma_wait3A_115] : memref<262144x128xf32, #tpu.memory_space<hbm>> -> memref<256x128xf32, #tpu.memory_space<hbm>>
      %dma_wait3A_117 = arith.constant 0 : i32
      %dma_wait3A_118 = arith.constant 0 : i32
      %dma_wait3A_119 = tpu.memref_slice %run_scoped3A_8[%rem3A_105, %dma_wait3A_117, %dma_wait3A_118] : memref<2x256x128xf32, #tpu.memory_space<vmem>> -> memref<1x256x128xf32, #tpu.memory_space<vmem>>
      %dma_wait3A_120 = tpu.memref_squeeze %dma_wait3A_119 : memref<1x256x128xf32, #tpu.memory_space<vmem>> -> memref<256x128xf32, #tpu.memory_space<vmem>>
      tpu.wait_dma2 semaphore(%dma_wait3A_114 : memref<!tpu.dma_semaphore, #tpu.memory_space<semaphore_mem>>) src(%dma_wait3A_120 : memref<256x128xf32, #tpu.memory_space<vmem>>) dst(%dma_wait3A_116 : memref<256x128xf32, #tpu.memory_space<hbm>>)
      "tpu.trace_stop"() : () -> ()
      tpu.yield
    }) : () -> ()
    return
  }
}

module attributes {stable_mosaic.version = 14 : i64} {
  func.func @_bq_body(%arg0: i32, %arg1: i32, %arg2: memref<1x1x4096xf32, #tpu.memory_space<vmem>>, %arg3: memref<1x1x4096xf32, #tpu.memory_space<vmem>>, %arg4: memref<1x1x4096xf32, #tpu.memory_space<vmem>>, %arg5: memref<256x8xf32, #tpu.memory_space<vmem>>, %arg6: memref<256x8xf32, #tpu.memory_space<vmem>>, %arg7: memref<256x8xf32, #tpu.memory_space<vmem>>, %arg8: memref<256x32xi32, #tpu.memory_space<vmem>>) attributes {dimension_semantics = [#tpu.dimension_semantics<parallel>, #tpu.dimension_semantics<parallel>], iteration_bounds = array<i64: 8, 4>, scalar_prefetch = 0 : i64, scratch_operands = 0 : i64, tpu.core_type = #tpu.core_type<tc>, window_params = [{transform_indices = @transform_0, window_bounds = array<i64: 1, 1, 4096>}, {transform_indices = @transform_1, window_bounds = array<i64: 1, 1, 4096>}, {transform_indices = @transform_2, window_bounds = array<i64: 1, 1, 4096>}, {transform_indices = @transform_3, window_bounds = array<i64: 256, 8>}, {transform_indices = @transform_4, window_bounds = array<i64: 256, 8>}, {transform_indices = @transform_5, window_bounds = array<i64: 256, 8>}, {transform_indices = @transform_6, window_bounds = array<i64: 256, 32>}]} {
    %get3A = arith.constant 0 : index
    %get3A_0 = arith.constant 0 : index
    %get3A_1 = arith.constant 0 : index
    %get3A_2 = vector.load %arg2[%get3A, %get3A_0, %get3A_1] : memref<1x1x4096xf32, #tpu.memory_space<vmem>>, vector<1x1x4096xf32>
    %reshape3A = vector.shape_cast %get3A_2 : vector<1x1x4096xf32> to vector<1x4096xf32>
    %get3A_3 = arith.constant 0 : index
    %get3A_4 = arith.constant 0 : index
    %get3A_5 = arith.constant 0 : index
    %get3A_6 = vector.load %arg3[%get3A_3, %get3A_4, %get3A_5] : memref<1x1x4096xf32, #tpu.memory_space<vmem>>, vector<1x1x4096xf32>
    %reshape3A_7 = vector.shape_cast %get3A_6 : vector<1x1x4096xf32> to vector<1x4096xf32>
    %get3A_8 = arith.constant 0 : index
    %get3A_9 = arith.constant 0 : index
    %get3A_10 = arith.constant 0 : index
    %get3A_11 = vector.load %arg4[%get3A_8, %get3A_9, %get3A_10] : memref<1x1x4096xf32, #tpu.memory_space<vmem>>, vector<1x1x4096xf32>
    %reshape3A_12 = vector.shape_cast %get3A_11 : vector<1x1x4096xf32> to vector<1x4096xf32>
    %iota3A = tpu.iota {dimensions = array<i32: 1>} : vector<256x8xi32>
    %eq3A = vector.broadcast %arg0 : i32 to vector<256x8xi32>
    %eq3A_13 = arith.cmpi eq, %iota3A, %eq3A : vector<256x8xi32>
    %get3A_14 = arith.constant 0 : index
    %get3A_15 = arith.constant 0 : index
    %get3A_16 = vector.load %arg5[%get3A_14, %get3A_15] : memref<256x8xf32, #tpu.memory_space<vmem>>, vector<256x8xf32>
    %jit3A = arith.constant 0.000000e+00 : f32
    %broadcast_in_dim3A = vector.broadcast %jit3A : f32 to vector<256x8xf32>
    %select_n3A = arith.select %eq3A_13, %get3A_16, %broadcast_in_dim3A : vector<256x8xi1>, vector<256x8xf32>
    %reduce_sum3A = arith.constant dense<0.000000e+00> : vector<256xf32>
    %reduce_sum3A_17 = vector.multi_reduction <add>, %select_n3A, %reduce_sum3A [1] : vector<256x8xf32> to vector<256xf32>
    %broadcast_in_dim3A_18 = vector.shape_cast %reduce_sum3A_17 : vector<256xf32> to vector<256x1xf32>
    %get3A_19 = arith.constant 0 : index
    %get3A_20 = arith.constant 0 : index
    %get3A_21 = vector.load %arg6[%get3A_19, %get3A_20] : memref<256x8xf32, #tpu.memory_space<vmem>>, vector<256x8xf32>
    %jit3A_22 = arith.constant 0.000000e+00 : f32
    %broadcast_in_dim3A_23 = vector.broadcast %jit3A_22 : f32 to vector<256x8xf32>
    %select_n3A_24 = arith.select %eq3A_13, %get3A_21, %broadcast_in_dim3A_23 : vector<256x8xi1>, vector<256x8xf32>
    %reduce_sum3A_25 = arith.constant dense<0.000000e+00> : vector<256xf32>
    %reduce_sum3A_26 = vector.multi_reduction <add>, %select_n3A_24, %reduce_sum3A_25 [1] : vector<256x8xf32> to vector<256xf32>
    %broadcast_in_dim3A_27 = vector.shape_cast %reduce_sum3A_26 : vector<256xf32> to vector<256x1xf32>
    %get3A_28 = arith.constant 0 : index
    %get3A_29 = arith.constant 0 : index
    %get3A_30 = vector.load %arg7[%get3A_28, %get3A_29] : memref<256x8xf32, #tpu.memory_space<vmem>>, vector<256x8xf32>
    %jit3A_31 = arith.constant 0.000000e+00 : f32
    %broadcast_in_dim3A_32 = vector.broadcast %jit3A_31 : f32 to vector<256x8xf32>
    %select_n3A_33 = arith.select %eq3A_13, %get3A_30, %broadcast_in_dim3A_32 : vector<256x8xi1>, vector<256x8xf32>
    %reduce_sum3A_34 = arith.constant dense<0.000000e+00> : vector<256xf32>
    %reduce_sum3A_35 = vector.multi_reduction <add>, %select_n3A_33, %reduce_sum3A_34 [1] : vector<256x8xf32> to vector<256xf32>
    %broadcast_in_dim3A_36 = vector.shape_cast %reduce_sum3A_35 : vector<256xf32> to vector<256x1xf32>
    %convert_element_type3A = arith.truncf %broadcast_in_dim3A_18 : vector<256x1xf32> to vector<256x1xbf16>
    %convert_element_type3A_37 = arith.extf %convert_element_type3A : vector<256x1xbf16> to vector<256x1xf32>
    %convert_element_type3A_38 = arith.truncf %broadcast_in_dim3A_27 : vector<256x1xf32> to vector<256x1xbf16>
    %convert_element_type3A_39 = arith.extf %convert_element_type3A_38 : vector<256x1xbf16> to vector<256x1xf32>
    %convert_element_type3A_40 = arith.truncf %broadcast_in_dim3A_36 : vector<256x1xf32> to vector<256x1xbf16>
    %convert_element_type3A_41 = arith.extf %convert_element_type3A_40 : vector<256x1xbf16> to vector<256x1xf32>
    %convert_element_type3A_42 = arith.truncf %reshape3A : vector<1x4096xf32> to vector<1x4096xbf16>
    %convert_element_type3A_43 = arith.extf %convert_element_type3A_42 : vector<1x4096xbf16> to vector<1x4096xf32>
    %convert_element_type3A_44 = arith.truncf %reshape3A_7 : vector<1x4096xf32> to vector<1x4096xbf16>
    %convert_element_type3A_45 = arith.extf %convert_element_type3A_44 : vector<1x4096xbf16> to vector<1x4096xf32>
    %convert_element_type3A_46 = arith.truncf %reshape3A_12 : vector<1x4096xf32> to vector<1x4096xbf16>
    %convert_element_type3A_47 = arith.extf %convert_element_type3A_46 : vector<1x4096xbf16> to vector<1x4096xf32>
    %mul3A = vector.broadcast %convert_element_type3A_37 : vector<256x1xf32> to vector<256x4096xf32>
    %mul3A_48 = vector.broadcast %convert_element_type3A_43 : vector<1x4096xf32> to vector<256x4096xf32>
    %mul3A_49 = arith.mulf %mul3A, %mul3A_48 : vector<256x4096xf32>
    %mul3A_50 = vector.broadcast %convert_element_type3A_39 : vector<256x1xf32> to vector<256x4096xf32>
    %mul3A_51 = vector.broadcast %convert_element_type3A_45 : vector<1x4096xf32> to vector<256x4096xf32>
    %mul3A_52 = arith.mulf %mul3A_50, %mul3A_51 : vector<256x4096xf32>
    %add3A = arith.addf %mul3A_49, %mul3A_52 : vector<256x4096xf32>
    %mul3A_53 = vector.broadcast %convert_element_type3A_41 : vector<256x1xf32> to vector<256x4096xf32>
    %mul3A_54 = vector.broadcast %convert_element_type3A_47 : vector<1x4096xf32> to vector<256x4096xf32>
    %mul3A_55 = arith.mulf %mul3A_53, %mul3A_54 : vector<256x4096xf32>
    %add3A_56 = arith.addf %add3A, %mul3A_55 : vector<256x4096xf32>
    %mul3A_57 = arith.constant -2.000000e+00 : f32
    %mul3A_58 = vector.broadcast %mul3A_57 : f32 to vector<256x4096xf32>
    %mul3A_59 = arith.mulf %mul3A_58, %add3A_56 : vector<256x4096xf32>
    %mul3A_60 = arith.mulf %broadcast_in_dim3A_18, %broadcast_in_dim3A_18 : vector<256x1xf32>
    %mul3A_61 = arith.mulf %broadcast_in_dim3A_27, %broadcast_in_dim3A_27 : vector<256x1xf32>
    %add3A_62 = arith.addf %mul3A_60, %mul3A_61 : vector<256x1xf32>
    %mul3A_63 = arith.mulf %broadcast_in_dim3A_36, %broadcast_in_dim3A_36 : vector<256x1xf32>
    %add3A_64 = arith.addf %add3A_62, %mul3A_63 : vector<256x1xf32>
    %add3A_65 = vector.broadcast %add3A_64 : vector<256x1xf32> to vector<256x4096xf32>
    %add3A_66 = arith.addf %mul3A_59, %add3A_65 : vector<256x4096xf32>
    %mul3A_67 = arith.mulf %reshape3A, %reshape3A : vector<1x4096xf32>
    %mul3A_68 = arith.mulf %reshape3A_7, %reshape3A_7 : vector<1x4096xf32>
    %add3A_69 = arith.addf %mul3A_67, %mul3A_68 : vector<1x4096xf32>
    %mul3A_70 = arith.mulf %reshape3A_12, %reshape3A_12 : vector<1x4096xf32>
    %add3A_71 = arith.addf %add3A_69, %mul3A_70 : vector<1x4096xf32>
    %add3A_72 = vector.broadcast %add3A_71 : vector<1x4096xf32> to vector<256x4096xf32>
    %add3A_73 = arith.addf %add3A_66, %add3A_72 : vector<256x4096xf32>
    %iota3A_74 = tpu.iota {dimensions = array<i32: 1>} : vector<256x4096xi32>
    %convert_element_type3A_75 = arith.sitofp %iota3A_74 : vector<256x4096xi32> to vector<256x4096xf32>
    %le3A = arith.constant 4.000000e-02 : f32
    %le3A_76 = vector.broadcast %le3A : f32 to vector<256x4096xf32>
    %le3A_77 = arith.cmpf ole, %add3A_73, %le3A_76 : vector<256x4096xf32>
    %jit3A_78 = arith.constant 4.096000e+03 : f32
    %broadcast_in_dim3A_79 = vector.broadcast %jit3A_78 : f32 to vector<256x4096xf32>
    %select_n3A_80 = arith.select %le3A_77, %convert_element_type3A_75, %broadcast_in_dim3A_79 : vector<256x4096xi1>, vector<256x4096xf32>
    %mul3A_81 = arith.constant 4096 : i32
    %mul3A_82 = arith.muli %arg0, %mul3A_81 : i32
    %reduce_min3A = arith.constant dense<0x7F800000> : vector<256xf32>
    %reduce_min3A_83 = vector.multi_reduction <minimumf>, %select_n3A_80, %reduce_min3A [1] : vector<256x4096xf32> to vector<256xf32>
    %broadcast_in_dim3A_84 = vector.shape_cast %reduce_min3A_83 : vector<256xf32> to vector<256x1xf32>
    %convert_element_type3A_85 = arith.fptosi %broadcast_in_dim3A_84 : vector<256x1xf32> to vector<256x1xi32>
    %add3A_86 = vector.broadcast %mul3A_82 : i32 to vector<256x1xi32>
    %add3A_87 = arith.addi %convert_element_type3A_85, %add3A_86 : vector<256x1xi32>
    %swap3A = arith.constant 0 : index
    %swap3A_88 = arith.constant 0 : index
    %swap3A_89 = vector.load %arg8[%swap3A, %swap3A_88] : memref<256x32xi32, #tpu.memory_space<vmem>>, vector<256x1xi32>
    tpu.vector_store %arg8[%swap3A, %swap3A_88], %add3A_87 {strides = array<i32>} : memref<256x32xi32, #tpu.memory_space<vmem>>, vector<256x1xi32>,
    %eq3A_90 = vector.broadcast %broadcast_in_dim3A_84 : vector<256x1xf32> to vector<256x4096xf32>
    %eq3A_91 = arith.cmpf oeq, %convert_element_type3A_75, %eq3A_90 : vector<256x4096xf32>
    %jit3A_92 = arith.constant 4.096000e+03 : f32
    %broadcast_in_dim3A_93 = vector.broadcast %jit3A_92 : f32 to vector<256x4096xf32>
    %select_n3A_94 = arith.select %eq3A_91, %broadcast_in_dim3A_93, %select_n3A_80 : vector<256x4096xi1>, vector<256x4096xf32>
    %reduce_min3A_95 = arith.constant dense<0x7F800000> : vector<256xf32>
    %reduce_min3A_96 = vector.multi_reduction <minimumf>, %select_n3A_94, %reduce_min3A_95 [1] : vector<256x4096xf32> to vector<256xf32>
    %broadcast_in_dim3A_97 = vector.shape_cast %reduce_min3A_96 : vector<256xf32> to vector<256x1xf32>
    %ge3A = arith.constant 4.096000e+03 : f32
    %ge3A_98 = vector.broadcast %ge3A : f32 to vector<256x1xf32>
    %ge3A_99 = arith.cmpf oge, %broadcast_in_dim3A_97, %ge3A_98 : vector<256x1xf32>
    %select_n3A_100 = arith.select %ge3A_99, %broadcast_in_dim3A_84, %broadcast_in_dim3A_97 : vector<256x1xi1>, vector<256x1xf32>
    %convert_element_type3A_101 = arith.fptosi %select_n3A_100 : vector<256x1xf32> to vector<256x1xi32>
    %add3A_102 = vector.broadcast %mul3A_82 : i32 to vector<256x1xi32>
    %add3A_103 = arith.addi %convert_element_type3A_101, %add3A_102 : vector<256x1xi32>
    %swap3A_104 = arith.constant 0 : index
    %swap3A_105 = arith.constant 1 : index
    %swap3A_106 = vector.load %arg8[%swap3A_104, %swap3A_105] : memref<256x32xi32, #tpu.memory_space<vmem>>, vector<256x1xi32>
    tpu.vector_store %arg8[%swap3A_104, %swap3A_105], %add3A_103 {strides = array<i32>} : memref<256x32xi32, #tpu.memory_space<vmem>>, vector<256x1xi32>,
    %eq3A_107 = vector.broadcast %broadcast_in_dim3A_97 : vector<256x1xf32> to vector<256x4096xf32>
    %eq3A_108 = arith.cmpf oeq, %convert_element_type3A_75, %eq3A_107 : vector<256x4096xf32>
    %jit3A_109 = arith.constant 4.096000e+03 : f32
    %broadcast_in_dim3A_110 = vector.broadcast %jit3A_109 : f32 to vector<256x4096xf32>
    %select_n3A_111 = arith.select %eq3A_108, %broadcast_in_dim3A_110, %select_n3A_94 : vector<256x4096xi1>, vector<256x4096xf32>
    %reduce_min3A_112 = arith.constant dense<0x7F800000> : vector<256xf32>
    %reduce_min3A_113 = vector.multi_reduction <minimumf>, %select_n3A_111, %reduce_min3A_112 [1] : vector<256x4096xf32> to vector<256xf32>
    %broadcast_in_dim3A_114 = vector.shape_cast %reduce_min3A_113 : vector<256xf32> to vector<256x1xf32>
    %ge3A_115 = arith.constant 4.096000e+03 : f32
    %ge3A_116 = vector.broadcast %ge3A_115 : f32 to vector<256x1xf32>
    %ge3A_117 = arith.cmpf oge, %broadcast_in_dim3A_114, %ge3A_116 : vector<256x1xf32>
    %select_n3A_118 = arith.select %ge3A_117, %broadcast_in_dim3A_84, %broadcast_in_dim3A_114 : vector<256x1xi1>, vector<256x1xf32>
    %convert_element_type3A_119 = arith.fptosi %select_n3A_118 : vector<256x1xf32> to vector<256x1xi32>
    %add3A_120 = vector.broadcast %mul3A_82 : i32 to vector<256x1xi32>
    %add3A_121 = arith.addi %convert_element_type3A_119, %add3A_120 : vector<256x1xi32>
    %swap3A_122 = arith.constant 0 : index
    %swap3A_123 = arith.constant 2 : index
    %swap3A_124 = vector.load %arg8[%swap3A_122, %swap3A_123] : memref<256x32xi32, #tpu.memory_space<vmem>>, vector<256x1xi32>
    tpu.vector_store %arg8[%swap3A_122, %swap3A_123], %add3A_121 {strides = array<i32>} : memref<256x32xi32, #tpu.memory_space<vmem>>, vector<256x1xi32>,
    %eq3A_125 = vector.broadcast %broadcast_in_dim3A_114 : vector<256x1xf32> to vector<256x4096xf32>
    %eq3A_126 = arith.cmpf oeq, %convert_element_type3A_75, %eq3A_125 : vector<256x4096xf32>
    %jit3A_127 = arith.constant 4.096000e+03 : f32
    %broadcast_in_dim3A_128 = vector.broadcast %jit3A_127 : f32 to vector<256x4096xf32>
    %select_n3A_129 = arith.select %eq3A_126, %broadcast_in_dim3A_128, %select_n3A_111 : vector<256x4096xi1>, vector<256x4096xf32>
    %reduce_min3A_130 = arith.constant dense<0x7F800000> : vector<256xf32>
    %reduce_min3A_131 = vector.multi_reduction <minimumf>, %select_n3A_129, %reduce_min3A_130 [1] : vector<256x4096xf32> to vector<256xf32>
    %broadcast_in_dim3A_132 = vector.shape_cast %reduce_min3A_131 : vector<256xf32> to vector<256x1xf32>
    %ge3A_133 = arith.constant 4.096000e+03 : f32
    %ge3A_134 = vector.broadcast %ge3A_133 : f32 to vector<256x1xf32>
    %ge3A_135 = arith.cmpf oge, %broadcast_in_dim3A_132, %ge3A_134 : vector<256x1xf32>
    %select_n3A_136 = arith.select %ge3A_135, %broadcast_in_dim3A_84, %broadcast_in_dim3A_132 : vector<256x1xi1>, vector<256x1xf32>
    %convert_element_type3A_137 = arith.fptosi %select_n3A_136 : vector<256x1xf32> to vector<256x1xi32>
    %add3A_138 = vector.broadcast %mul3A_82 : i32 to vector<256x1xi32>
    %add3A_139 = arith.addi %convert_element_type3A_137, %add3A_138 : vector<256x1xi32>
    %swap3A_140 = arith.constant 0 : index
    %swap3A_141 = arith.constant 3 : index
    %swap3A_142 = vector.load %arg8[%swap3A_140, %swap3A_141] : memref<256x32xi32, #tpu.memory_space<vmem>>, vector<256x1xi32>
    tpu.vector_store %arg8[%swap3A_140, %swap3A_141], %add3A_139 {strides = array<i32>} : memref<256x32xi32, #tpu.memory_space<vmem>>, vector<256x1xi32>,
    %eq3A_143 = vector.broadcast %broadcast_in_dim3A_132 : vector<256x1xf32> to vector<256x4096xf32>
    %eq3A_144 = arith.cmpf oeq, %convert_element_type3A_75, %eq3A_143 : vector<256x4096xf32>
    %jit3A_145 = arith.constant 4.096000e+03 : f32
    %broadcast_in_dim3A_146 = vector.broadcast %jit3A_145 : f32 to vector<256x4096xf32>
    %select_n3A_147 = arith.select %eq3A_144, %broadcast_in_dim3A_146, %select_n3A_129 : vector<256x4096xi1>, vector<256x4096xf32>
    %reduce_min3A_148 = arith.constant dense<0x7F800000> : vector<256xf32>
    %reduce_min3A_149 = vector.multi_reduction <minimumf>, %select_n3A_147, %reduce_min3A_148 [1] : vector<256x4096xf32> to vector<256xf32>
    %broadcast_in_dim3A_150 = vector.shape_cast %reduce_min3A_149 : vector<256xf32> to vector<256x1xf32>
    %ge3A_151 = arith.constant 4.096000e+03 : f32
    %ge3A_152 = vector.broadcast %ge3A_151 : f32 to vector<256x1xf32>
    %ge3A_153 = arith.cmpf oge, %broadcast_in_dim3A_150, %ge3A_152 : vector<256x1xf32>
    %select_n3A_154 = arith.select %ge3A_153, %broadcast_in_dim3A_84, %broadcast_in_dim3A_150 : vector<256x1xi1>, vector<256x1xf32>
    %convert_element_type3A_155 = arith.fptosi %select_n3A_154 : vector<256x1xf32> to vector<256x1xi32>
    %add3A_156 = vector.broadcast %mul3A_82 : i32 to vector<256x1xi32>
    %add3A_157 = arith.addi %convert_element_type3A_155, %add3A_156 : vector<256x1xi32>
    %swap3A_158 = arith.constant 0 : index
    %swap3A_159 = arith.constant 4 : index
    %swap3A_160 = vector.load %arg8[%swap3A_158, %swap3A_159] : memref<256x32xi32, #tpu.memory_space<vmem>>, vector<256x1xi32>
    tpu.vector_store %arg8[%swap3A_158, %swap3A_159], %add3A_157 {strides = array<i32>} : memref<256x32xi32, #tpu.memory_space<vmem>>, vector<256x1xi32>,
    %eq3A_161 = vector.broadcast %broadcast_in_dim3A_150 : vector<256x1xf32> to vector<256x4096xf32>
    %eq3A_162 = arith.cmpf oeq, %convert_element_type3A_75, %eq3A_161 : vector<256x4096xf32>
    %jit3A_163 = arith.constant 4.096000e+03 : f32
    %broadcast_in_dim3A_164 = vector.broadcast %jit3A_163 : f32 to vector<256x4096xf32>
    %select_n3A_165 = arith.select %eq3A_162, %broadcast_in_dim3A_164, %select_n3A_147 : vector<256x4096xi1>, vector<256x4096xf32>
    %reduce_min3A_166 = arith.constant dense<0x7F800000> : vector<256xf32>
    %reduce_min3A_167 = vector.multi_reduction <minimumf>, %select_n3A_165, %reduce_min3A_166 [1] : vector<256x4096xf32> to vector<256xf32>
    %broadcast_in_dim3A_168 = vector.shape_cast %reduce_min3A_167 : vector<256xf32> to vector<256x1xf32>
    %ge3A_169 = arith.constant 4.096000e+03 : f32
    %ge3A_170 = vector.broadcast %ge3A_169 : f32 to vector<256x1xf32>
    %ge3A_171 = arith.cmpf oge, %broadcast_in_dim3A_168, %ge3A_170 : vector<256x1xf32>
    %select_n3A_172 = arith.select %ge3A_171, %broadcast_in_dim3A_84, %broadcast_in_dim3A_168 : vector<256x1xi1>, vector<256x1xf32>
    %convert_element_type3A_173 = arith.fptosi %select_n3A_172 : vector<256x1xf32> to vector<256x1xi32>
    %add3A_174 = vector.broadcast %mul3A_82 : i32 to vector<256x1xi32>
    %add3A_175 = arith.addi %convert_element_type3A_173, %add3A_174 : vector<256x1xi32>
    %swap3A_176 = arith.constant 0 : index
    %swap3A_177 = arith.constant 5 : index
    %swap3A_178 = vector.load %arg8[%swap3A_176, %swap3A_177] : memref<256x32xi32, #tpu.memory_space<vmem>>, vector<256x1xi32>
    tpu.vector_store %arg8[%swap3A_176, %swap3A_177], %add3A_175 {strides = array<i32>} : memref<256x32xi32, #tpu.memory_space<vmem>>, vector<256x1xi32>,
    %eq3A_179 = vector.broadcast %broadcast_in_dim3A_168 : vector<256x1xf32> to vector<256x4096xf32>
    %eq3A_180 = arith.cmpf oeq, %convert_element_type3A_75, %eq3A_179 : vector<256x4096xf32>
    %jit3A_181 = arith.constant 4.096000e+03 : f32
    %broadcast_in_dim3A_182 = vector.broadcast %jit3A_181 : f32 to vector<256x4096xf32>
    %select_n3A_183 = arith.select %eq3A_180, %broadcast_in_dim3A_182, %select_n3A_165 : vector<256x4096xi1>, vector<256x4096xf32>
    %reduce_min3A_184 = arith.constant dense<0x7F800000> : vector<256xf32>
    %reduce_min3A_185 = vector.multi_reduction <minimumf>, %select_n3A_183, %reduce_min3A_184 [1] : vector<256x4096xf32> to vector<256xf32>
    %broadcast_in_dim3A_186 = vector.shape_cast %reduce_min3A_185 : vector<256xf32> to vector<256x1xf32>
    %ge3A_187 = arith.constant 4.096000e+03 : f32
    %ge3A_188 = vector.broadcast %ge3A_187 : f32 to vector<256x1xf32>
    %ge3A_189 = arith.cmpf oge, %broadcast_in_dim3A_186, %ge3A_188 : vector<256x1xf32>
    %select_n3A_190 = arith.select %ge3A_189, %broadcast_in_dim3A_84, %broadcast_in_dim3A_186 : vector<256x1xi1>, vector<256x1xf32>
    %convert_element_type3A_191 = arith.fptosi %select_n3A_190 : vector<256x1xf32> to vector<256x1xi32>
    %add3A_192 = vector.broadcast %mul3A_82 : i32 to vector<256x1xi32>
    %add3A_193 = arith.addi %convert_element_type3A_191, %add3A_192 : vector<256x1xi32>
    %swap3A_194 = arith.constant 0 : index
    %swap3A_195 = arith.constant 6 : index
    %swap3A_196 = vector.load %arg8[%swap3A_194, %swap3A_195] : memref<256x32xi32, #tpu.memory_space<vmem>>, vector<256x1xi32>
    tpu.vector_store %arg8[%swap3A_194, %swap3A_195], %add3A_193 {strides = array<i32>} : memref<256x32xi32, #tpu.memory_space<vmem>>, vector<256x1xi32>,
    %eq3A_197 = vector.broadcast %broadcast_in_dim3A_186 : vector<256x1xf32> to vector<256x4096xf32>
    %eq3A_198 = arith.cmpf oeq, %convert_element_type3A_75, %eq3A_197 : vector<256x4096xf32>
    %jit3A_199 = arith.constant 4.096000e+03 : f32
    %broadcast_in_dim3A_200 = vector.broadcast %jit3A_199 : f32 to vector<256x4096xf32>
    %select_n3A_201 = arith.select %eq3A_198, %broadcast_in_dim3A_200, %select_n3A_183 : vector<256x4096xi1>, vector<256x4096xf32>
    %reduce_min3A_202 = arith.constant dense<0x7F800000> : vector<256xf32>
    %reduce_min3A_203 = vector.multi_reduction <minimumf>, %select_n3A_201, %reduce_min3A_202 [1] : vector<256x4096xf32> to vector<256xf32>
    %broadcast_in_dim3A_204 = vector.shape_cast %reduce_min3A_203 : vector<256xf32> to vector<256x1xf32>
    %ge3A_205 = arith.constant 4.096000e+03 : f32
    %ge3A_206 = vector.broadcast %ge3A_205 : f32 to vector<256x1xf32>
    %ge3A_207 = arith.cmpf oge, %broadcast_in_dim3A_204, %ge3A_206 : vector<256x1xf32>
    %select_n3A_208 = arith.select %ge3A_207, %broadcast_in_dim3A_84, %broadcast_in_dim3A_204 : vector<256x1xi1>, vector<256x1xf32>
    %convert_element_type3A_209 = arith.fptosi %select_n3A_208 : vector<256x1xf32> to vector<256x1xi32>
    %add3A_210 = vector.broadcast %mul3A_82 : i32 to vector<256x1xi32>
    %add3A_211 = arith.addi %convert_element_type3A_209, %add3A_210 : vector<256x1xi32>
    %swap3A_212 = arith.constant 0 : index
    %swap3A_213 = arith.constant 7 : index
    %swap3A_214 = vector.load %arg8[%swap3A_212, %swap3A_213] : memref<256x32xi32, #tpu.memory_space<vmem>>, vector<256x1xi32>
    tpu.vector_store %arg8[%swap3A_212, %swap3A_213], %add3A_211 {strides = array<i32>} : memref<256x32xi32, #tpu.memory_space<vmem>>, vector<256x1xi32>,
    %eq3A_215 = vector.broadcast %broadcast_in_dim3A_204 : vector<256x1xf32> to vector<256x4096xf32>
    %eq3A_216 = arith.cmpf oeq, %convert_element_type3A_75, %eq3A_215 : vector<256x4096xf32>
    %jit3A_217 = arith.constant 4.096000e+03 : f32
    %broadcast_in_dim3A_218 = vector.broadcast %jit3A_217 : f32 to vector<256x4096xf32>
    %select_n3A_219 = arith.select %eq3A_216, %broadcast_in_dim3A_218, %select_n3A_201 : vector<256x4096xi1>, vector<256x4096xf32>
    %reduce_min3A_220 = arith.constant dense<0x7F800000> : vector<256xf32>
    %reduce_min3A_221 = vector.multi_reduction <minimumf>, %select_n3A_219, %reduce_min3A_220 [1] : vector<256x4096xf32> to vector<256xf32>
    %broadcast_in_dim3A_222 = vector.shape_cast %reduce_min3A_221 : vector<256xf32> to vector<256x1xf32>
    %ge3A_223 = arith.constant 4.096000e+03 : f32
    %ge3A_224 = vector.broadcast %ge3A_223 : f32 to vector<256x1xf32>
    %ge3A_225 = arith.cmpf oge, %broadcast_in_dim3A_222, %ge3A_224 : vector<256x1xf32>
    %select_n3A_226 = arith.select %ge3A_225, %broadcast_in_dim3A_84, %broadcast_in_dim3A_222 : vector<256x1xi1>, vector<256x1xf32>
    %convert_element_type3A_227 = arith.fptosi %select_n3A_226 : vector<256x1xf32> to vector<256x1xi32>
    %add3A_228 = vector.broadcast %mul3A_82 : i32 to vector<256x1xi32>
    %add3A_229 = arith.addi %convert_element_type3A_227, %add3A_228 : vector<256x1xi32>
    %swap3A_230 = arith.constant 0 : index
    %swap3A_231 = arith.constant 8 : index
    %swap3A_232 = vector.load %arg8[%swap3A_230, %swap3A_231] : memref<256x32xi32, #tpu.memory_space<vmem>>, vector<256x1xi32>
    tpu.vector_store %arg8[%swap3A_230, %swap3A_231], %add3A_229 {strides = array<i32>} : memref<256x32xi32, #tpu.memory_space<vmem>>, vector<256x1xi32>,
    %eq3A_233 = vector.broadcast %broadcast_in_dim3A_222 : vector<256x1xf32> to vector<256x4096xf32>
    %eq3A_234 = arith.cmpf oeq, %convert_element_type3A_75, %eq3A_233 : vector<256x4096xf32>
    %jit3A_235 = arith.constant 4.096000e+03 : f32
    %broadcast_in_dim3A_236 = vector.broadcast %jit3A_235 : f32 to vector<256x4096xf32>
    %select_n3A_237 = arith.select %eq3A_234, %broadcast_in_dim3A_236, %select_n3A_219 : vector<256x4096xi1>, vector<256x4096xf32>
    %reduce_min3A_238 = arith.constant dense<0x7F800000> : vector<256xf32>
    %reduce_min3A_239 = vector.multi_reduction <minimumf>, %select_n3A_237, %reduce_min3A_238 [1] : vector<256x4096xf32> to vector<256xf32>
    %broadcast_in_dim3A_240 = vector.shape_cast %reduce_min3A_239 : vector<256xf32> to vector<256x1xf32>
    %ge3A_241 = arith.constant 4.096000e+03 : f32
    %ge3A_242 = vector.broadcast %ge3A_241 : f32 to vector<256x1xf32>
    %ge3A_243 = arith.cmpf oge, %broadcast_in_dim3A_240, %ge3A_242 : vector<256x1xf32>
    %select_n3A_244 = arith.select %ge3A_243, %broadcast_in_dim3A_84, %broadcast_in_dim3A_240 : vector<256x1xi1>, vector<256x1xf32>
    %convert_element_type3A_245 = arith.fptosi %select_n3A_244 : vector<256x1xf32> to vector<256x1xi32>
    %add3A_246 = vector.broadcast %mul3A_82 : i32 to vector<256x1xi32>
    %add3A_247 = arith.addi %convert_element_type3A_245, %add3A_246 : vector<256x1xi32>
    %swap3A_248 = arith.constant 0 : index
    %swap3A_249 = arith.constant 9 : index
    %swap3A_250 = vector.load %arg8[%swap3A_248, %swap3A_249] : memref<256x32xi32, #tpu.memory_space<vmem>>, vector<256x1xi32>
    tpu.vector_store %arg8[%swap3A_248, %swap3A_249], %add3A_247 {strides = array<i32>} : memref<256x32xi32, #tpu.memory_space<vmem>>, vector<256x1xi32>,
    %eq3A_251 = vector.broadcast %broadcast_in_dim3A_240 : vector<256x1xf32> to vector<256x4096xf32>
    %eq3A_252 = arith.cmpf oeq, %convert_element_type3A_75, %eq3A_251 : vector<256x4096xf32>
    %jit3A_253 = arith.constant 4.096000e+03 : f32
    %broadcast_in_dim3A_254 = vector.broadcast %jit3A_253 : f32 to vector<256x4096xf32>
    %select_n3A_255 = arith.select %eq3A_252, %broadcast_in_dim3A_254, %select_n3A_237 : vector<256x4096xi1>, vector<256x4096xf32>
    %reduce_min3A_256 = arith.constant dense<0x7F800000> : vector<256xf32>
    %reduce_min3A_257 = vector.multi_reduction <minimumf>, %select_n3A_255, %reduce_min3A_256 [1] : vector<256x4096xf32> to vector<256xf32>
    %broadcast_in_dim3A_258 = vector.shape_cast %reduce_min3A_257 : vector<256xf32> to vector<256x1xf32>
    %ge3A_259 = arith.constant 4.096000e+03 : f32
    %ge3A_260 = vector.broadcast %ge3A_259 : f32 to vector<256x1xf32>
    %ge3A_261 = arith.cmpf oge, %broadcast_in_dim3A_258, %ge3A_260 : vector<256x1xf32>
    %select_n3A_262 = arith.select %ge3A_261, %broadcast_in_dim3A_84, %broadcast_in_dim3A_258 : vector<256x1xi1>, vector<256x1xf32>
    %convert_element_type3A_263 = arith.fptosi %select_n3A_262 : vector<256x1xf32> to vector<256x1xi32>
    %add3A_264 = vector.broadcast %mul3A_82 : i32 to vector<256x1xi32>
    %add3A_265 = arith.addi %convert_element_type3A_263, %add3A_264 : vector<256x1xi32>
    %swap3A_266 = arith.constant 0 : index
    %swap3A_267 = arith.constant 10 : index
    %swap3A_268 = vector.load %arg8[%swap3A_266, %swap3A_267] : memref<256x32xi32, #tpu.memory_space<vmem>>, vector<256x1xi32>
    tpu.vector_store %arg8[%swap3A_266, %swap3A_267], %add3A_265 {strides = array<i32>} : memref<256x32xi32, #tpu.memory_space<vmem>>, vector<256x1xi32>,
    %eq3A_269 = vector.broadcast %broadcast_in_dim3A_258 : vector<256x1xf32> to vector<256x4096xf32>
    %eq3A_270 = arith.cmpf oeq, %convert_element_type3A_75, %eq3A_269 : vector<256x4096xf32>
    %jit3A_271 = arith.constant 4.096000e+03 : f32
    %broadcast_in_dim3A_272 = vector.broadcast %jit3A_271 : f32 to vector<256x4096xf32>
    %select_n3A_273 = arith.select %eq3A_270, %broadcast_in_dim3A_272, %select_n3A_255 : vector<256x4096xi1>, vector<256x4096xf32>
    %reduce_min3A_274 = arith.constant dense<0x7F800000> : vector<256xf32>
    %reduce_min3A_275 = vector.multi_reduction <minimumf>, %select_n3A_273, %reduce_min3A_274 [1] : vector<256x4096xf32> to vector<256xf32>
    %broadcast_in_dim3A_276 = vector.shape_cast %reduce_min3A_275 : vector<256xf32> to vector<256x1xf32>
    %ge3A_277 = arith.constant 4.096000e+03 : f32
    %ge3A_278 = vector.broadcast %ge3A_277 : f32 to vector<256x1xf32>
    %ge3A_279 = arith.cmpf oge, %broadcast_in_dim3A_276, %ge3A_278 : vector<256x1xf32>
    %select_n3A_280 = arith.select %ge3A_279, %broadcast_in_dim3A_84, %broadcast_in_dim3A_276 : vector<256x1xi1>, vector<256x1xf32>
    %convert_element_type3A_281 = arith.fptosi %select_n3A_280 : vector<256x1xf32> to vector<256x1xi32>
    %add3A_282 = vector.broadcast %mul3A_82 : i32 to vector<256x1xi32>
    %add3A_283 = arith.addi %convert_element_type3A_281, %add3A_282 : vector<256x1xi32>
    %swap3A_284 = arith.constant 0 : index
    %swap3A_285 = arith.constant 11 : index
    %swap3A_286 = vector.load %arg8[%swap3A_284, %swap3A_285] : memref<256x32xi32, #tpu.memory_space<vmem>>, vector<256x1xi32>
    tpu.vector_store %arg8[%swap3A_284, %swap3A_285], %add3A_283 {strides = array<i32>} : memref<256x32xi32, #tpu.memory_space<vmem>>, vector<256x1xi32>,
    %eq3A_287 = vector.broadcast %broadcast_in_dim3A_276 : vector<256x1xf32> to vector<256x4096xf32>
    %eq3A_288 = arith.cmpf oeq, %convert_element_type3A_75, %eq3A_287 : vector<256x4096xf32>
    %jit3A_289 = arith.constant 4.096000e+03 : f32
    %broadcast_in_dim3A_290 = vector.broadcast %jit3A_289 : f32 to vector<256x4096xf32>
    %select_n3A_291 = arith.select %eq3A_288, %broadcast_in_dim3A_290, %select_n3A_273 : vector<256x4096xi1>, vector<256x4096xf32>
    %reduce_min3A_292 = arith.constant dense<0x7F800000> : vector<256xf32>
    %reduce_min3A_293 = vector.multi_reduction <minimumf>, %select_n3A_291, %reduce_min3A_292 [1] : vector<256x4096xf32> to vector<256xf32>
    %broadcast_in_dim3A_294 = vector.shape_cast %reduce_min3A_293 : vector<256xf32> to vector<256x1xf32>
    %ge3A_295 = arith.constant 4.096000e+03 : f32
    %ge3A_296 = vector.broadcast %ge3A_295 : f32 to vector<256x1xf32>
    %ge3A_297 = arith.cmpf oge, %broadcast_in_dim3A_294, %ge3A_296 : vector<256x1xf32>
    %select_n3A_298 = arith.select %ge3A_297, %broadcast_in_dim3A_84, %broadcast_in_dim3A_294 : vector<256x1xi1>, vector<256x1xf32>
    %convert_element_type3A_299 = arith.fptosi %select_n3A_298 : vector<256x1xf32> to vector<256x1xi32>
    %add3A_300 = vector.broadcast %mul3A_82 : i32 to vector<256x1xi32>
    %add3A_301 = arith.addi %convert_element_type3A_299, %add3A_300 : vector<256x1xi32>
    %swap3A_302 = arith.constant 0 : index
    %swap3A_303 = arith.constant 12 : index
    %swap3A_304 = vector.load %arg8[%swap3A_302, %swap3A_303] : memref<256x32xi32, #tpu.memory_space<vmem>>, vector<256x1xi32>
    tpu.vector_store %arg8[%swap3A_302, %swap3A_303], %add3A_301 {strides = array<i32>} : memref<256x32xi32, #tpu.memory_space<vmem>>, vector<256x1xi32>,
    %eq3A_305 = vector.broadcast %broadcast_in_dim3A_294 : vector<256x1xf32> to vector<256x4096xf32>
    %eq3A_306 = arith.cmpf oeq, %convert_element_type3A_75, %eq3A_305 : vector<256x4096xf32>
    %jit3A_307 = arith.constant 4.096000e+03 : f32
    %broadcast_in_dim3A_308 = vector.broadcast %jit3A_307 : f32 to vector<256x4096xf32>
    %select_n3A_309 = arith.select %eq3A_306, %broadcast_in_dim3A_308, %select_n3A_291 : vector<256x4096xi1>, vector<256x4096xf32>
    %reduce_min3A_310 = arith.constant dense<0x7F800000> : vector<256xf32>
    %reduce_min3A_311 = vector.multi_reduction <minimumf>, %select_n3A_309, %reduce_min3A_310 [1] : vector<256x4096xf32> to vector<256xf32>
    %broadcast_in_dim3A_312 = vector.shape_cast %reduce_min3A_311 : vector<256xf32> to vector<256x1xf32>
    %ge3A_313 = arith.constant 4.096000e+03 : f32
    %ge3A_314 = vector.broadcast %ge3A_313 : f32 to vector<256x1xf32>
    %ge3A_315 = arith.cmpf oge, %broadcast_in_dim3A_312, %ge3A_314 : vector<256x1xf32>
    %select_n3A_316 = arith.select %ge3A_315, %broadcast_in_dim3A_84, %broadcast_in_dim3A_312 : vector<256x1xi1>, vector<256x1xf32>
    %convert_element_type3A_317 = arith.fptosi %select_n3A_316 : vector<256x1xf32> to vector<256x1xi32>
    %add3A_318 = vector.broadcast %mul3A_82 : i32 to vector<256x1xi32>
    %add3A_319 = arith.addi %convert_element_type3A_317, %add3A_318 : vector<256x1xi32>
    %swap3A_320 = arith.constant 0 : index
    %swap3A_321 = arith.constant 13 : index
    %swap3A_322 = vector.load %arg8[%swap3A_320, %swap3A_321] : memref<256x32xi32, #tpu.memory_space<vmem>>, vector<256x1xi32>
    tpu.vector_store %arg8[%swap3A_320, %swap3A_321], %add3A_319 {strides = array<i32>} : memref<256x32xi32, #tpu.memory_space<vmem>>, vector<256x1xi32>,
    %eq3A_323 = vector.broadcast %broadcast_in_dim3A_312 : vector<256x1xf32> to vector<256x4096xf32>
    %eq3A_324 = arith.cmpf oeq, %convert_element_type3A_75, %eq3A_323 : vector<256x4096xf32>
    %jit3A_325 = arith.constant 4.096000e+03 : f32
    %broadcast_in_dim3A_326 = vector.broadcast %jit3A_325 : f32 to vector<256x4096xf32>
    %select_n3A_327 = arith.select %eq3A_324, %broadcast_in_dim3A_326, %select_n3A_309 : vector<256x4096xi1>, vector<256x4096xf32>
    %reduce_min3A_328 = arith.constant dense<0x7F800000> : vector<256xf32>
    %reduce_min3A_329 = vector.multi_reduction <minimumf>, %select_n3A_327, %reduce_min3A_328 [1] : vector<256x4096xf32> to vector<256xf32>
    %broadcast_in_dim3A_330 = vector.shape_cast %reduce_min3A_329 : vector<256xf32> to vector<256x1xf32>
    %ge3A_331 = arith.constant 4.096000e+03 : f32
    %ge3A_332 = vector.broadcast %ge3A_331 : f32 to vector<256x1xf32>
    %ge3A_333 = arith.cmpf oge, %broadcast_in_dim3A_330, %ge3A_332 : vector<256x1xf32>
    %select_n3A_334 = arith.select %ge3A_333, %broadcast_in_dim3A_84, %broadcast_in_dim3A_330 : vector<256x1xi1>, vector<256x1xf32>
    %convert_element_type3A_335 = arith.fptosi %select_n3A_334 : vector<256x1xf32> to vector<256x1xi32>
    %add3A_336 = vector.broadcast %mul3A_82 : i32 to vector<256x1xi32>
    %add3A_337 = arith.addi %convert_element_type3A_335, %add3A_336 : vector<256x1xi32>
    %swap3A_338 = arith.constant 0 : index
    %swap3A_339 = arith.constant 14 : index
    %swap3A_340 = vector.load %arg8[%swap3A_338, %swap3A_339] : memref<256x32xi32, #tpu.memory_space<vmem>>, vector<256x1xi32>
    tpu.vector_store %arg8[%swap3A_338, %swap3A_339], %add3A_337 {strides = array<i32>} : memref<256x32xi32, #tpu.memory_space<vmem>>, vector<256x1xi32>,
    %eq3A_341 = vector.broadcast %broadcast_in_dim3A_330 : vector<256x1xf32> to vector<256x4096xf32>
    %eq3A_342 = arith.cmpf oeq, %convert_element_type3A_75, %eq3A_341 : vector<256x4096xf32>
    %jit3A_343 = arith.constant 4.096000e+03 : f32
    %broadcast_in_dim3A_344 = vector.broadcast %jit3A_343 : f32 to vector<256x4096xf32>
    %select_n3A_345 = arith.select %eq3A_342, %broadcast_in_dim3A_344, %select_n3A_327 : vector<256x4096xi1>, vector<256x4096xf32>
    %reduce_min3A_346 = arith.constant dense<0x7F800000> : vector<256xf32>
    %reduce_min3A_347 = vector.multi_reduction <minimumf>, %select_n3A_345, %reduce_min3A_346 [1] : vector<256x4096xf32> to vector<256xf32>
    %broadcast_in_dim3A_348 = vector.shape_cast %reduce_min3A_347 : vector<256xf32> to vector<256x1xf32>
    %ge3A_349 = arith.constant 4.096000e+03 : f32
    %ge3A_350 = vector.broadcast %ge3A_349 : f32 to vector<256x1xf32>
    %ge3A_351 = arith.cmpf oge, %broadcast_in_dim3A_348, %ge3A_350 : vector<256x1xf32>
    %select_n3A_352 = arith.select %ge3A_351, %broadcast_in_dim3A_84, %broadcast_in_dim3A_348 : vector<256x1xi1>, vector<256x1xf32>
    %convert_element_type3A_353 = arith.fptosi %select_n3A_352 : vector<256x1xf32> to vector<256x1xi32>
    %add3A_354 = vector.broadcast %mul3A_82 : i32 to vector<256x1xi32>
    %add3A_355 = arith.addi %convert_element_type3A_353, %add3A_354 : vector<256x1xi32>
    %swap3A_356 = arith.constant 0 : index
    %swap3A_357 = arith.constant 15 : index
    %swap3A_358 = vector.load %arg8[%swap3A_356, %swap3A_357] : memref<256x32xi32, #tpu.memory_space<vmem>>, vector<256x1xi32>
    tpu.vector_store %arg8[%swap3A_356, %swap3A_357], %add3A_355 {strides = array<i32>} : memref<256x32xi32, #tpu.memory_space<vmem>>, vector<256x1xi32>,
    %eq3A_359 = vector.broadcast %broadcast_in_dim3A_348 : vector<256x1xf32> to vector<256x4096xf32>
    %eq3A_360 = arith.cmpf oeq, %convert_element_type3A_75, %eq3A_359 : vector<256x4096xf32>
    %jit3A_361 = arith.constant 4.096000e+03 : f32
    %broadcast_in_dim3A_362 = vector.broadcast %jit3A_361 : f32 to vector<256x4096xf32>
    %select_n3A_363 = arith.select %eq3A_360, %broadcast_in_dim3A_362, %select_n3A_345 : vector<256x4096xi1>, vector<256x4096xf32>
    %reduce_min3A_364 = arith.constant dense<0x7F800000> : vector<256xf32>
    %reduce_min3A_365 = vector.multi_reduction <minimumf>, %select_n3A_363, %reduce_min3A_364 [1] : vector<256x4096xf32> to vector<256xf32>
    %broadcast_in_dim3A_366 = vector.shape_cast %reduce_min3A_365 : vector<256xf32> to vector<256x1xf32>
    %ge3A_367 = arith.constant 4.096000e+03 : f32
    %ge3A_368 = vector.broadcast %ge3A_367 : f32 to vector<256x1xf32>
    %ge3A_369 = arith.cmpf oge, %broadcast_in_dim3A_366, %ge3A_368 : vector<256x1xf32>
    %select_n3A_370 = arith.select %ge3A_369, %broadcast_in_dim3A_84, %broadcast_in_dim3A_366 : vector<256x1xi1>, vector<256x1xf32>
    %convert_element_type3A_371 = arith.fptosi %select_n3A_370 : vector<256x1xf32> to vector<256x1xi32>
    %add3A_372 = vector.broadcast %mul3A_82 : i32 to vector<256x1xi32>
    %add3A_373 = arith.addi %convert_element_type3A_371, %add3A_372 : vector<256x1xi32>
    %swap3A_374 = arith.constant 0 : index
    %swap3A_375 = arith.constant 16 : index
    %swap3A_376 = vector.load %arg8[%swap3A_374, %swap3A_375] : memref<256x32xi32, #tpu.memory_space<vmem>>, vector<256x1xi32>
    tpu.vector_store %arg8[%swap3A_374, %swap3A_375], %add3A_373 {strides = array<i32>} : memref<256x32xi32, #tpu.memory_space<vmem>>, vector<256x1xi32>,
    %eq3A_377 = vector.broadcast %broadcast_in_dim3A_366 : vector<256x1xf32> to vector<256x4096xf32>
    %eq3A_378 = arith.cmpf oeq, %convert_element_type3A_75, %eq3A_377 : vector<256x4096xf32>
    %jit3A_379 = arith.constant 4.096000e+03 : f32
    %broadcast_in_dim3A_380 = vector.broadcast %jit3A_379 : f32 to vector<256x4096xf32>
    %select_n3A_381 = arith.select %eq3A_378, %broadcast_in_dim3A_380, %select_n3A_363 : vector<256x4096xi1>, vector<256x4096xf32>
    %reduce_min3A_382 = arith.constant dense<0x7F800000> : vector<256xf32>
    %reduce_min3A_383 = vector.multi_reduction <minimumf>, %select_n3A_381, %reduce_min3A_382 [1] : vector<256x4096xf32> to vector<256xf32>
    %broadcast_in_dim3A_384 = vector.shape_cast %reduce_min3A_383 : vector<256xf32> to vector<256x1xf32>
    %ge3A_385 = arith.constant 4.096000e+03 : f32
    %ge3A_386 = vector.broadcast %ge3A_385 : f32 to vector<256x1xf32>
    %ge3A_387 = arith.cmpf oge, %broadcast_in_dim3A_384, %ge3A_386 : vector<256x1xf32>
    %select_n3A_388 = arith.select %ge3A_387, %broadcast_in_dim3A_84, %broadcast_in_dim3A_384 : vector<256x1xi1>, vector<256x1xf32>
    %convert_element_type3A_389 = arith.fptosi %select_n3A_388 : vector<256x1xf32> to vector<256x1xi32>
    %add3A_390 = vector.broadcast %mul3A_82 : i32 to vector<256x1xi32>
    %add3A_391 = arith.addi %convert_element_type3A_389, %add3A_390 : vector<256x1xi32>
    %swap3A_392 = arith.constant 0 : index
    %swap3A_393 = arith.constant 17 : index
    %swap3A_394 = vector.load %arg8[%swap3A_392, %swap3A_393] : memref<256x32xi32, #tpu.memory_space<vmem>>, vector<256x1xi32>
    tpu.vector_store %arg8[%swap3A_392, %swap3A_393], %add3A_391 {strides = array<i32>} : memref<256x32xi32, #tpu.memory_space<vmem>>, vector<256x1xi32>,
    %eq3A_395 = vector.broadcast %broadcast_in_dim3A_384 : vector<256x1xf32> to vector<256x4096xf32>
    %eq3A_396 = arith.cmpf oeq, %convert_element_type3A_75, %eq3A_395 : vector<256x4096xf32>
    %jit3A_397 = arith.constant 4.096000e+03 : f32
    %broadcast_in_dim3A_398 = vector.broadcast %jit3A_397 : f32 to vector<256x4096xf32>
    %select_n3A_399 = arith.select %eq3A_396, %broadcast_in_dim3A_398, %select_n3A_381 : vector<256x4096xi1>, vector<256x4096xf32>
    %reduce_min3A_400 = arith.constant dense<0x7F800000> : vector<256xf32>
    %reduce_min3A_401 = vector.multi_reduction <minimumf>, %select_n3A_399, %reduce_min3A_400 [1] : vector<256x4096xf32> to vector<256xf32>
    %broadcast_in_dim3A_402 = vector.shape_cast %reduce_min3A_401 : vector<256xf32> to vector<256x1xf32>
    %ge3A_403 = arith.constant 4.096000e+03 : f32
    %ge3A_404 = vector.broadcast %ge3A_403 : f32 to vector<256x1xf32>
    %ge3A_405 = arith.cmpf oge, %broadcast_in_dim3A_402, %ge3A_404 : vector<256x1xf32>
    %select_n3A_406 = arith.select %ge3A_405, %broadcast_in_dim3A_84, %broadcast_in_dim3A_402 : vector<256x1xi1>, vector<256x1xf32>
    %convert_element_type3A_407 = arith.fptosi %select_n3A_406 : vector<256x1xf32> to vector<256x1xi32>
    %add3A_408 = vector.broadcast %mul3A_82 : i32 to vector<256x1xi32>
    %add3A_409 = arith.addi %convert_element_type3A_407, %add3A_408 : vector<256x1xi32>
    %swap3A_410 = arith.constant 0 : index
    %swap3A_411 = arith.constant 18 : index
    %swap3A_412 = vector.load %arg8[%swap3A_410, %swap3A_411] : memref<256x32xi32, #tpu.memory_space<vmem>>, vector<256x1xi32>
    tpu.vector_store %arg8[%swap3A_410, %swap3A_411], %add3A_409 {strides = array<i32>} : memref<256x32xi32, #tpu.memory_space<vmem>>, vector<256x1xi32>,
    %eq3A_413 = vector.broadcast %broadcast_in_dim3A_402 : vector<256x1xf32> to vector<256x4096xf32>
    %eq3A_414 = arith.cmpf oeq, %convert_element_type3A_75, %eq3A_413 : vector<256x4096xf32>
    %jit3A_415 = arith.constant 4.096000e+03 : f32
    %broadcast_in_dim3A_416 = vector.broadcast %jit3A_415 : f32 to vector<256x4096xf32>
    %select_n3A_417 = arith.select %eq3A_414, %broadcast_in_dim3A_416, %select_n3A_399 : vector<256x4096xi1>, vector<256x4096xf32>
    %reduce_min3A_418 = arith.constant dense<0x7F800000> : vector<256xf32>
    %reduce_min3A_419 = vector.multi_reduction <minimumf>, %select_n3A_417, %reduce_min3A_418 [1] : vector<256x4096xf32> to vector<256xf32>
    %broadcast_in_dim3A_420 = vector.shape_cast %reduce_min3A_419 : vector<256xf32> to vector<256x1xf32>
    %ge3A_421 = arith.constant 4.096000e+03 : f32
    %ge3A_422 = vector.broadcast %ge3A_421 : f32 to vector<256x1xf32>
    %ge3A_423 = arith.cmpf oge, %broadcast_in_dim3A_420, %ge3A_422 : vector<256x1xf32>
    %select_n3A_424 = arith.select %ge3A_423, %broadcast_in_dim3A_84, %broadcast_in_dim3A_420 : vector<256x1xi1>, vector<256x1xf32>
    %convert_element_type3A_425 = arith.fptosi %select_n3A_424 : vector<256x1xf32> to vector<256x1xi32>
    %add3A_426 = vector.broadcast %mul3A_82 : i32 to vector<256x1xi32>
    %add3A_427 = arith.addi %convert_element_type3A_425, %add3A_426 : vector<256x1xi32>
    %swap3A_428 = arith.constant 0 : index
    %swap3A_429 = arith.constant 19 : index
    %swap3A_430 = vector.load %arg8[%swap3A_428, %swap3A_429] : memref<256x32xi32, #tpu.memory_space<vmem>>, vector<256x1xi32>
    tpu.vector_store %arg8[%swap3A_428, %swap3A_429], %add3A_427 {strides = array<i32>} : memref<256x32xi32, #tpu.memory_space<vmem>>, vector<256x1xi32>,
    %eq3A_431 = vector.broadcast %broadcast_in_dim3A_420 : vector<256x1xf32> to vector<256x4096xf32>
    %eq3A_432 = arith.cmpf oeq, %convert_element_type3A_75, %eq3A_431 : vector<256x4096xf32>
    %jit3A_433 = arith.constant 4.096000e+03 : f32
    %broadcast_in_dim3A_434 = vector.broadcast %jit3A_433 : f32 to vector<256x4096xf32>
    %select_n3A_435 = arith.select %eq3A_432, %broadcast_in_dim3A_434, %select_n3A_417 : vector<256x4096xi1>, vector<256x4096xf32>
    %reduce_min3A_436 = arith.constant dense<0x7F800000> : vector<256xf32>
    %reduce_min3A_437 = vector.multi_reduction <minimumf>, %select_n3A_435, %reduce_min3A_436 [1] : vector<256x4096xf32> to vector<256xf32>
    %broadcast_in_dim3A_438 = vector.shape_cast %reduce_min3A_437 : vector<256xf32> to vector<256x1xf32>
    %ge3A_439 = arith.constant 4.096000e+03 : f32
    %ge3A_440 = vector.broadcast %ge3A_439 : f32 to vector<256x1xf32>
    %ge3A_441 = arith.cmpf oge, %broadcast_in_dim3A_438, %ge3A_440 : vector<256x1xf32>
    %select_n3A_442 = arith.select %ge3A_441, %broadcast_in_dim3A_84, %broadcast_in_dim3A_438 : vector<256x1xi1>, vector<256x1xf32>
    %convert_element_type3A_443 = arith.fptosi %select_n3A_442 : vector<256x1xf32> to vector<256x1xi32>
    %add3A_444 = vector.broadcast %mul3A_82 : i32 to vector<256x1xi32>
    %add3A_445 = arith.addi %convert_element_type3A_443, %add3A_444 : vector<256x1xi32>
    %swap3A_446 = arith.constant 0 : index
    %swap3A_447 = arith.constant 20 : index
    %swap3A_448 = vector.load %arg8[%swap3A_446, %swap3A_447] : memref<256x32xi32, #tpu.memory_space<vmem>>, vector<256x1xi32>
    tpu.vector_store %arg8[%swap3A_446, %swap3A_447], %add3A_445 {strides = array<i32>} : memref<256x32xi32, #tpu.memory_space<vmem>>, vector<256x1xi32>,
    %eq3A_449 = vector.broadcast %broadcast_in_dim3A_438 : vector<256x1xf32> to vector<256x4096xf32>
    %eq3A_450 = arith.cmpf oeq, %convert_element_type3A_75, %eq3A_449 : vector<256x4096xf32>
    %jit3A_451 = arith.constant 4.096000e+03 : f32
    %broadcast_in_dim3A_452 = vector.broadcast %jit3A_451 : f32 to vector<256x4096xf32>
    %select_n3A_453 = arith.select %eq3A_450, %broadcast_in_dim3A_452, %select_n3A_435 : vector<256x4096xi1>, vector<256x4096xf32>
    %reduce_min3A_454 = arith.constant dense<0x7F800000> : vector<256xf32>
    %reduce_min3A_455 = vector.multi_reduction <minimumf>, %select_n3A_453, %reduce_min3A_454 [1] : vector<256x4096xf32> to vector<256xf32>
    %broadcast_in_dim3A_456 = vector.shape_cast %reduce_min3A_455 : vector<256xf32> to vector<256x1xf32>
    %ge3A_457 = arith.constant 4.096000e+03 : f32
    %ge3A_458 = vector.broadcast %ge3A_457 : f32 to vector<256x1xf32>
    %ge3A_459 = arith.cmpf oge, %broadcast_in_dim3A_456, %ge3A_458 : vector<256x1xf32>
    %select_n3A_460 = arith.select %ge3A_459, %broadcast_in_dim3A_84, %broadcast_in_dim3A_456 : vector<256x1xi1>, vector<256x1xf32>
    %convert_element_type3A_461 = arith.fptosi %select_n3A_460 : vector<256x1xf32> to vector<256x1xi32>
    %add3A_462 = vector.broadcast %mul3A_82 : i32 to vector<256x1xi32>
    %add3A_463 = arith.addi %convert_element_type3A_461, %add3A_462 : vector<256x1xi32>
    %swap3A_464 = arith.constant 0 : index
    %swap3A_465 = arith.constant 21 : index
    %swap3A_466 = vector.load %arg8[%swap3A_464, %swap3A_465] : memref<256x32xi32, #tpu.memory_space<vmem>>, vector<256x1xi32>
    tpu.vector_store %arg8[%swap3A_464, %swap3A_465], %add3A_463 {strides = array<i32>} : memref<256x32xi32, #tpu.memory_space<vmem>>, vector<256x1xi32>,
    %eq3A_467 = vector.broadcast %broadcast_in_dim3A_456 : vector<256x1xf32> to vector<256x4096xf32>
    %eq3A_468 = arith.cmpf oeq, %convert_element_type3A_75, %eq3A_467 : vector<256x4096xf32>
    %jit3A_469 = arith.constant 4.096000e+03 : f32
    %broadcast_in_dim3A_470 = vector.broadcast %jit3A_469 : f32 to vector<256x4096xf32>
    %select_n3A_471 = arith.select %eq3A_468, %broadcast_in_dim3A_470, %select_n3A_453 : vector<256x4096xi1>, vector<256x4096xf32>
    %reduce_min3A_472 = arith.constant dense<0x7F800000> : vector<256xf32>
    %reduce_min3A_473 = vector.multi_reduction <minimumf>, %select_n3A_471, %reduce_min3A_472 [1] : vector<256x4096xf32> to vector<256xf32>
    %broadcast_in_dim3A_474 = vector.shape_cast %reduce_min3A_473 : vector<256xf32> to vector<256x1xf32>
    %ge3A_475 = arith.constant 4.096000e+03 : f32
    %ge3A_476 = vector.broadcast %ge3A_475 : f32 to vector<256x1xf32>
    %ge3A_477 = arith.cmpf oge, %broadcast_in_dim3A_474, %ge3A_476 : vector<256x1xf32>
    %select_n3A_478 = arith.select %ge3A_477, %broadcast_in_dim3A_84, %broadcast_in_dim3A_474 : vector<256x1xi1>, vector<256x1xf32>
    %convert_element_type3A_479 = arith.fptosi %select_n3A_478 : vector<256x1xf32> to vector<256x1xi32>
    %add3A_480 = vector.broadcast %mul3A_82 : i32 to vector<256x1xi32>
    %add3A_481 = arith.addi %convert_element_type3A_479, %add3A_480 : vector<256x1xi32>
    %swap3A_482 = arith.constant 0 : index
    %swap3A_483 = arith.constant 22 : index
    %swap3A_484 = vector.load %arg8[%swap3A_482, %swap3A_483] : memref<256x32xi32, #tpu.memory_space<vmem>>, vector<256x1xi32>
    tpu.vector_store %arg8[%swap3A_482, %swap3A_483], %add3A_481 {strides = array<i32>} : memref<256x32xi32, #tpu.memory_space<vmem>>, vector<256x1xi32>,
    %eq3A_485 = vector.broadcast %broadcast_in_dim3A_474 : vector<256x1xf32> to vector<256x4096xf32>
    %eq3A_486 = arith.cmpf oeq, %convert_element_type3A_75, %eq3A_485 : vector<256x4096xf32>
    %jit3A_487 = arith.constant 4.096000e+03 : f32
    %broadcast_in_dim3A_488 = vector.broadcast %jit3A_487 : f32 to vector<256x4096xf32>
    %select_n3A_489 = arith.select %eq3A_486, %broadcast_in_dim3A_488, %select_n3A_471 : vector<256x4096xi1>, vector<256x4096xf32>
    %reduce_min3A_490 = arith.constant dense<0x7F800000> : vector<256xf32>
    %reduce_min3A_491 = vector.multi_reduction <minimumf>, %select_n3A_489, %reduce_min3A_490 [1] : vector<256x4096xf32> to vector<256xf32>
    %broadcast_in_dim3A_492 = vector.shape_cast %reduce_min3A_491 : vector<256xf32> to vector<256x1xf32>
    %ge3A_493 = arith.constant 4.096000e+03 : f32
    %ge3A_494 = vector.broadcast %ge3A_493 : f32 to vector<256x1xf32>
    %ge3A_495 = arith.cmpf oge, %broadcast_in_dim3A_492, %ge3A_494 : vector<256x1xf32>
    %select_n3A_496 = arith.select %ge3A_495, %broadcast_in_dim3A_84, %broadcast_in_dim3A_492 : vector<256x1xi1>, vector<256x1xf32>
    %convert_element_type3A_497 = arith.fptosi %select_n3A_496 : vector<256x1xf32> to vector<256x1xi32>
    %add3A_498 = vector.broadcast %mul3A_82 : i32 to vector<256x1xi32>
    %add3A_499 = arith.addi %convert_element_type3A_497, %add3A_498 : vector<256x1xi32>
    %swap3A_500 = arith.constant 0 : index
    %swap3A_501 = arith.constant 23 : index
    %swap3A_502 = vector.load %arg8[%swap3A_500, %swap3A_501] : memref<256x32xi32, #tpu.memory_space<vmem>>, vector<256x1xi32>
    tpu.vector_store %arg8[%swap3A_500, %swap3A_501], %add3A_499 {strides = array<i32>} : memref<256x32xi32, #tpu.memory_space<vmem>>, vector<256x1xi32>,
    %eq3A_503 = vector.broadcast %broadcast_in_dim3A_492 : vector<256x1xf32> to vector<256x4096xf32>
    %eq3A_504 = arith.cmpf oeq, %convert_element_type3A_75, %eq3A_503 : vector<256x4096xf32>
    %jit3A_505 = arith.constant 4.096000e+03 : f32
    %broadcast_in_dim3A_506 = vector.broadcast %jit3A_505 : f32 to vector<256x4096xf32>
    %select_n3A_507 = arith.select %eq3A_504, %broadcast_in_dim3A_506, %select_n3A_489 : vector<256x4096xi1>, vector<256x4096xf32>
    %reduce_min3A_508 = arith.constant dense<0x7F800000> : vector<256xf32>
    %reduce_min3A_509 = vector.multi_reduction <minimumf>, %select_n3A_507, %reduce_min3A_508 [1] : vector<256x4096xf32> to vector<256xf32>
    %broadcast_in_dim3A_510 = vector.shape_cast %reduce_min3A_509 : vector<256xf32> to vector<256x1xf32>
    %ge3A_511 = arith.constant 4.096000e+03 : f32
    %ge3A_512 = vector.broadcast %ge3A_511 : f32 to vector<256x1xf32>
    %ge3A_513 = arith.cmpf oge, %broadcast_in_dim3A_510, %ge3A_512 : vector<256x1xf32>
    %select_n3A_514 = arith.select %ge3A_513, %broadcast_in_dim3A_84, %broadcast_in_dim3A_510 : vector<256x1xi1>, vector<256x1xf32>
    %convert_element_type3A_515 = arith.fptosi %select_n3A_514 : vector<256x1xf32> to vector<256x1xi32>
    %add3A_516 = vector.broadcast %mul3A_82 : i32 to vector<256x1xi32>
    %add3A_517 = arith.addi %convert_element_type3A_515, %add3A_516 : vector<256x1xi32>
    %swap3A_518 = arith.constant 0 : index
    %swap3A_519 = arith.constant 24 : index
    %swap3A_520 = vector.load %arg8[%swap3A_518, %swap3A_519] : memref<256x32xi32, #tpu.memory_space<vmem>>, vector<256x1xi32>
    tpu.vector_store %arg8[%swap3A_518, %swap3A_519], %add3A_517 {strides = array<i32>} : memref<256x32xi32, #tpu.memory_space<vmem>>, vector<256x1xi32>,
    %eq3A_521 = vector.broadcast %broadcast_in_dim3A_510 : vector<256x1xf32> to vector<256x4096xf32>
    %eq3A_522 = arith.cmpf oeq, %convert_element_type3A_75, %eq3A_521 : vector<256x4096xf32>
    %jit3A_523 = arith.constant 4.096000e+03 : f32
    %broadcast_in_dim3A_524 = vector.broadcast %jit3A_523 : f32 to vector<256x4096xf32>
    %select_n3A_525 = arith.select %eq3A_522, %broadcast_in_dim3A_524, %select_n3A_507 : vector<256x4096xi1>, vector<256x4096xf32>
    %reduce_min3A_526 = arith.constant dense<0x7F800000> : vector<256xf32>
    %reduce_min3A_527 = vector.multi_reduction <minimumf>, %select_n3A_525, %reduce_min3A_526 [1] : vector<256x4096xf32> to vector<256xf32>
    %broadcast_in_dim3A_528 = vector.shape_cast %reduce_min3A_527 : vector<256xf32> to vector<256x1xf32>
    %ge3A_529 = arith.constant 4.096000e+03 : f32
    %ge3A_530 = vector.broadcast %ge3A_529 : f32 to vector<256x1xf32>
    %ge3A_531 = arith.cmpf oge, %broadcast_in_dim3A_528, %ge3A_530 : vector<256x1xf32>
    %select_n3A_532 = arith.select %ge3A_531, %broadcast_in_dim3A_84, %broadcast_in_dim3A_528 : vector<256x1xi1>, vector<256x1xf32>
    %convert_element_type3A_533 = arith.fptosi %select_n3A_532 : vector<256x1xf32> to vector<256x1xi32>
    %add3A_534 = vector.broadcast %mul3A_82 : i32 to vector<256x1xi32>
    %add3A_535 = arith.addi %convert_element_type3A_533, %add3A_534 : vector<256x1xi32>
    %swap3A_536 = arith.constant 0 : index
    %swap3A_537 = arith.constant 25 : index
    %swap3A_538 = vector.load %arg8[%swap3A_536, %swap3A_537] : memref<256x32xi32, #tpu.memory_space<vmem>>, vector<256x1xi32>
    tpu.vector_store %arg8[%swap3A_536, %swap3A_537], %add3A_535 {strides = array<i32>} : memref<256x32xi32, #tpu.memory_space<vmem>>, vector<256x1xi32>,
    %eq3A_539 = vector.broadcast %broadcast_in_dim3A_528 : vector<256x1xf32> to vector<256x4096xf32>
    %eq3A_540 = arith.cmpf oeq, %convert_element_type3A_75, %eq3A_539 : vector<256x4096xf32>
    %jit3A_541 = arith.constant 4.096000e+03 : f32
    %broadcast_in_dim3A_542 = vector.broadcast %jit3A_541 : f32 to vector<256x4096xf32>
    %select_n3A_543 = arith.select %eq3A_540, %broadcast_in_dim3A_542, %select_n3A_525 : vector<256x4096xi1>, vector<256x4096xf32>
    %reduce_min3A_544 = arith.constant dense<0x7F800000> : vector<256xf32>
    %reduce_min3A_545 = vector.multi_reduction <minimumf>, %select_n3A_543, %reduce_min3A_544 [1] : vector<256x4096xf32> to vector<256xf32>
    %broadcast_in_dim3A_546 = vector.shape_cast %reduce_min3A_545 : vector<256xf32> to vector<256x1xf32>
    %ge3A_547 = arith.constant 4.096000e+03 : f32
    %ge3A_548 = vector.broadcast %ge3A_547 : f32 to vector<256x1xf32>
    %ge3A_549 = arith.cmpf oge, %broadcast_in_dim3A_546, %ge3A_548 : vector<256x1xf32>
    %select_n3A_550 = arith.select %ge3A_549, %broadcast_in_dim3A_84, %broadcast_in_dim3A_546 : vector<256x1xi1>, vector<256x1xf32>
    %convert_element_type3A_551 = arith.fptosi %select_n3A_550 : vector<256x1xf32> to vector<256x1xi32>
    %add3A_552 = vector.broadcast %mul3A_82 : i32 to vector<256x1xi32>
    %add3A_553 = arith.addi %convert_element_type3A_551, %add3A_552 : vector<256x1xi32>
    %swap3A_554 = arith.constant 0 : index
    %swap3A_555 = arith.constant 26 : index
    %swap3A_556 = vector.load %arg8[%swap3A_554, %swap3A_555] : memref<256x32xi32, #tpu.memory_space<vmem>>, vector<256x1xi32>
    tpu.vector_store %arg8[%swap3A_554, %swap3A_555], %add3A_553 {strides = array<i32>} : memref<256x32xi32, #tpu.memory_space<vmem>>, vector<256x1xi32>,
    %eq3A_557 = vector.broadcast %broadcast_in_dim3A_546 : vector<256x1xf32> to vector<256x4096xf32>
    %eq3A_558 = arith.cmpf oeq, %convert_element_type3A_75, %eq3A_557 : vector<256x4096xf32>
    %jit3A_559 = arith.constant 4.096000e+03 : f32
    %broadcast_in_dim3A_560 = vector.broadcast %jit3A_559 : f32 to vector<256x4096xf32>
    %select_n3A_561 = arith.select %eq3A_558, %broadcast_in_dim3A_560, %select_n3A_543 : vector<256x4096xi1>, vector<256x4096xf32>
    %reduce_min3A_562 = arith.constant dense<0x7F800000> : vector<256xf32>
    %reduce_min3A_563 = vector.multi_reduction <minimumf>, %select_n3A_561, %reduce_min3A_562 [1] : vector<256x4096xf32> to vector<256xf32>
    %broadcast_in_dim3A_564 = vector.shape_cast %reduce_min3A_563 : vector<256xf32> to vector<256x1xf32>
    %ge3A_565 = arith.constant 4.096000e+03 : f32
    %ge3A_566 = vector.broadcast %ge3A_565 : f32 to vector<256x1xf32>
    %ge3A_567 = arith.cmpf oge, %broadcast_in_dim3A_564, %ge3A_566 : vector<256x1xf32>
    %select_n3A_568 = arith.select %ge3A_567, %broadcast_in_dim3A_84, %broadcast_in_dim3A_564 : vector<256x1xi1>, vector<256x1xf32>
    %convert_element_type3A_569 = arith.fptosi %select_n3A_568 : vector<256x1xf32> to vector<256x1xi32>
    %add3A_570 = vector.broadcast %mul3A_82 : i32 to vector<256x1xi32>
    %add3A_571 = arith.addi %convert_element_type3A_569, %add3A_570 : vector<256x1xi32>
    %swap3A_572 = arith.constant 0 : index
    %swap3A_573 = arith.constant 27 : index
    %swap3A_574 = vector.load %arg8[%swap3A_572, %swap3A_573] : memref<256x32xi32, #tpu.memory_space<vmem>>, vector<256x1xi32>
    tpu.vector_store %arg8[%swap3A_572, %swap3A_573], %add3A_571 {strides = array<i32>} : memref<256x32xi32, #tpu.memory_space<vmem>>, vector<256x1xi32>,
    %eq3A_575 = vector.broadcast %broadcast_in_dim3A_564 : vector<256x1xf32> to vector<256x4096xf32>
    %eq3A_576 = arith.cmpf oeq, %convert_element_type3A_75, %eq3A_575 : vector<256x4096xf32>
    %jit3A_577 = arith.constant 4.096000e+03 : f32
    %broadcast_in_dim3A_578 = vector.broadcast %jit3A_577 : f32 to vector<256x4096xf32>
    %select_n3A_579 = arith.select %eq3A_576, %broadcast_in_dim3A_578, %select_n3A_561 : vector<256x4096xi1>, vector<256x4096xf32>
    %reduce_min3A_580 = arith.constant dense<0x7F800000> : vector<256xf32>
    %reduce_min3A_581 = vector.multi_reduction <minimumf>, %select_n3A_579, %reduce_min3A_580 [1] : vector<256x4096xf32> to vector<256xf32>
    %broadcast_in_dim3A_582 = vector.shape_cast %reduce_min3A_581 : vector<256xf32> to vector<256x1xf32>
    %ge3A_583 = arith.constant 4.096000e+03 : f32
    %ge3A_584 = vector.broadcast %ge3A_583 : f32 to vector<256x1xf32>
    %ge3A_585 = arith.cmpf oge, %broadcast_in_dim3A_582, %ge3A_584 : vector<256x1xf32>
    %select_n3A_586 = arith.select %ge3A_585, %broadcast_in_dim3A_84, %broadcast_in_dim3A_582 : vector<256x1xi1>, vector<256x1xf32>
    %convert_element_type3A_587 = arith.fptosi %select_n3A_586 : vector<256x1xf32> to vector<256x1xi32>
    %add3A_588 = vector.broadcast %mul3A_82 : i32 to vector<256x1xi32>
    %add3A_589 = arith.addi %convert_element_type3A_587, %add3A_588 : vector<256x1xi32>
    %swap3A_590 = arith.constant 0 : index
    %swap3A_591 = arith.constant 28 : index
    %swap3A_592 = vector.load %arg8[%swap3A_590, %swap3A_591] : memref<256x32xi32, #tpu.memory_space<vmem>>, vector<256x1xi32>
    tpu.vector_store %arg8[%swap3A_590, %swap3A_591], %add3A_589 {strides = array<i32>} : memref<256x32xi32, #tpu.memory_space<vmem>>, vector<256x1xi32>,
    %eq3A_593 = vector.broadcast %broadcast_in_dim3A_582 : vector<256x1xf32> to vector<256x4096xf32>
    %eq3A_594 = arith.cmpf oeq, %convert_element_type3A_75, %eq3A_593 : vector<256x4096xf32>
    %jit3A_595 = arith.constant 4.096000e+03 : f32
    %broadcast_in_dim3A_596 = vector.broadcast %jit3A_595 : f32 to vector<256x4096xf32>
    %select_n3A_597 = arith.select %eq3A_594, %broadcast_in_dim3A_596, %select_n3A_579 : vector<256x4096xi1>, vector<256x4096xf32>
    %reduce_min3A_598 = arith.constant dense<0x7F800000> : vector<256xf32>
    %reduce_min3A_599 = vector.multi_reduction <minimumf>, %select_n3A_597, %reduce_min3A_598 [1] : vector<256x4096xf32> to vector<256xf32>
    %broadcast_in_dim3A_600 = vector.shape_cast %reduce_min3A_599 : vector<256xf32> to vector<256x1xf32>
    %ge3A_601 = arith.constant 4.096000e+03 : f32
    %ge3A_602 = vector.broadcast %ge3A_601 : f32 to vector<256x1xf32>
    %ge3A_603 = arith.cmpf oge, %broadcast_in_dim3A_600, %ge3A_602 : vector<256x1xf32>
    %select_n3A_604 = arith.select %ge3A_603, %broadcast_in_dim3A_84, %broadcast_in_dim3A_600 : vector<256x1xi1>, vector<256x1xf32>
    %convert_element_type3A_605 = arith.fptosi %select_n3A_604 : vector<256x1xf32> to vector<256x1xi32>
    %add3A_606 = vector.broadcast %mul3A_82 : i32 to vector<256x1xi32>
    %add3A_607 = arith.addi %convert_element_type3A_605, %add3A_606 : vector<256x1xi32>
    %swap3A_608 = arith.constant 0 : index
    %swap3A_609 = arith.constant 29 : index
    %swap3A_610 = vector.load %arg8[%swap3A_608, %swap3A_609] : memref<256x32xi32, #tpu.memory_space<vmem>>, vector<256x1xi32>
    tpu.vector_store %arg8[%swap3A_608, %swap3A_609], %add3A_607 {strides = array<i32>} : memref<256x32xi32, #tpu.memory_space<vmem>>, vector<256x1xi32>,
    %eq3A_611 = vector.broadcast %broadcast_in_dim3A_600 : vector<256x1xf32> to vector<256x4096xf32>
    %eq3A_612 = arith.cmpf oeq, %convert_element_type3A_75, %eq3A_611 : vector<256x4096xf32>
    %jit3A_613 = arith.constant 4.096000e+03 : f32
    %broadcast_in_dim3A_614 = vector.broadcast %jit3A_613 : f32 to vector<256x4096xf32>
    %select_n3A_615 = arith.select %eq3A_612, %broadcast_in_dim3A_614, %select_n3A_597 : vector<256x4096xi1>, vector<256x4096xf32>
    %reduce_min3A_616 = arith.constant dense<0x7F800000> : vector<256xf32>
    %reduce_min3A_617 = vector.multi_reduction <minimumf>, %select_n3A_615, %reduce_min3A_616 [1] : vector<256x4096xf32> to vector<256xf32>
    %broadcast_in_dim3A_618 = vector.shape_cast %reduce_min3A_617 : vector<256xf32> to vector<256x1xf32>
    %ge3A_619 = arith.constant 4.096000e+03 : f32
    %ge3A_620 = vector.broadcast %ge3A_619 : f32 to vector<256x1xf32>
    %ge3A_621 = arith.cmpf oge, %broadcast_in_dim3A_618, %ge3A_620 : vector<256x1xf32>
    %select_n3A_622 = arith.select %ge3A_621, %broadcast_in_dim3A_84, %broadcast_in_dim3A_618 : vector<256x1xi1>, vector<256x1xf32>
    %convert_element_type3A_623 = arith.fptosi %select_n3A_622 : vector<256x1xf32> to vector<256x1xi32>
    %add3A_624 = vector.broadcast %mul3A_82 : i32 to vector<256x1xi32>
    %add3A_625 = arith.addi %convert_element_type3A_623, %add3A_624 : vector<256x1xi32>
    %swap3A_626 = arith.constant 0 : index
    %swap3A_627 = arith.constant 30 : index
    %swap3A_628 = vector.load %arg8[%swap3A_626, %swap3A_627] : memref<256x32xi32, #tpu.memory_space<vmem>>, vector<256x1xi32>
    tpu.vector_store %arg8[%swap3A_626, %swap3A_627], %add3A_625 {strides = array<i32>} : memref<256x32xi32, #tpu.memory_space<vmem>>, vector<256x1xi32>,
    %eq3A_629 = vector.broadcast %broadcast_in_dim3A_618 : vector<256x1xf32> to vector<256x4096xf32>
    %eq3A_630 = arith.cmpf oeq, %convert_element_type3A_75, %eq3A_629 : vector<256x4096xf32>
    %jit3A_631 = arith.constant 4.096000e+03 : f32
    %broadcast_in_dim3A_632 = vector.broadcast %jit3A_631 : f32 to vector<256x4096xf32>
    %select_n3A_633 = arith.select %eq3A_630, %broadcast_in_dim3A_632, %select_n3A_615 : vector<256x4096xi1>, vector<256x4096xf32>
    %reduce_min3A_634 = arith.constant dense<0x7F800000> : vector<256xf32>
    %reduce_min3A_635 = vector.multi_reduction <minimumf>, %select_n3A_633, %reduce_min3A_634 [1] : vector<256x4096xf32> to vector<256xf32>
    %broadcast_in_dim3A_636 = vector.shape_cast %reduce_min3A_635 : vector<256xf32> to vector<256x1xf32>
    %ge3A_637 = arith.constant 4.096000e+03 : f32
    %ge3A_638 = vector.broadcast %ge3A_637 : f32 to vector<256x1xf32>
    %ge3A_639 = arith.cmpf oge, %broadcast_in_dim3A_636, %ge3A_638 : vector<256x1xf32>
    %select_n3A_640 = arith.select %ge3A_639, %broadcast_in_dim3A_84, %broadcast_in_dim3A_636 : vector<256x1xi1>, vector<256x1xf32>
    %convert_element_type3A_641 = arith.fptosi %select_n3A_640 : vector<256x1xf32> to vector<256x1xi32>
    %add3A_642 = vector.broadcast %mul3A_82 : i32 to vector<256x1xi32>
    %add3A_643 = arith.addi %convert_element_type3A_641, %add3A_642 : vector<256x1xi32>
    %swap3A_644 = arith.constant 0 : index
    %swap3A_645 = arith.constant 31 : index
    %swap3A_646 = vector.load %arg8[%swap3A_644, %swap3A_645] : memref<256x32xi32, #tpu.memory_space<vmem>>, vector<256x1xi32>
    tpu.vector_store %arg8[%swap3A_644, %swap3A_645], %add3A_643 {strides = array<i32>} : memref<256x32xi32, #tpu.memory_space<vmem>>, vector<256x1xi32>,
    return
  }
  func.func @transform_0(%arg0: i32, %arg1: i32) -> (i32, i32, i32) {
    %c0_i32 = arith.constant 0 : i32
    %c0_i32_0 = arith.constant 0 : i32
    %c0_i32_1 = arith.constant 0 : i32
    return %arg0, %c0_i32, %c0_i32_0 : i32, i32, i32
  }
  func.func @transform_1(%arg0: i32, %arg1: i32) -> (i32, i32, i32) {
    %c0_i32 = arith.constant 0 : i32
    %c0_i32_0 = arith.constant 0 : i32
    %c0_i32_1 = arith.constant 0 : i32
    return %arg0, %c0_i32, %c0_i32_0 : i32, i32, i32
  }
  func.func @transform_2(%arg0: i32, %arg1: i32) -> (i32, i32, i32) {
    %c0_i32 = arith.constant 0 : i32
    %c0_i32_0 = arith.constant 0 : i32
    %c0_i32_1 = arith.constant 0 : i32
    return %arg0, %c0_i32, %c0_i32_0 : i32, i32, i32
  }
  func.func @transform_3(%arg0: i32, %arg1: i32) -> (i32, i32) {
    %c0_i32 = arith.constant 0 : i32
    %c0_i32_0 = arith.constant 0 : i32
    return %arg1, %c0_i32 : i32, i32
  }
  func.func @transform_4(%arg0: i32, %arg1: i32) -> (i32, i32) {
    %c0_i32 = arith.constant 0 : i32
    %c0_i32_0 = arith.constant 0 : i32
    return %arg1, %c0_i32 : i32, i32
  }
  func.func @transform_5(%arg0: i32, %arg1: i32) -> (i32, i32) {
    %c0_i32 = arith.constant 0 : i32
    %c0_i32_0 = arith.constant 0 : i32
    return %arg1, %c0_i32 : i32, i32
  }
  func.func @transform_6(%arg0: i32, %arg1: i32) -> (i32, i32) {
    %mul3A = arith.constant 4 : i32
    %mul3A_0 = arith.muli %arg0, %mul3A : i32
    %add3A = arith.addi %mul3A_0, %arg1 : i32
    %c0_i32 = arith.constant 0 : i32
    %c0_i32_1 = arith.constant 0 : i32
    return %add3A, %c0_i32 : i32, i32
  }
}

module attributes {stable_mosaic.version = 14 : i64} {
  func.func @_fps_body(%arg0: memref<8x4096xf32, #tpu.memory_space<vmem>>, %arg1: memref<8x4096xf32, #tpu.memory_space<vmem>>, %arg2: memref<8x4096xf32, #tpu.memory_space<vmem>>, %arg3: memref<8x1024xf32, #tpu.memory_space<vmem>>, %arg4: memref<8x1024xf32, #tpu.memory_space<vmem>>, %arg5: memref<8x1024xf32, #tpu.memory_space<vmem>>) attributes {dimension_semantics = [], scalar_prefetch = 0 : i64, scratch_operands = 0 : i64, tpu.core_type = #tpu.core_type<tc>} {
    %get3A = arith.constant 0 : index
    %get3A_0 = arith.constant 0 : index
    %get3A_1 = vector.load %arg0[%get3A, %get3A_0] : memref<8x4096xf32, #tpu.memory_space<vmem>>, vector<8x4096xf32>
    %get3A_2 = arith.constant 0 : index
    %get3A_3 = arith.constant 0 : index
    %get3A_4 = vector.load %arg1[%get3A_2, %get3A_3] : memref<8x4096xf32, #tpu.memory_space<vmem>>, vector<8x4096xf32>
    %get3A_5 = arith.constant 0 : index
    %get3A_6 = arith.constant 0 : index
    %get3A_7 = vector.load %arg2[%get3A_5, %get3A_6] : memref<8x4096xf32, #tpu.memory_space<vmem>>, vector<8x4096xf32>
    %iota3A = tpu.iota {dimensions = array<i32: 1>} : vector<8x4096xi32>
    %convert_element_type3A = arith.sitofp %iota3A : vector<8x4096xi32> to vector<8x4096xf32>
    %iota3A_8 = tpu.iota {dimensions = array<i32: 1>} : vector<8x1024xi32>
    %broadcast_in_dim3A = arith.constant 1.000000e+10 : f32
    %broadcast_in_dim3A_9 = vector.broadcast %broadcast_in_dim3A : f32 to vector<8x4096xf32>
    %broadcast_in_dim3A_10 = arith.constant 0.000000e+00 : f32
    %broadcast_in_dim3A_11 = vector.broadcast %broadcast_in_dim3A_10 : f32 to vector<8x1024xf32>
    %slice3A = vector.extract_strided_slice %get3A_1 {offsets = [0, 0], sizes = [8, 1], strides = [1, 1]} : vector<8x4096xf32> to vector<8x1xf32>
    %slice3A_12 = vector.extract_strided_slice %get3A_4 {offsets = [0, 0], sizes = [8, 1], strides = [1, 1]} : vector<8x4096xf32> to vector<8x1xf32>
    %slice3A_13 = vector.extract_strided_slice %get3A_7 {offsets = [0, 0], sizes = [8, 1], strides = [1, 1]} : vector<8x4096xf32> to vector<8x1xf32>
    %scan3A = arith.constant 0 : i32
    %scan3A_14 = arith.constant 1024 : i32
    %scan3A_15 = arith.addi %scan3A, %scan3A_14 : i32
    %scan3A_16 = arith.constant 16 : i32
    %scan3A_17:7 = scf.for %scan3A_27 = %scan3A to %scan3A_15 step %scan3A_16 iter_args(%scan3A_28 = %broadcast_in_dim3A_9, %scan3A_29 = %slice3A, %scan3A_30 = %slice3A_12, %scan3A_31 = %slice3A_13, %scan3A_32 = %broadcast_in_dim3A_11, %scan3A_33 = %broadcast_in_dim3A_11, %scan3A_34 = %broadcast_in_dim3A_11) -> (vector<8x4096xf32>, vector<8x1xf32>, vector<8x1xf32>, vector<8x1xf32>, vector<8x1024xf32>, vector<8x1024xf32>, vector<8x1024xf32>)  : i32 {
      %eq3A = vector.broadcast %scan3A_27 : i32 to vector<8x1024xi32>
      %eq3A_35 = arith.cmpi eq, %iota3A_8, %eq3A : vector<8x1024xi32>
      %broadcast_in_dim3A_36 = vector.shape_cast %scan3A_29 : vector<8x1xf32> to vector<8x1xf32>
      %broadcast_in_dim3A_37 = vector.broadcast %broadcast_in_dim3A_36 : vector<8x1xf32> to vector<8x1024xf32>
      %select_n3A = arith.select %eq3A_35, %broadcast_in_dim3A_37, %scan3A_32 : vector<8x1024xi1>, vector<8x1024xf32>
      %broadcast_in_dim3A_38 = vector.shape_cast %scan3A_30 : vector<8x1xf32> to vector<8x1xf32>
      %broadcast_in_dim3A_39 = vector.broadcast %broadcast_in_dim3A_38 : vector<8x1xf32> to vector<8x1024xf32>
      %select_n3A_40 = arith.select %eq3A_35, %broadcast_in_dim3A_39, %scan3A_33 : vector<8x1024xi1>, vector<8x1024xf32>
      %broadcast_in_dim3A_41 = vector.shape_cast %scan3A_31 : vector<8x1xf32> to vector<8x1xf32>
      %broadcast_in_dim3A_42 = vector.broadcast %broadcast_in_dim3A_41 : vector<8x1xf32> to vector<8x1024xf32>
      %select_n3A_43 = arith.select %eq3A_35, %broadcast_in_dim3A_42, %scan3A_34 : vector<8x1024xi1>, vector<8x1024xf32>
      %sub3A = vector.broadcast %scan3A_29 : vector<8x1xf32> to vector<8x4096xf32>
      %sub3A_44 = arith.subf %get3A_1, %sub3A : vector<8x4096xf32>
      %sub3A_45 = vector.broadcast %scan3A_30 : vector<8x1xf32> to vector<8x4096xf32>
      %sub3A_46 = arith.subf %get3A_4, %sub3A_45 : vector<8x4096xf32>
      %sub3A_47 = vector.broadcast %scan3A_31 : vector<8x1xf32> to vector<8x4096xf32>
      %sub3A_48 = arith.subf %get3A_7, %sub3A_47 : vector<8x4096xf32>
      %mul3A = arith.mulf %sub3A_44, %sub3A_44 : vector<8x4096xf32>
      %mul3A_49 = arith.mulf %sub3A_46, %sub3A_46 : vector<8x4096xf32>
      %add3A = arith.addf %mul3A, %mul3A_49 : vector<8x4096xf32>
      %mul3A_50 = arith.mulf %sub3A_48, %sub3A_48 : vector<8x4096xf32>
      %add3A_51 = arith.addf %add3A, %mul3A_50 : vector<8x4096xf32>
      %min3A = arith.minimumf %scan3A_28, %add3A_51 : vector<8x4096xf32>
      %reduce_max3A = arith.constant dense<0xFF800000> : vector<8xf32>
      %reduce_max3A_52 = vector.multi_reduction <maximumf>, %min3A, %reduce_max3A [1] : vector<8x4096xf32> to vector<8xf32>
      %broadcast_in_dim3A_53 = vector.shape_cast %reduce_max3A_52 : vector<8xf32> to vector<8x1xf32>
      %eq3A_54 = vector.broadcast %broadcast_in_dim3A_53 : vector<8x1xf32> to vector<8x4096xf32>
      %eq3A_55 = arith.cmpf oeq, %min3A, %eq3A_54 : vector<8x4096xf32>
      %jit3A = arith.constant 4.096000e+03 : f32
      %broadcast_in_dim3A_56 = vector.broadcast %jit3A : f32 to vector<8x4096xf32>
      %select_n3A_57 = arith.select %eq3A_55, %convert_element_type3A, %broadcast_in_dim3A_56 : vector<8x4096xi1>, vector<8x4096xf32>
      %reduce_min3A = arith.constant dense<0x7F800000> : vector<8xf32>
      %reduce_min3A_58 = vector.multi_reduction <minimumf>, %select_n3A_57, %reduce_min3A [1] : vector<8x4096xf32> to vector<8xf32>
      %broadcast_in_dim3A_59 = vector.shape_cast %reduce_min3A_58 : vector<8xf32> to vector<8x1xf32>
      %eq3A_60 = vector.broadcast %broadcast_in_dim3A_59 : vector<8x1xf32> to vector<8x4096xf32>
      %eq3A_61 = arith.cmpf oeq, %convert_element_type3A, %eq3A_60 : vector<8x4096xf32>
      %jit3A_62 = arith.constant 0.000000e+00 : f32
      %broadcast_in_dim3A_63 = vector.broadcast %jit3A_62 : f32 to vector<8x4096xf32>
      %select_n3A_64 = arith.select %eq3A_61, %get3A_1, %broadcast_in_dim3A_63 : vector<8x4096xi1>, vector<8x4096xf32>
      %reduce_sum3A = arith.constant dense<0.000000e+00> : vector<8xf32>
      %reduce_sum3A_65 = vector.multi_reduction <add>, %select_n3A_64, %reduce_sum3A [1] : vector<8x4096xf32> to vector<8xf32>
      %broadcast_in_dim3A_66 = vector.shape_cast %reduce_sum3A_65 : vector<8xf32> to vector<8x1xf32>
      %jit3A_67 = arith.constant 0.000000e+00 : f32
      %broadcast_in_dim3A_68 = vector.broadcast %jit3A_67 : f32 to vector<8x4096xf32>
      %select_n3A_69 = arith.select %eq3A_61, %get3A_4, %broadcast_in_dim3A_68 : vector<8x4096xi1>, vector<8x4096xf32>
      %reduce_sum3A_70 = arith.constant dense<0.000000e+00> : vector<8xf32>
      %reduce_sum3A_71 = vector.multi_reduction <add>, %select_n3A_69, %reduce_sum3A_70 [1] : vector<8x4096xf32> to vector<8xf32>
      %broadcast_in_dim3A_72 = vector.shape_cast %reduce_sum3A_71 : vector<8xf32> to vector<8x1xf32>
      %jit3A_73 = arith.constant 0.000000e+00 : f32
      %broadcast_in_dim3A_74 = vector.broadcast %jit3A_73 : f32 to vector<8x4096xf32>
      %select_n3A_75 = arith.select %eq3A_61, %get3A_7, %broadcast_in_dim3A_74 : vector<8x4096xi1>, vector<8x4096xf32>
      %reduce_sum3A_76 = arith.constant dense<0.000000e+00> : vector<8xf32>
      %reduce_sum3A_77 = vector.multi_reduction <add>, %select_n3A_75, %reduce_sum3A_76 [1] : vector<8x4096xf32> to vector<8xf32>
      %broadcast_in_dim3A_78 = vector.shape_cast %reduce_sum3A_77 : vector<8xf32> to vector<8x1xf32>
      %scan3A_79 = arith.constant 1 : i32
      %scan3A_80 = arith.addi %scan3A_27, %scan3A_79 : i32
      %eq3A_81 = vector.broadcast %scan3A_80 : i32 to vector<8x1024xi32>
      %eq3A_82 = arith.cmpi eq, %iota3A_8, %eq3A_81 : vector<8x1024xi32>
      %broadcast_in_dim3A_83 = vector.shape_cast %broadcast_in_dim3A_66 : vector<8x1xf32> to vector<8x1xf32>
      %broadcast_in_dim3A_84 = vector.broadcast %broadcast_in_dim3A_83 : vector<8x1xf32> to vector<8x1024xf32>
      %select_n3A_85 = arith.select %eq3A_82, %broadcast_in_dim3A_84, %select_n3A : vector<8x1024xi1>, vector<8x1024xf32>
      %broadcast_in_dim3A_86 = vector.shape_cast %broadcast_in_dim3A_72 : vector<8x1xf32> to vector<8x1xf32>
      %broadcast_in_dim3A_87 = vector.broadcast %broadcast_in_dim3A_86 : vector<8x1xf32> to vector<8x1024xf32>
      %select_n3A_88 = arith.select %eq3A_82, %broadcast_in_dim3A_87, %select_n3A_40 : vector<8x1024xi1>, vector<8x1024xf32>
      %broadcast_in_dim3A_89 = vector.shape_cast %broadcast_in_dim3A_78 : vector<8x1xf32> to vector<8x1xf32>
      %broadcast_in_dim3A_90 = vector.broadcast %broadcast_in_dim3A_89 : vector<8x1xf32> to vector<8x1024xf32>
      %select_n3A_91 = arith.select %eq3A_82, %broadcast_in_dim3A_90, %select_n3A_43 : vector<8x1024xi1>, vector<8x1024xf32>
      %sub3A_92 = vector.broadcast %broadcast_in_dim3A_66 : vector<8x1xf32> to vector<8x4096xf32>
      %sub3A_93 = arith.subf %get3A_1, %sub3A_92 : vector<8x4096xf32>
      %sub3A_94 = vector.broadcast %broadcast_in_dim3A_72 : vector<8x1xf32> to vector<8x4096xf32>
      %sub3A_95 = arith.subf %get3A_4, %sub3A_94 : vector<8x4096xf32>
      %sub3A_96 = vector.broadcast %broadcast_in_dim3A_78 : vector<8x1xf32> to vector<8x4096xf32>
      %sub3A_97 = arith.subf %get3A_7, %sub3A_96 : vector<8x4096xf32>
      %mul3A_98 = arith.mulf %sub3A_93, %sub3A_93 : vector<8x4096xf32>
      %mul3A_99 = arith.mulf %sub3A_95, %sub3A_95 : vector<8x4096xf32>
      %add3A_100 = arith.addf %mul3A_98, %mul3A_99 : vector<8x4096xf32>
      %mul3A_101 = arith.mulf %sub3A_97, %sub3A_97 : vector<8x4096xf32>
      %add3A_102 = arith.addf %add3A_100, %mul3A_101 : vector<8x4096xf32>
      %min3A_103 = arith.minimumf %min3A, %add3A_102 : vector<8x4096xf32>
      %reduce_max3A_104 = arith.constant dense<0xFF800000> : vector<8xf32>
      %reduce_max3A_105 = vector.multi_reduction <maximumf>, %min3A_103, %reduce_max3A_104 [1] : vector<8x4096xf32> to vector<8xf32>
      %broadcast_in_dim3A_106 = vector.shape_cast %reduce_max3A_105 : vector<8xf32> to vector<8x1xf32>
      %eq3A_107 = vector.broadcast %broadcast_in_dim3A_106 : vector<8x1xf32> to vector<8x4096xf32>
      %eq3A_108 = arith.cmpf oeq, %min3A_103, %eq3A_107 : vector<8x4096xf32>
      %jit3A_109 = arith.constant 4.096000e+03 : f32
      %broadcast_in_dim3A_110 = vector.broadcast %jit3A_109 : f32 to vector<8x4096xf32>
      %select_n3A_111 = arith.select %eq3A_108, %convert_element_type3A, %broadcast_in_dim3A_110 : vector<8x4096xi1>, vector<8x4096xf32>
      %reduce_min3A_112 = arith.constant dense<0x7F800000> : vector<8xf32>
      %reduce_min3A_113 = vector.multi_reduction <minimumf>, %select_n3A_111, %reduce_min3A_112 [1] : vector<8x4096xf32> to vector<8xf32>
      %broadcast_in_dim3A_114 = vector.shape_cast %reduce_min3A_113 : vector<8xf32> to vector<8x1xf32>
      %eq3A_115 = vector.broadcast %broadcast_in_dim3A_114 : vector<8x1xf32> to vector<8x4096xf32>
      %eq3A_116 = arith.cmpf oeq, %convert_element_type3A, %eq3A_115 : vector<8x4096xf32>
      %jit3A_117 = arith.constant 0.000000e+00 : f32
      %broadcast_in_dim3A_118 = vector.broadcast %jit3A_117 : f32 to vector<8x4096xf32>
      %select_n3A_119 = arith.select %eq3A_116, %get3A_1, %broadcast_in_dim3A_118 : vector<8x4096xi1>, vector<8x4096xf32>
      %reduce_sum3A_120 = arith.constant dense<0.000000e+00> : vector<8xf32>
      %reduce_sum3A_121 = vector.multi_reduction <add>, %select_n3A_119, %reduce_sum3A_120 [1] : vector<8x4096xf32> to vector<8xf32>
      %broadcast_in_dim3A_122 = vector.shape_cast %reduce_sum3A_121 : vector<8xf32> to vector<8x1xf32>
      %jit3A_123 = arith.constant 0.000000e+00 : f32
      %broadcast_in_dim3A_124 = vector.broadcast %jit3A_123 : f32 to vector<8x4096xf32>
      %select_n3A_125 = arith.select %eq3A_116, %get3A_4, %broadcast_in_dim3A_124 : vector<8x4096xi1>, vector<8x4096xf32>
      %reduce_sum3A_126 = arith.constant dense<0.000000e+00> : vector<8xf32>
      %reduce_sum3A_127 = vector.multi_reduction <add>, %select_n3A_125, %reduce_sum3A_126 [1] : vector<8x4096xf32> to vector<8xf32>
      %broadcast_in_dim3A_128 = vector.shape_cast %reduce_sum3A_127 : vector<8xf32> to vector<8x1xf32>
      %jit3A_129 = arith.constant 0.000000e+00 : f32
      %broadcast_in_dim3A_130 = vector.broadcast %jit3A_129 : f32 to vector<8x4096xf32>
      %select_n3A_131 = arith.select %eq3A_116, %get3A_7, %broadcast_in_dim3A_130 : vector<8x4096xi1>, vector<8x4096xf32>
      %reduce_sum3A_132 = arith.constant dense<0.000000e+00> : vector<8xf32>
      %reduce_sum3A_133 = vector.multi_reduction <add>, %select_n3A_131, %reduce_sum3A_132 [1] : vector<8x4096xf32> to vector<8xf32>
      %broadcast_in_dim3A_134 = vector.shape_cast %reduce_sum3A_133 : vector<8xf32> to vector<8x1xf32>
      %scan3A_135 = arith.constant 2 : i32
      %scan3A_136 = arith.addi %scan3A_27, %scan3A_135 : i32
      %eq3A_137 = vector.broadcast %scan3A_136 : i32 to vector<8x1024xi32>
      %eq3A_138 = arith.cmpi eq, %iota3A_8, %eq3A_137 : vector<8x1024xi32>
      %broadcast_in_dim3A_139 = vector.shape_cast %broadcast_in_dim3A_122 : vector<8x1xf32> to vector<8x1xf32>
      %broadcast_in_dim3A_140 = vector.broadcast %broadcast_in_dim3A_139 : vector<8x1xf32> to vector<8x1024xf32>
      %select_n3A_141 = arith.select %eq3A_138, %broadcast_in_dim3A_140, %select_n3A_85 : vector<8x1024xi1>, vector<8x1024xf32>
      %broadcast_in_dim3A_142 = vector.shape_cast %broadcast_in_dim3A_128 : vector<8x1xf32> to vector<8x1xf32>
      %broadcast_in_dim3A_143 = vector.broadcast %broadcast_in_dim3A_142 : vector<8x1xf32> to vector<8x1024xf32>
      %select_n3A_144 = arith.select %eq3A_138, %broadcast_in_dim3A_143, %select_n3A_88 : vector<8x1024xi1>, vector<8x1024xf32>
      %broadcast_in_dim3A_145 = vector.shape_cast %broadcast_in_dim3A_134 : vector<8x1xf32> to vector<8x1xf32>
      %broadcast_in_dim3A_146 = vector.broadcast %broadcast_in_dim3A_145 : vector<8x1xf32> to vector<8x1024xf32>
      %select_n3A_147 = arith.select %eq3A_138, %broadcast_in_dim3A_146, %select_n3A_91 : vector<8x1024xi1>, vector<8x1024xf32>
      %sub3A_148 = vector.broadcast %broadcast_in_dim3A_122 : vector<8x1xf32> to vector<8x4096xf32>
      %sub3A_149 = arith.subf %get3A_1, %sub3A_148 : vector<8x4096xf32>
      %sub3A_150 = vector.broadcast %broadcast_in_dim3A_128 : vector<8x1xf32> to vector<8x4096xf32>
      %sub3A_151 = arith.subf %get3A_4, %sub3A_150 : vector<8x4096xf32>
      %sub3A_152 = vector.broadcast %broadcast_in_dim3A_134 : vector<8x1xf32> to vector<8x4096xf32>
      %sub3A_153 = arith.subf %get3A_7, %sub3A_152 : vector<8x4096xf32>
      %mul3A_154 = arith.mulf %sub3A_149, %sub3A_149 : vector<8x4096xf32>
      %mul3A_155 = arith.mulf %sub3A_151, %sub3A_151 : vector<8x4096xf32>
      %add3A_156 = arith.addf %mul3A_154, %mul3A_155 : vector<8x4096xf32>
      %mul3A_157 = arith.mulf %sub3A_153, %sub3A_153 : vector<8x4096xf32>
      %add3A_158 = arith.addf %add3A_156, %mul3A_157 : vector<8x4096xf32>
      %min3A_159 = arith.minimumf %min3A_103, %add3A_158 : vector<8x4096xf32>
      %reduce_max3A_160 = arith.constant dense<0xFF800000> : vector<8xf32>
      %reduce_max3A_161 = vector.multi_reduction <maximumf>, %min3A_159, %reduce_max3A_160 [1] : vector<8x4096xf32> to vector<8xf32>
      %broadcast_in_dim3A_162 = vector.shape_cast %reduce_max3A_161 : vector<8xf32> to vector<8x1xf32>
      %eq3A_163 = vector.broadcast %broadcast_in_dim3A_162 : vector<8x1xf32> to vector<8x4096xf32>
      %eq3A_164 = arith.cmpf oeq, %min3A_159, %eq3A_163 : vector<8x4096xf32>
      %jit3A_165 = arith.constant 4.096000e+03 : f32
      %broadcast_in_dim3A_166 = vector.broadcast %jit3A_165 : f32 to vector<8x4096xf32>
      %select_n3A_167 = arith.select %eq3A_164, %convert_element_type3A, %broadcast_in_dim3A_166 : vector<8x4096xi1>, vector<8x4096xf32>
      %reduce_min3A_168 = arith.constant dense<0x7F800000> : vector<8xf32>
      %reduce_min3A_169 = vector.multi_reduction <minimumf>, %select_n3A_167, %reduce_min3A_168 [1] : vector<8x4096xf32> to vector<8xf32>
      %broadcast_in_dim3A_170 = vector.shape_cast %reduce_min3A_169 : vector<8xf32> to vector<8x1xf32>
      %eq3A_171 = vector.broadcast %broadcast_in_dim3A_170 : vector<8x1xf32> to vector<8x4096xf32>
      %eq3A_172 = arith.cmpf oeq, %convert_element_type3A, %eq3A_171 : vector<8x4096xf32>
      %jit3A_173 = arith.constant 0.000000e+00 : f32
      %broadcast_in_dim3A_174 = vector.broadcast %jit3A_173 : f32 to vector<8x4096xf32>
      %select_n3A_175 = arith.select %eq3A_172, %get3A_1, %broadcast_in_dim3A_174 : vector<8x4096xi1>, vector<8x4096xf32>
      %reduce_sum3A_176 = arith.constant dense<0.000000e+00> : vector<8xf32>
      %reduce_sum3A_177 = vector.multi_reduction <add>, %select_n3A_175, %reduce_sum3A_176 [1] : vector<8x4096xf32> to vector<8xf32>
      %broadcast_in_dim3A_178 = vector.shape_cast %reduce_sum3A_177 : vector<8xf32> to vector<8x1xf32>
      %jit3A_179 = arith.constant 0.000000e+00 : f32
      %broadcast_in_dim3A_180 = vector.broadcast %jit3A_179 : f32 to vector<8x4096xf32>
      %select_n3A_181 = arith.select %eq3A_172, %get3A_4, %broadcast_in_dim3A_180 : vector<8x4096xi1>, vector<8x4096xf32>
      %reduce_sum3A_182 = arith.constant dense<0.000000e+00> : vector<8xf32>
      %reduce_sum3A_183 = vector.multi_reduction <add>, %select_n3A_181, %reduce_sum3A_182 [1] : vector<8x4096xf32> to vector<8xf32>
      %broadcast_in_dim3A_184 = vector.shape_cast %reduce_sum3A_183 : vector<8xf32> to vector<8x1xf32>
      %jit3A_185 = arith.constant 0.000000e+00 : f32
      %broadcast_in_dim3A_186 = vector.broadcast %jit3A_185 : f32 to vector<8x4096xf32>
      %select_n3A_187 = arith.select %eq3A_172, %get3A_7, %broadcast_in_dim3A_186 : vector<8x4096xi1>, vector<8x4096xf32>
      %reduce_sum3A_188 = arith.constant dense<0.000000e+00> : vector<8xf32>
      %reduce_sum3A_189 = vector.multi_reduction <add>, %select_n3A_187, %reduce_sum3A_188 [1] : vector<8x4096xf32> to vector<8xf32>
      %broadcast_in_dim3A_190 = vector.shape_cast %reduce_sum3A_189 : vector<8xf32> to vector<8x1xf32>
      %scan3A_191 = arith.constant 3 : i32
      %scan3A_192 = arith.addi %scan3A_27, %scan3A_191 : i32
      %eq3A_193 = vector.broadcast %scan3A_192 : i32 to vector<8x1024xi32>
      %eq3A_194 = arith.cmpi eq, %iota3A_8, %eq3A_193 : vector<8x1024xi32>
      %broadcast_in_dim3A_195 = vector.shape_cast %broadcast_in_dim3A_178 : vector<8x1xf32> to vector<8x1xf32>
      %broadcast_in_dim3A_196 = vector.broadcast %broadcast_in_dim3A_195 : vector<8x1xf32> to vector<8x1024xf32>
      %select_n3A_197 = arith.select %eq3A_194, %broadcast_in_dim3A_196, %select_n3A_141 : vector<8x1024xi1>, vector<8x1024xf32>
      %broadcast_in_dim3A_198 = vector.shape_cast %broadcast_in_dim3A_184 : vector<8x1xf32> to vector<8x1xf32>
      %broadcast_in_dim3A_199 = vector.broadcast %broadcast_in_dim3A_198 : vector<8x1xf32> to vector<8x1024xf32>
      %select_n3A_200 = arith.select %eq3A_194, %broadcast_in_dim3A_199, %select_n3A_144 : vector<8x1024xi1>, vector<8x1024xf32>
      %broadcast_in_dim3A_201 = vector.shape_cast %broadcast_in_dim3A_190 : vector<8x1xf32> to vector<8x1xf32>
      %broadcast_in_dim3A_202 = vector.broadcast %broadcast_in_dim3A_201 : vector<8x1xf32> to vector<8x1024xf32>
      %select_n3A_203 = arith.select %eq3A_194, %broadcast_in_dim3A_202, %select_n3A_147 : vector<8x1024xi1>, vector<8x1024xf32>
      %sub3A_204 = vector.broadcast %broadcast_in_dim3A_178 : vector<8x1xf32> to vector<8x4096xf32>
      %sub3A_205 = arith.subf %get3A_1, %sub3A_204 : vector<8x4096xf32>
      %sub3A_206 = vector.broadcast %broadcast_in_dim3A_184 : vector<8x1xf32> to vector<8x4096xf32>
      %sub3A_207 = arith.subf %get3A_4, %sub3A_206 : vector<8x4096xf32>
      %sub3A_208 = vector.broadcast %broadcast_in_dim3A_190 : vector<8x1xf32> to vector<8x4096xf32>
      %sub3A_209 = arith.subf %get3A_7, %sub3A_208 : vector<8x4096xf32>
      %mul3A_210 = arith.mulf %sub3A_205, %sub3A_205 : vector<8x4096xf32>
      %mul3A_211 = arith.mulf %sub3A_207, %sub3A_207 : vector<8x4096xf32>
      %add3A_212 = arith.addf %mul3A_210, %mul3A_211 : vector<8x4096xf32>
      %mul3A_213 = arith.mulf %sub3A_209, %sub3A_209 : vector<8x4096xf32>
      %add3A_214 = arith.addf %add3A_212, %mul3A_213 : vector<8x4096xf32>
      %min3A_215 = arith.minimumf %min3A_159, %add3A_214 : vector<8x4096xf32>
      %reduce_max3A_216 = arith.constant dense<0xFF800000> : vector<8xf32>
      %reduce_max3A_217 = vector.multi_reduction <maximumf>, %min3A_215, %reduce_max3A_216 [1] : vector<8x4096xf32> to vector<8xf32>
      %broadcast_in_dim3A_218 = vector.shape_cast %reduce_max3A_217 : vector<8xf32> to vector<8x1xf32>
      %eq3A_219 = vector.broadcast %broadcast_in_dim3A_218 : vector<8x1xf32> to vector<8x4096xf32>
      %eq3A_220 = arith.cmpf oeq, %min3A_215, %eq3A_219 : vector<8x4096xf32>
      %jit3A_221 = arith.constant 4.096000e+03 : f32
      %broadcast_in_dim3A_222 = vector.broadcast %jit3A_221 : f32 to vector<8x4096xf32>
      %select_n3A_223 = arith.select %eq3A_220, %convert_element_type3A, %broadcast_in_dim3A_222 : vector<8x4096xi1>, vector<8x4096xf32>
      %reduce_min3A_224 = arith.constant dense<0x7F800000> : vector<8xf32>
      %reduce_min3A_225 = vector.multi_reduction <minimumf>, %select_n3A_223, %reduce_min3A_224 [1] : vector<8x4096xf32> to vector<8xf32>
      %broadcast_in_dim3A_226 = vector.shape_cast %reduce_min3A_225 : vector<8xf32> to vector<8x1xf32>
      %eq3A_227 = vector.broadcast %broadcast_in_dim3A_226 : vector<8x1xf32> to vector<8x4096xf32>
      %eq3A_228 = arith.cmpf oeq, %convert_element_type3A, %eq3A_227 : vector<8x4096xf32>
      %jit3A_229 = arith.constant 0.000000e+00 : f32
      %broadcast_in_dim3A_230 = vector.broadcast %jit3A_229 : f32 to vector<8x4096xf32>
      %select_n3A_231 = arith.select %eq3A_228, %get3A_1, %broadcast_in_dim3A_230 : vector<8x4096xi1>, vector<8x4096xf32>
      %reduce_sum3A_232 = arith.constant dense<0.000000e+00> : vector<8xf32>
      %reduce_sum3A_233 = vector.multi_reduction <add>, %select_n3A_231, %reduce_sum3A_232 [1] : vector<8x4096xf32> to vector<8xf32>
      %broadcast_in_dim3A_234 = vector.shape_cast %reduce_sum3A_233 : vector<8xf32> to vector<8x1xf32>
      %jit3A_235 = arith.constant 0.000000e+00 : f32
      %broadcast_in_dim3A_236 = vector.broadcast %jit3A_235 : f32 to vector<8x4096xf32>
      %select_n3A_237 = arith.select %eq3A_228, %get3A_4, %broadcast_in_dim3A_236 : vector<8x4096xi1>, vector<8x4096xf32>
      %reduce_sum3A_238 = arith.constant dense<0.000000e+00> : vector<8xf32>
      %reduce_sum3A_239 = vector.multi_reduction <add>, %select_n3A_237, %reduce_sum3A_238 [1] : vector<8x4096xf32> to vector<8xf32>
      %broadcast_in_dim3A_240 = vector.shape_cast %reduce_sum3A_239 : vector<8xf32> to vector<8x1xf32>
      %jit3A_241 = arith.constant 0.000000e+00 : f32
      %broadcast_in_dim3A_242 = vector.broadcast %jit3A_241 : f32 to vector<8x4096xf32>
      %select_n3A_243 = arith.select %eq3A_228, %get3A_7, %broadcast_in_dim3A_242 : vector<8x4096xi1>, vector<8x4096xf32>
      %reduce_sum3A_244 = arith.constant dense<0.000000e+00> : vector<8xf32>
      %reduce_sum3A_245 = vector.multi_reduction <add>, %select_n3A_243, %reduce_sum3A_244 [1] : vector<8x4096xf32> to vector<8xf32>
      %broadcast_in_dim3A_246 = vector.shape_cast %reduce_sum3A_245 : vector<8xf32> to vector<8x1xf32>
      %scan3A_247 = arith.constant 4 : i32
      %scan3A_248 = arith.addi %scan3A_27, %scan3A_247 : i32
      %eq3A_249 = vector.broadcast %scan3A_248 : i32 to vector<8x1024xi32>
      %eq3A_250 = arith.cmpi eq, %iota3A_8, %eq3A_249 : vector<8x1024xi32>
      %broadcast_in_dim3A_251 = vector.shape_cast %broadcast_in_dim3A_234 : vector<8x1xf32> to vector<8x1xf32>
      %broadcast_in_dim3A_252 = vector.broadcast %broadcast_in_dim3A_251 : vector<8x1xf32> to vector<8x1024xf32>
      %select_n3A_253 = arith.select %eq3A_250, %broadcast_in_dim3A_252, %select_n3A_197 : vector<8x1024xi1>, vector<8x1024xf32>
      %broadcast_in_dim3A_254 = vector.shape_cast %broadcast_in_dim3A_240 : vector<8x1xf32> to vector<8x1xf32>
      %broadcast_in_dim3A_255 = vector.broadcast %broadcast_in_dim3A_254 : vector<8x1xf32> to vector<8x1024xf32>
      %select_n3A_256 = arith.select %eq3A_250, %broadcast_in_dim3A_255, %select_n3A_200 : vector<8x1024xi1>, vector<8x1024xf32>
      %broadcast_in_dim3A_257 = vector.shape_cast %broadcast_in_dim3A_246 : vector<8x1xf32> to vector<8x1xf32>
      %broadcast_in_dim3A_258 = vector.broadcast %broadcast_in_dim3A_257 : vector<8x1xf32> to vector<8x1024xf32>
      %select_n3A_259 = arith.select %eq3A_250, %broadcast_in_dim3A_258, %select_n3A_203 : vector<8x1024xi1>, vector<8x1024xf32>
      %sub3A_260 = vector.broadcast %broadcast_in_dim3A_234 : vector<8x1xf32> to vector<8x4096xf32>
      %sub3A_261 = arith.subf %get3A_1, %sub3A_260 : vector<8x4096xf32>
      %sub3A_262 = vector.broadcast %broadcast_in_dim3A_240 : vector<8x1xf32> to vector<8x4096xf32>
      %sub3A_263 = arith.subf %get3A_4, %sub3A_262 : vector<8x4096xf32>
      %sub3A_264 = vector.broadcast %broadcast_in_dim3A_246 : vector<8x1xf32> to vector<8x4096xf32>
      %sub3A_265 = arith.subf %get3A_7, %sub3A_264 : vector<8x4096xf32>
      %mul3A_266 = arith.mulf %sub3A_261, %sub3A_261 : vector<8x4096xf32>
      %mul3A_267 = arith.mulf %sub3A_263, %sub3A_263 : vector<8x4096xf32>
      %add3A_268 = arith.addf %mul3A_266, %mul3A_267 : vector<8x4096xf32>
      %mul3A_269 = arith.mulf %sub3A_265, %sub3A_265 : vector<8x4096xf32>
      %add3A_270 = arith.addf %add3A_268, %mul3A_269 : vector<8x4096xf32>
      %min3A_271 = arith.minimumf %min3A_215, %add3A_270 : vector<8x4096xf32>
      %reduce_max3A_272 = arith.constant dense<0xFF800000> : vector<8xf32>
      %reduce_max3A_273 = vector.multi_reduction <maximumf>, %min3A_271, %reduce_max3A_272 [1] : vector<8x4096xf32> to vector<8xf32>
      %broadcast_in_dim3A_274 = vector.shape_cast %reduce_max3A_273 : vector<8xf32> to vector<8x1xf32>
      %eq3A_275 = vector.broadcast %broadcast_in_dim3A_274 : vector<8x1xf32> to vector<8x4096xf32>
      %eq3A_276 = arith.cmpf oeq, %min3A_271, %eq3A_275 : vector<8x4096xf32>
      %jit3A_277 = arith.constant 4.096000e+03 : f32
      %broadcast_in_dim3A_278 = vector.broadcast %jit3A_277 : f32 to vector<8x4096xf32>
      %select_n3A_279 = arith.select %eq3A_276, %convert_element_type3A, %broadcast_in_dim3A_278 : vector<8x4096xi1>, vector<8x4096xf32>
      %reduce_min3A_280 = arith.constant dense<0x7F800000> : vector<8xf32>
      %reduce_min3A_281 = vector.multi_reduction <minimumf>, %select_n3A_279, %reduce_min3A_280 [1] : vector<8x4096xf32> to vector<8xf32>
      %broadcast_in_dim3A_282 = vector.shape_cast %reduce_min3A_281 : vector<8xf32> to vector<8x1xf32>
      %eq3A_283 = vector.broadcast %broadcast_in_dim3A_282 : vector<8x1xf32> to vector<8x4096xf32>
      %eq3A_284 = arith.cmpf oeq, %convert_element_type3A, %eq3A_283 : vector<8x4096xf32>
      %jit3A_285 = arith.constant 0.000000e+00 : f32
      %broadcast_in_dim3A_286 = vector.broadcast %jit3A_285 : f32 to vector<8x4096xf32>
      %select_n3A_287 = arith.select %eq3A_284, %get3A_1, %broadcast_in_dim3A_286 : vector<8x4096xi1>, vector<8x4096xf32>
      %reduce_sum3A_288 = arith.constant dense<0.000000e+00> : vector<8xf32>
      %reduce_sum3A_289 = vector.multi_reduction <add>, %select_n3A_287, %reduce_sum3A_288 [1] : vector<8x4096xf32> to vector<8xf32>
      %broadcast_in_dim3A_290 = vector.shape_cast %reduce_sum3A_289 : vector<8xf32> to vector<8x1xf32>
      %jit3A_291 = arith.constant 0.000000e+00 : f32
      %broadcast_in_dim3A_292 = vector.broadcast %jit3A_291 : f32 to vector<8x4096xf32>
      %select_n3A_293 = arith.select %eq3A_284, %get3A_4, %broadcast_in_dim3A_292 : vector<8x4096xi1>, vector<8x4096xf32>
      %reduce_sum3A_294 = arith.constant dense<0.000000e+00> : vector<8xf32>
      %reduce_sum3A_295 = vector.multi_reduction <add>, %select_n3A_293, %reduce_sum3A_294 [1] : vector<8x4096xf32> to vector<8xf32>
      %broadcast_in_dim3A_296 = vector.shape_cast %reduce_sum3A_295 : vector<8xf32> to vector<8x1xf32>
      %jit3A_297 = arith.constant 0.000000e+00 : f32
      %broadcast_in_dim3A_298 = vector.broadcast %jit3A_297 : f32 to vector<8x4096xf32>
      %select_n3A_299 = arith.select %eq3A_284, %get3A_7, %broadcast_in_dim3A_298 : vector<8x4096xi1>, vector<8x4096xf32>
      %reduce_sum3A_300 = arith.constant dense<0.000000e+00> : vector<8xf32>
      %reduce_sum3A_301 = vector.multi_reduction <add>, %select_n3A_299, %reduce_sum3A_300 [1] : vector<8x4096xf32> to vector<8xf32>
      %broadcast_in_dim3A_302 = vector.shape_cast %reduce_sum3A_301 : vector<8xf32> to vector<8x1xf32>
      %scan3A_303 = arith.constant 5 : i32
      %scan3A_304 = arith.addi %scan3A_27, %scan3A_303 : i32
      %eq3A_305 = vector.broadcast %scan3A_304 : i32 to vector<8x1024xi32>
      %eq3A_306 = arith.cmpi eq, %iota3A_8, %eq3A_305 : vector<8x1024xi32>
      %broadcast_in_dim3A_307 = vector.shape_cast %broadcast_in_dim3A_290 : vector<8x1xf32> to vector<8x1xf32>
      %broadcast_in_dim3A_308 = vector.broadcast %broadcast_in_dim3A_307 : vector<8x1xf32> to vector<8x1024xf32>
      %select_n3A_309 = arith.select %eq3A_306, %broadcast_in_dim3A_308, %select_n3A_253 : vector<8x1024xi1>, vector<8x1024xf32>
      %broadcast_in_dim3A_310 = vector.shape_cast %broadcast_in_dim3A_296 : vector<8x1xf32> to vector<8x1xf32>
      %broadcast_in_dim3A_311 = vector.broadcast %broadcast_in_dim3A_310 : vector<8x1xf32> to vector<8x1024xf32>
      %select_n3A_312 = arith.select %eq3A_306, %broadcast_in_dim3A_311, %select_n3A_256 : vector<8x1024xi1>, vector<8x1024xf32>
      %broadcast_in_dim3A_313 = vector.shape_cast %broadcast_in_dim3A_302 : vector<8x1xf32> to vector<8x1xf32>
      %broadcast_in_dim3A_314 = vector.broadcast %broadcast_in_dim3A_313 : vector<8x1xf32> to vector<8x1024xf32>
      %select_n3A_315 = arith.select %eq3A_306, %broadcast_in_dim3A_314, %select_n3A_259 : vector<8x1024xi1>, vector<8x1024xf32>
      %sub3A_316 = vector.broadcast %broadcast_in_dim3A_290 : vector<8x1xf32> to vector<8x4096xf32>
      %sub3A_317 = arith.subf %get3A_1, %sub3A_316 : vector<8x4096xf32>
      %sub3A_318 = vector.broadcast %broadcast_in_dim3A_296 : vector<8x1xf32> to vector<8x4096xf32>
      %sub3A_319 = arith.subf %get3A_4, %sub3A_318 : vector<8x4096xf32>
      %sub3A_320 = vector.broadcast %broadcast_in_dim3A_302 : vector<8x1xf32> to vector<8x4096xf32>
      %sub3A_321 = arith.subf %get3A_7, %sub3A_320 : vector<8x4096xf32>
      %mul3A_322 = arith.mulf %sub3A_317, %sub3A_317 : vector<8x4096xf32>
      %mul3A_323 = arith.mulf %sub3A_319, %sub3A_319 : vector<8x4096xf32>
      %add3A_324 = arith.addf %mul3A_322, %mul3A_323 : vector<8x4096xf32>
      %mul3A_325 = arith.mulf %sub3A_321, %sub3A_321 : vector<8x4096xf32>
      %add3A_326 = arith.addf %add3A_324, %mul3A_325 : vector<8x4096xf32>
      %min3A_327 = arith.minimumf %min3A_271, %add3A_326 : vector<8x4096xf32>
      %reduce_max3A_328 = arith.constant dense<0xFF800000> : vector<8xf32>
      %reduce_max3A_329 = vector.multi_reduction <maximumf>, %min3A_327, %reduce_max3A_328 [1] : vector<8x4096xf32> to vector<8xf32>
      %broadcast_in_dim3A_330 = vector.shape_cast %reduce_max3A_329 : vector<8xf32> to vector<8x1xf32>
      %eq3A_331 = vector.broadcast %broadcast_in_dim3A_330 : vector<8x1xf32> to vector<8x4096xf32>
      %eq3A_332 = arith.cmpf oeq, %min3A_327, %eq3A_331 : vector<8x4096xf32>
      %jit3A_333 = arith.constant 4.096000e+03 : f32
      %broadcast_in_dim3A_334 = vector.broadcast %jit3A_333 : f32 to vector<8x4096xf32>
      %select_n3A_335 = arith.select %eq3A_332, %convert_element_type3A, %broadcast_in_dim3A_334 : vector<8x4096xi1>, vector<8x4096xf32>
      %reduce_min3A_336 = arith.constant dense<0x7F800000> : vector<8xf32>
      %reduce_min3A_337 = vector.multi_reduction <minimumf>, %select_n3A_335, %reduce_min3A_336 [1] : vector<8x4096xf32> to vector<8xf32>
      %broadcast_in_dim3A_338 = vector.shape_cast %reduce_min3A_337 : vector<8xf32> to vector<8x1xf32>
      %eq3A_339 = vector.broadcast %broadcast_in_dim3A_338 : vector<8x1xf32> to vector<8x4096xf32>
      %eq3A_340 = arith.cmpf oeq, %convert_element_type3A, %eq3A_339 : vector<8x4096xf32>
      %jit3A_341 = arith.constant 0.000000e+00 : f32
      %broadcast_in_dim3A_342 = vector.broadcast %jit3A_341 : f32 to vector<8x4096xf32>
      %select_n3A_343 = arith.select %eq3A_340, %get3A_1, %broadcast_in_dim3A_342 : vector<8x4096xi1>, vector<8x4096xf32>
      %reduce_sum3A_344 = arith.constant dense<0.000000e+00> : vector<8xf32>
      %reduce_sum3A_345 = vector.multi_reduction <add>, %select_n3A_343, %reduce_sum3A_344 [1] : vector<8x4096xf32> to vector<8xf32>
      %broadcast_in_dim3A_346 = vector.shape_cast %reduce_sum3A_345 : vector<8xf32> to vector<8x1xf32>
      %jit3A_347 = arith.constant 0.000000e+00 : f32
      %broadcast_in_dim3A_348 = vector.broadcast %jit3A_347 : f32 to vector<8x4096xf32>
      %select_n3A_349 = arith.select %eq3A_340, %get3A_4, %broadcast_in_dim3A_348 : vector<8x4096xi1>, vector<8x4096xf32>
      %reduce_sum3A_350 = arith.constant dense<0.000000e+00> : vector<8xf32>
      %reduce_sum3A_351 = vector.multi_reduction <add>, %select_n3A_349, %reduce_sum3A_350 [1] : vector<8x4096xf32> to vector<8xf32>
      %broadcast_in_dim3A_352 = vector.shape_cast %reduce_sum3A_351 : vector<8xf32> to vector<8x1xf32>
      %jit3A_353 = arith.constant 0.000000e+00 : f32
      %broadcast_in_dim3A_354 = vector.broadcast %jit3A_353 : f32 to vector<8x4096xf32>
      %select_n3A_355 = arith.select %eq3A_340, %get3A_7, %broadcast_in_dim3A_354 : vector<8x4096xi1>, vector<8x4096xf32>
      %reduce_sum3A_356 = arith.constant dense<0.000000e+00> : vector<8xf32>
      %reduce_sum3A_357 = vector.multi_reduction <add>, %select_n3A_355, %reduce_sum3A_356 [1] : vector<8x4096xf32> to vector<8xf32>
      %broadcast_in_dim3A_358 = vector.shape_cast %reduce_sum3A_357 : vector<8xf32> to vector<8x1xf32>
      %scan3A_359 = arith.constant 6 : i32
      %scan3A_360 = arith.addi %scan3A_27, %scan3A_359 : i32
      %eq3A_361 = vector.broadcast %scan3A_360 : i32 to vector<8x1024xi32>
      %eq3A_362 = arith.cmpi eq, %iota3A_8, %eq3A_361 : vector<8x1024xi32>
      %broadcast_in_dim3A_363 = vector.shape_cast %broadcast_in_dim3A_346 : vector<8x1xf32> to vector<8x1xf32>
      %broadcast_in_dim3A_364 = vector.broadcast %broadcast_in_dim3A_363 : vector<8x1xf32> to vector<8x1024xf32>
      %select_n3A_365 = arith.select %eq3A_362, %broadcast_in_dim3A_364, %select_n3A_309 : vector<8x1024xi1>, vector<8x1024xf32>
      %broadcast_in_dim3A_366 = vector.shape_cast %broadcast_in_dim3A_352 : vector<8x1xf32> to vector<8x1xf32>
      %broadcast_in_dim3A_367 = vector.broadcast %broadcast_in_dim3A_366 : vector<8x1xf32> to vector<8x1024xf32>
      %select_n3A_368 = arith.select %eq3A_362, %broadcast_in_dim3A_367, %select_n3A_312 : vector<8x1024xi1>, vector<8x1024xf32>
      %broadcast_in_dim3A_369 = vector.shape_cast %broadcast_in_dim3A_358 : vector<8x1xf32> to vector<8x1xf32>
      %broadcast_in_dim3A_370 = vector.broadcast %broadcast_in_dim3A_369 : vector<8x1xf32> to vector<8x1024xf32>
      %select_n3A_371 = arith.select %eq3A_362, %broadcast_in_dim3A_370, %select_n3A_315 : vector<8x1024xi1>, vector<8x1024xf32>
      %sub3A_372 = vector.broadcast %broadcast_in_dim3A_346 : vector<8x1xf32> to vector<8x4096xf32>
      %sub3A_373 = arith.subf %get3A_1, %sub3A_372 : vector<8x4096xf32>
      %sub3A_374 = vector.broadcast %broadcast_in_dim3A_352 : vector<8x1xf32> to vector<8x4096xf32>
      %sub3A_375 = arith.subf %get3A_4, %sub3A_374 : vector<8x4096xf32>
      %sub3A_376 = vector.broadcast %broadcast_in_dim3A_358 : vector<8x1xf32> to vector<8x4096xf32>
      %sub3A_377 = arith.subf %get3A_7, %sub3A_376 : vector<8x4096xf32>
      %mul3A_378 = arith.mulf %sub3A_373, %sub3A_373 : vector<8x4096xf32>
      %mul3A_379 = arith.mulf %sub3A_375, %sub3A_375 : vector<8x4096xf32>
      %add3A_380 = arith.addf %mul3A_378, %mul3A_379 : vector<8x4096xf32>
      %mul3A_381 = arith.mulf %sub3A_377, %sub3A_377 : vector<8x4096xf32>
      %add3A_382 = arith.addf %add3A_380, %mul3A_381 : vector<8x4096xf32>
      %min3A_383 = arith.minimumf %min3A_327, %add3A_382 : vector<8x4096xf32>
      %reduce_max3A_384 = arith.constant dense<0xFF800000> : vector<8xf32>
      %reduce_max3A_385 = vector.multi_reduction <maximumf>, %min3A_383, %reduce_max3A_384 [1] : vector<8x4096xf32> to vector<8xf32>
      %broadcast_in_dim3A_386 = vector.shape_cast %reduce_max3A_385 : vector<8xf32> to vector<8x1xf32>
      %eq3A_387 = vector.broadcast %broadcast_in_dim3A_386 : vector<8x1xf32> to vector<8x4096xf32>
      %eq3A_388 = arith.cmpf oeq, %min3A_383, %eq3A_387 : vector<8x4096xf32>
      %jit3A_389 = arith.constant 4.096000e+03 : f32
      %broadcast_in_dim3A_390 = vector.broadcast %jit3A_389 : f32 to vector<8x4096xf32>
      %select_n3A_391 = arith.select %eq3A_388, %convert_element_type3A, %broadcast_in_dim3A_390 : vector<8x4096xi1>, vector<8x4096xf32>
      %reduce_min3A_392 = arith.constant dense<0x7F800000> : vector<8xf32>
      %reduce_min3A_393 = vector.multi_reduction <minimumf>, %select_n3A_391, %reduce_min3A_392 [1] : vector<8x4096xf32> to vector<8xf32>
      %broadcast_in_dim3A_394 = vector.shape_cast %reduce_min3A_393 : vector<8xf32> to vector<8x1xf32>
      %eq3A_395 = vector.broadcast %broadcast_in_dim3A_394 : vector<8x1xf32> to vector<8x4096xf32>
      %eq3A_396 = arith.cmpf oeq, %convert_element_type3A, %eq3A_395 : vector<8x4096xf32>
      %jit3A_397 = arith.constant 0.000000e+00 : f32
      %broadcast_in_dim3A_398 = vector.broadcast %jit3A_397 : f32 to vector<8x4096xf32>
      %select_n3A_399 = arith.select %eq3A_396, %get3A_1, %broadcast_in_dim3A_398 : vector<8x4096xi1>, vector<8x4096xf32>
      %reduce_sum3A_400 = arith.constant dense<0.000000e+00> : vector<8xf32>
      %reduce_sum3A_401 = vector.multi_reduction <add>, %select_n3A_399, %reduce_sum3A_400 [1] : vector<8x4096xf32> to vector<8xf32>
      %broadcast_in_dim3A_402 = vector.shape_cast %reduce_sum3A_401 : vector<8xf32> to vector<8x1xf32>
      %jit3A_403 = arith.constant 0.000000e+00 : f32
      %broadcast_in_dim3A_404 = vector.broadcast %jit3A_403 : f32 to vector<8x4096xf32>
      %select_n3A_405 = arith.select %eq3A_396, %get3A_4, %broadcast_in_dim3A_404 : vector<8x4096xi1>, vector<8x4096xf32>
      %reduce_sum3A_406 = arith.constant dense<0.000000e+00> : vector<8xf32>
      %reduce_sum3A_407 = vector.multi_reduction <add>, %select_n3A_405, %reduce_sum3A_406 [1] : vector<8x4096xf32> to vector<8xf32>
      %broadcast_in_dim3A_408 = vector.shape_cast %reduce_sum3A_407 : vector<8xf32> to vector<8x1xf32>
      %jit3A_409 = arith.constant 0.000000e+00 : f32
      %broadcast_in_dim3A_410 = vector.broadcast %jit3A_409 : f32 to vector<8x4096xf32>
      %select_n3A_411 = arith.select %eq3A_396, %get3A_7, %broadcast_in_dim3A_410 : vector<8x4096xi1>, vector<8x4096xf32>
      %reduce_sum3A_412 = arith.constant dense<0.000000e+00> : vector<8xf32>
      %reduce_sum3A_413 = vector.multi_reduction <add>, %select_n3A_411, %reduce_sum3A_412 [1] : vector<8x4096xf32> to vector<8xf32>
      %broadcast_in_dim3A_414 = vector.shape_cast %reduce_sum3A_413 : vector<8xf32> to vector<8x1xf32>
      %scan3A_415 = arith.constant 7 : i32
      %scan3A_416 = arith.addi %scan3A_27, %scan3A_415 : i32
      %eq3A_417 = vector.broadcast %scan3A_416 : i32 to vector<8x1024xi32>
      %eq3A_418 = arith.cmpi eq, %iota3A_8, %eq3A_417 : vector<8x1024xi32>
      %broadcast_in_dim3A_419 = vector.shape_cast %broadcast_in_dim3A_402 : vector<8x1xf32> to vector<8x1xf32>
      %broadcast_in_dim3A_420 = vector.broadcast %broadcast_in_dim3A_419 : vector<8x1xf32> to vector<8x1024xf32>
      %select_n3A_421 = arith.select %eq3A_418, %broadcast_in_dim3A_420, %select_n3A_365 : vector<8x1024xi1>, vector<8x1024xf32>
      %broadcast_in_dim3A_422 = vector.shape_cast %broadcast_in_dim3A_408 : vector<8x1xf32> to vector<8x1xf32>
      %broadcast_in_dim3A_423 = vector.broadcast %broadcast_in_dim3A_422 : vector<8x1xf32> to vector<8x1024xf32>
      %select_n3A_424 = arith.select %eq3A_418, %broadcast_in_dim3A_423, %select_n3A_368 : vector<8x1024xi1>, vector<8x1024xf32>
      %broadcast_in_dim3A_425 = vector.shape_cast %broadcast_in_dim3A_414 : vector<8x1xf32> to vector<8x1xf32>
      %broadcast_in_dim3A_426 = vector.broadcast %broadcast_in_dim3A_425 : vector<8x1xf32> to vector<8x1024xf32>
      %select_n3A_427 = arith.select %eq3A_418, %broadcast_in_dim3A_426, %select_n3A_371 : vector<8x1024xi1>, vector<8x1024xf32>
      %sub3A_428 = vector.broadcast %broadcast_in_dim3A_402 : vector<8x1xf32> to vector<8x4096xf32>
      %sub3A_429 = arith.subf %get3A_1, %sub3A_428 : vector<8x4096xf32>
      %sub3A_430 = vector.broadcast %broadcast_in_dim3A_408 : vector<8x1xf32> to vector<8x4096xf32>
      %sub3A_431 = arith.subf %get3A_4, %sub3A_430 : vector<8x4096xf32>
      %sub3A_432 = vector.broadcast %broadcast_in_dim3A_414 : vector<8x1xf32> to vector<8x4096xf32>
      %sub3A_433 = arith.subf %get3A_7, %sub3A_432 : vector<8x4096xf32>
      %mul3A_434 = arith.mulf %sub3A_429, %sub3A_429 : vector<8x4096xf32>
      %mul3A_435 = arith.mulf %sub3A_431, %sub3A_431 : vector<8x4096xf32>
      %add3A_436 = arith.addf %mul3A_434, %mul3A_435 : vector<8x4096xf32>
      %mul3A_437 = arith.mulf %sub3A_433, %sub3A_433 : vector<8x4096xf32>
      %add3A_438 = arith.addf %add3A_436, %mul3A_437 : vector<8x4096xf32>
      %min3A_439 = arith.minimumf %min3A_383, %add3A_438 : vector<8x4096xf32>
      %reduce_max3A_440 = arith.constant dense<0xFF800000> : vector<8xf32>
      %reduce_max3A_441 = vector.multi_reduction <maximumf>, %min3A_439, %reduce_max3A_440 [1] : vector<8x4096xf32> to vector<8xf32>
      %broadcast_in_dim3A_442 = vector.shape_cast %reduce_max3A_441 : vector<8xf32> to vector<8x1xf32>
      %eq3A_443 = vector.broadcast %broadcast_in_dim3A_442 : vector<8x1xf32> to vector<8x4096xf32>
      %eq3A_444 = arith.cmpf oeq, %min3A_439, %eq3A_443 : vector<8x4096xf32>
      %jit3A_445 = arith.constant 4.096000e+03 : f32
      %broadcast_in_dim3A_446 = vector.broadcast %jit3A_445 : f32 to vector<8x4096xf32>
      %select_n3A_447 = arith.select %eq3A_444, %convert_element_type3A, %broadcast_in_dim3A_446 : vector<8x4096xi1>, vector<8x4096xf32>
      %reduce_min3A_448 = arith.constant dense<0x7F800000> : vector<8xf32>
      %reduce_min3A_449 = vector.multi_reduction <minimumf>, %select_n3A_447, %reduce_min3A_448 [1] : vector<8x4096xf32> to vector<8xf32>
      %broadcast_in_dim3A_450 = vector.shape_cast %reduce_min3A_449 : vector<8xf32> to vector<8x1xf32>
      %eq3A_451 = vector.broadcast %broadcast_in_dim3A_450 : vector<8x1xf32> to vector<8x4096xf32>
      %eq3A_452 = arith.cmpf oeq, %convert_element_type3A, %eq3A_451 : vector<8x4096xf32>
      %jit3A_453 = arith.constant 0.000000e+00 : f32
      %broadcast_in_dim3A_454 = vector.broadcast %jit3A_453 : f32 to vector<8x4096xf32>
      %select_n3A_455 = arith.select %eq3A_452, %get3A_1, %broadcast_in_dim3A_454 : vector<8x4096xi1>, vector<8x4096xf32>
      %reduce_sum3A_456 = arith.constant dense<0.000000e+00> : vector<8xf32>
      %reduce_sum3A_457 = vector.multi_reduction <add>, %select_n3A_455, %reduce_sum3A_456 [1] : vector<8x4096xf32> to vector<8xf32>
      %broadcast_in_dim3A_458 = vector.shape_cast %reduce_sum3A_457 : vector<8xf32> to vector<8x1xf32>
      %jit3A_459 = arith.constant 0.000000e+00 : f32
      %broadcast_in_dim3A_460 = vector.broadcast %jit3A_459 : f32 to vector<8x4096xf32>
      %select_n3A_461 = arith.select %eq3A_452, %get3A_4, %broadcast_in_dim3A_460 : vector<8x4096xi1>, vector<8x4096xf32>
      %reduce_sum3A_462 = arith.constant dense<0.000000e+00> : vector<8xf32>
      %reduce_sum3A_463 = vector.multi_reduction <add>, %select_n3A_461, %reduce_sum3A_462 [1] : vector<8x4096xf32> to vector<8xf32>
      %broadcast_in_dim3A_464 = vector.shape_cast %reduce_sum3A_463 : vector<8xf32> to vector<8x1xf32>
      %jit3A_465 = arith.constant 0.000000e+00 : f32
      %broadcast_in_dim3A_466 = vector.broadcast %jit3A_465 : f32 to vector<8x4096xf32>
      %select_n3A_467 = arith.select %eq3A_452, %get3A_7, %broadcast_in_dim3A_466 : vector<8x4096xi1>, vector<8x4096xf32>
      %reduce_sum3A_468 = arith.constant dense<0.000000e+00> : vector<8xf32>
      %reduce_sum3A_469 = vector.multi_reduction <add>, %select_n3A_467, %reduce_sum3A_468 [1] : vector<8x4096xf32> to vector<8xf32>
      %broadcast_in_dim3A_470 = vector.shape_cast %reduce_sum3A_469 : vector<8xf32> to vector<8x1xf32>
      %scan3A_471 = arith.constant 8 : i32
      %scan3A_472 = arith.addi %scan3A_27, %scan3A_471 : i32
      %eq3A_473 = vector.broadcast %scan3A_472 : i32 to vector<8x1024xi32>
      %eq3A_474 = arith.cmpi eq, %iota3A_8, %eq3A_473 : vector<8x1024xi32>
      %broadcast_in_dim3A_475 = vector.shape_cast %broadcast_in_dim3A_458 : vector<8x1xf32> to vector<8x1xf32>
      %broadcast_in_dim3A_476 = vector.broadcast %broadcast_in_dim3A_475 : vector<8x1xf32> to vector<8x1024xf32>
      %select_n3A_477 = arith.select %eq3A_474, %broadcast_in_dim3A_476, %select_n3A_421 : vector<8x1024xi1>, vector<8x1024xf32>
      %broadcast_in_dim3A_478 = vector.shape_cast %broadcast_in_dim3A_464 : vector<8x1xf32> to vector<8x1xf32>
      %broadcast_in_dim3A_479 = vector.broadcast %broadcast_in_dim3A_478 : vector<8x1xf32> to vector<8x1024xf32>
      %select_n3A_480 = arith.select %eq3A_474, %broadcast_in_dim3A_479, %select_n3A_424 : vector<8x1024xi1>, vector<8x1024xf32>
      %broadcast_in_dim3A_481 = vector.shape_cast %broadcast_in_dim3A_470 : vector<8x1xf32> to vector<8x1xf32>
      %broadcast_in_dim3A_482 = vector.broadcast %broadcast_in_dim3A_481 : vector<8x1xf32> to vector<8x1024xf32>
      %select_n3A_483 = arith.select %eq3A_474, %broadcast_in_dim3A_482, %select_n3A_427 : vector<8x1024xi1>, vector<8x1024xf32>
      %sub3A_484 = vector.broadcast %broadcast_in_dim3A_458 : vector<8x1xf32> to vector<8x4096xf32>
      %sub3A_485 = arith.subf %get3A_1, %sub3A_484 : vector<8x4096xf32>
      %sub3A_486 = vector.broadcast %broadcast_in_dim3A_464 : vector<8x1xf32> to vector<8x4096xf32>
      %sub3A_487 = arith.subf %get3A_4, %sub3A_486 : vector<8x4096xf32>
      %sub3A_488 = vector.broadcast %broadcast_in_dim3A_470 : vector<8x1xf32> to vector<8x4096xf32>
      %sub3A_489 = arith.subf %get3A_7, %sub3A_488 : vector<8x4096xf32>
      %mul3A_490 = arith.mulf %sub3A_485, %sub3A_485 : vector<8x4096xf32>
      %mul3A_491 = arith.mulf %sub3A_487, %sub3A_487 : vector<8x4096xf32>
      %add3A_492 = arith.addf %mul3A_490, %mul3A_491 : vector<8x4096xf32>
      %mul3A_493 = arith.mulf %sub3A_489, %sub3A_489 : vector<8x4096xf32>
      %add3A_494 = arith.addf %add3A_492, %mul3A_493 : vector<8x4096xf32>
      %min3A_495 = arith.minimumf %min3A_439, %add3A_494 : vector<8x4096xf32>
      %reduce_max3A_496 = arith.constant dense<0xFF800000> : vector<8xf32>
      %reduce_max3A_497 = vector.multi_reduction <maximumf>, %min3A_495, %reduce_max3A_496 [1] : vector<8x4096xf32> to vector<8xf32>
      %broadcast_in_dim3A_498 = vector.shape_cast %reduce_max3A_497 : vector<8xf32> to vector<8x1xf32>
      %eq3A_499 = vector.broadcast %broadcast_in_dim3A_498 : vector<8x1xf32> to vector<8x4096xf32>
      %eq3A_500 = arith.cmpf oeq, %min3A_495, %eq3A_499 : vector<8x4096xf32>
      %jit3A_501 = arith.constant 4.096000e+03 : f32
      %broadcast_in_dim3A_502 = vector.broadcast %jit3A_501 : f32 to vector<8x4096xf32>
      %select_n3A_503 = arith.select %eq3A_500, %convert_element_type3A, %broadcast_in_dim3A_502 : vector<8x4096xi1>, vector<8x4096xf32>
      %reduce_min3A_504 = arith.constant dense<0x7F800000> : vector<8xf32>
      %reduce_min3A_505 = vector.multi_reduction <minimumf>, %select_n3A_503, %reduce_min3A_504 [1] : vector<8x4096xf32> to vector<8xf32>
      %broadcast_in_dim3A_506 = vector.shape_cast %reduce_min3A_505 : vector<8xf32> to vector<8x1xf32>
      %eq3A_507 = vector.broadcast %broadcast_in_dim3A_506 : vector<8x1xf32> to vector<8x4096xf32>
      %eq3A_508 = arith.cmpf oeq, %convert_element_type3A, %eq3A_507 : vector<8x4096xf32>
      %jit3A_509 = arith.constant 0.000000e+00 : f32
      %broadcast_in_dim3A_510 = vector.broadcast %jit3A_509 : f32 to vector<8x4096xf32>
      %select_n3A_511 = arith.select %eq3A_508, %get3A_1, %broadcast_in_dim3A_510 : vector<8x4096xi1>, vector<8x4096xf32>
      %reduce_sum3A_512 = arith.constant dense<0.000000e+00> : vector<8xf32>
      %reduce_sum3A_513 = vector.multi_reduction <add>, %select_n3A_511, %reduce_sum3A_512 [1] : vector<8x4096xf32> to vector<8xf32>
      %broadcast_in_dim3A_514 = vector.shape_cast %reduce_sum3A_513 : vector<8xf32> to vector<8x1xf32>
      %jit3A_515 = arith.constant 0.000000e+00 : f32
      %broadcast_in_dim3A_516 = vector.broadcast %jit3A_515 : f32 to vector<8x4096xf32>
      %select_n3A_517 = arith.select %eq3A_508, %get3A_4, %broadcast_in_dim3A_516 : vector<8x4096xi1>, vector<8x4096xf32>
      %reduce_sum3A_518 = arith.constant dense<0.000000e+00> : vector<8xf32>
      %reduce_sum3A_519 = vector.multi_reduction <add>, %select_n3A_517, %reduce_sum3A_518 [1] : vector<8x4096xf32> to vector<8xf32>
      %broadcast_in_dim3A_520 = vector.shape_cast %reduce_sum3A_519 : vector<8xf32> to vector<8x1xf32>
      %jit3A_521 = arith.constant 0.000000e+00 : f32
      %broadcast_in_dim3A_522 = vector.broadcast %jit3A_521 : f32 to vector<8x4096xf32>
      %select_n3A_523 = arith.select %eq3A_508, %get3A_7, %broadcast_in_dim3A_522 : vector<8x4096xi1>, vector<8x4096xf32>
      %reduce_sum3A_524 = arith.constant dense<0.000000e+00> : vector<8xf32>
      %reduce_sum3A_525 = vector.multi_reduction <add>, %select_n3A_523, %reduce_sum3A_524 [1] : vector<8x4096xf32> to vector<8xf32>
      %broadcast_in_dim3A_526 = vector.shape_cast %reduce_sum3A_525 : vector<8xf32> to vector<8x1xf32>
      %scan3A_527 = arith.constant 9 : i32
      %scan3A_528 = arith.addi %scan3A_27, %scan3A_527 : i32
      %eq3A_529 = vector.broadcast %scan3A_528 : i32 to vector<8x1024xi32>
      %eq3A_530 = arith.cmpi eq, %iota3A_8, %eq3A_529 : vector<8x1024xi32>
      %broadcast_in_dim3A_531 = vector.shape_cast %broadcast_in_dim3A_514 : vector<8x1xf32> to vector<8x1xf32>
      %broadcast_in_dim3A_532 = vector.broadcast %broadcast_in_dim3A_531 : vector<8x1xf32> to vector<8x1024xf32>
      %select_n3A_533 = arith.select %eq3A_530, %broadcast_in_dim3A_532, %select_n3A_477 : vector<8x1024xi1>, vector<8x1024xf32>
      %broadcast_in_dim3A_534 = vector.shape_cast %broadcast_in_dim3A_520 : vector<8x1xf32> to vector<8x1xf32>
      %broadcast_in_dim3A_535 = vector.broadcast %broadcast_in_dim3A_534 : vector<8x1xf32> to vector<8x1024xf32>
      %select_n3A_536 = arith.select %eq3A_530, %broadcast_in_dim3A_535, %select_n3A_480 : vector<8x1024xi1>, vector<8x1024xf32>
      %broadcast_in_dim3A_537 = vector.shape_cast %broadcast_in_dim3A_526 : vector<8x1xf32> to vector<8x1xf32>
      %broadcast_in_dim3A_538 = vector.broadcast %broadcast_in_dim3A_537 : vector<8x1xf32> to vector<8x1024xf32>
      %select_n3A_539 = arith.select %eq3A_530, %broadcast_in_dim3A_538, %select_n3A_483 : vector<8x1024xi1>, vector<8x1024xf32>
      %sub3A_540 = vector.broadcast %broadcast_in_dim3A_514 : vector<8x1xf32> to vector<8x4096xf32>
      %sub3A_541 = arith.subf %get3A_1, %sub3A_540 : vector<8x4096xf32>
      %sub3A_542 = vector.broadcast %broadcast_in_dim3A_520 : vector<8x1xf32> to vector<8x4096xf32>
      %sub3A_543 = arith.subf %get3A_4, %sub3A_542 : vector<8x4096xf32>
      %sub3A_544 = vector.broadcast %broadcast_in_dim3A_526 : vector<8x1xf32> to vector<8x4096xf32>
      %sub3A_545 = arith.subf %get3A_7, %sub3A_544 : vector<8x4096xf32>
      %mul3A_546 = arith.mulf %sub3A_541, %sub3A_541 : vector<8x4096xf32>
      %mul3A_547 = arith.mulf %sub3A_543, %sub3A_543 : vector<8x4096xf32>
      %add3A_548 = arith.addf %mul3A_546, %mul3A_547 : vector<8x4096xf32>
      %mul3A_549 = arith.mulf %sub3A_545, %sub3A_545 : vector<8x4096xf32>
      %add3A_550 = arith.addf %add3A_548, %mul3A_549 : vector<8x4096xf32>
      %min3A_551 = arith.minimumf %min3A_495, %add3A_550 : vector<8x4096xf32>
      %reduce_max3A_552 = arith.constant dense<0xFF800000> : vector<8xf32>
      %reduce_max3A_553 = vector.multi_reduction <maximumf>, %min3A_551, %reduce_max3A_552 [1] : vector<8x4096xf32> to vector<8xf32>
      %broadcast_in_dim3A_554 = vector.shape_cast %reduce_max3A_553 : vector<8xf32> to vector<8x1xf32>
      %eq3A_555 = vector.broadcast %broadcast_in_dim3A_554 : vector<8x1xf32> to vector<8x4096xf32>
      %eq3A_556 = arith.cmpf oeq, %min3A_551, %eq3A_555 : vector<8x4096xf32>
      %jit3A_557 = arith.constant 4.096000e+03 : f32
      %broadcast_in_dim3A_558 = vector.broadcast %jit3A_557 : f32 to vector<8x4096xf32>
      %select_n3A_559 = arith.select %eq3A_556, %convert_element_type3A, %broadcast_in_dim3A_558 : vector<8x4096xi1>, vector<8x4096xf32>
      %reduce_min3A_560 = arith.constant dense<0x7F800000> : vector<8xf32>
      %reduce_min3A_561 = vector.multi_reduction <minimumf>, %select_n3A_559, %reduce_min3A_560 [1] : vector<8x4096xf32> to vector<8xf32>
      %broadcast_in_dim3A_562 = vector.shape_cast %reduce_min3A_561 : vector<8xf32> to vector<8x1xf32>
      %eq3A_563 = vector.broadcast %broadcast_in_dim3A_562 : vector<8x1xf32> to vector<8x4096xf32>
      %eq3A_564 = arith.cmpf oeq, %convert_element_type3A, %eq3A_563 : vector<8x4096xf32>
      %jit3A_565 = arith.constant 0.000000e+00 : f32
      %broadcast_in_dim3A_566 = vector.broadcast %jit3A_565 : f32 to vector<8x4096xf32>
      %select_n3A_567 = arith.select %eq3A_564, %get3A_1, %broadcast_in_dim3A_566 : vector<8x4096xi1>, vector<8x4096xf32>
      %reduce_sum3A_568 = arith.constant dense<0.000000e+00> : vector<8xf32>
      %reduce_sum3A_569 = vector.multi_reduction <add>, %select_n3A_567, %reduce_sum3A_568 [1] : vector<8x4096xf32> to vector<8xf32>
      %broadcast_in_dim3A_570 = vector.shape_cast %reduce_sum3A_569 : vector<8xf32> to vector<8x1xf32>
      %jit3A_571 = arith.constant 0.000000e+00 : f32
      %broadcast_in_dim3A_572 = vector.broadcast %jit3A_571 : f32 to vector<8x4096xf32>
      %select_n3A_573 = arith.select %eq3A_564, %get3A_4, %broadcast_in_dim3A_572 : vector<8x4096xi1>, vector<8x4096xf32>
      %reduce_sum3A_574 = arith.constant dense<0.000000e+00> : vector<8xf32>
      %reduce_sum3A_575 = vector.multi_reduction <add>, %select_n3A_573, %reduce_sum3A_574 [1] : vector<8x4096xf32> to vector<8xf32>
      %broadcast_in_dim3A_576 = vector.shape_cast %reduce_sum3A_575 : vector<8xf32> to vector<8x1xf32>
      %jit3A_577 = arith.constant 0.000000e+00 : f32
      %broadcast_in_dim3A_578 = vector.broadcast %jit3A_577 : f32 to vector<8x4096xf32>
      %select_n3A_579 = arith.select %eq3A_564, %get3A_7, %broadcast_in_dim3A_578 : vector<8x4096xi1>, vector<8x4096xf32>
      %reduce_sum3A_580 = arith.constant dense<0.000000e+00> : vector<8xf32>
      %reduce_sum3A_581 = vector.multi_reduction <add>, %select_n3A_579, %reduce_sum3A_580 [1] : vector<8x4096xf32> to vector<8xf32>
      %broadcast_in_dim3A_582 = vector.shape_cast %reduce_sum3A_581 : vector<8xf32> to vector<8x1xf32>
      %scan3A_583 = arith.constant 10 : i32
      %scan3A_584 = arith.addi %scan3A_27, %scan3A_583 : i32
      %eq3A_585 = vector.broadcast %scan3A_584 : i32 to vector<8x1024xi32>
      %eq3A_586 = arith.cmpi eq, %iota3A_8, %eq3A_585 : vector<8x1024xi32>
      %broadcast_in_dim3A_587 = vector.shape_cast %broadcast_in_dim3A_570 : vector<8x1xf32> to vector<8x1xf32>
      %broadcast_in_dim3A_588 = vector.broadcast %broadcast_in_dim3A_587 : vector<8x1xf32> to vector<8x1024xf32>
      %select_n3A_589 = arith.select %eq3A_586, %broadcast_in_dim3A_588, %select_n3A_533 : vector<8x1024xi1>, vector<8x1024xf32>
      %broadcast_in_dim3A_590 = vector.shape_cast %broadcast_in_dim3A_576 : vector<8x1xf32> to vector<8x1xf32>
      %broadcast_in_dim3A_591 = vector.broadcast %broadcast_in_dim3A_590 : vector<8x1xf32> to vector<8x1024xf32>
      %select_n3A_592 = arith.select %eq3A_586, %broadcast_in_dim3A_591, %select_n3A_536 : vector<8x1024xi1>, vector<8x1024xf32>
      %broadcast_in_dim3A_593 = vector.shape_cast %broadcast_in_dim3A_582 : vector<8x1xf32> to vector<8x1xf32>
      %broadcast_in_dim3A_594 = vector.broadcast %broadcast_in_dim3A_593 : vector<8x1xf32> to vector<8x1024xf32>
      %select_n3A_595 = arith.select %eq3A_586, %broadcast_in_dim3A_594, %select_n3A_539 : vector<8x1024xi1>, vector<8x1024xf32>
      %sub3A_596 = vector.broadcast %broadcast_in_dim3A_570 : vector<8x1xf32> to vector<8x4096xf32>
      %sub3A_597 = arith.subf %get3A_1, %sub3A_596 : vector<8x4096xf32>
      %sub3A_598 = vector.broadcast %broadcast_in_dim3A_576 : vector<8x1xf32> to vector<8x4096xf32>
      %sub3A_599 = arith.subf %get3A_4, %sub3A_598 : vector<8x4096xf32>
      %sub3A_600 = vector.broadcast %broadcast_in_dim3A_582 : vector<8x1xf32> to vector<8x4096xf32>
      %sub3A_601 = arith.subf %get3A_7, %sub3A_600 : vector<8x4096xf32>
      %mul3A_602 = arith.mulf %sub3A_597, %sub3A_597 : vector<8x4096xf32>
      %mul3A_603 = arith.mulf %sub3A_599, %sub3A_599 : vector<8x4096xf32>
      %add3A_604 = arith.addf %mul3A_602, %mul3A_603 : vector<8x4096xf32>
      %mul3A_605 = arith.mulf %sub3A_601, %sub3A_601 : vector<8x4096xf32>
      %add3A_606 = arith.addf %add3A_604, %mul3A_605 : vector<8x4096xf32>
      %min3A_607 = arith.minimumf %min3A_551, %add3A_606 : vector<8x4096xf32>
      %reduce_max3A_608 = arith.constant dense<0xFF800000> : vector<8xf32>
      %reduce_max3A_609 = vector.multi_reduction <maximumf>, %min3A_607, %reduce_max3A_608 [1] : vector<8x4096xf32> to vector<8xf32>
      %broadcast_in_dim3A_610 = vector.shape_cast %reduce_max3A_609 : vector<8xf32> to vector<8x1xf32>
      %eq3A_611 = vector.broadcast %broadcast_in_dim3A_610 : vector<8x1xf32> to vector<8x4096xf32>
      %eq3A_612 = arith.cmpf oeq, %min3A_607, %eq3A_611 : vector<8x4096xf32>
      %jit3A_613 = arith.constant 4.096000e+03 : f32
      %broadcast_in_dim3A_614 = vector.broadcast %jit3A_613 : f32 to vector<8x4096xf32>
      %select_n3A_615 = arith.select %eq3A_612, %convert_element_type3A, %broadcast_in_dim3A_614 : vector<8x4096xi1>, vector<8x4096xf32>
      %reduce_min3A_616 = arith.constant dense<0x7F800000> : vector<8xf32>
      %reduce_min3A_617 = vector.multi_reduction <minimumf>, %select_n3A_615, %reduce_min3A_616 [1] : vector<8x4096xf32> to vector<8xf32>
      %broadcast_in_dim3A_618 = vector.shape_cast %reduce_min3A_617 : vector<8xf32> to vector<8x1xf32>
      %eq3A_619 = vector.broadcast %broadcast_in_dim3A_618 : vector<8x1xf32> to vector<8x4096xf32>
      %eq3A_620 = arith.cmpf oeq, %convert_element_type3A, %eq3A_619 : vector<8x4096xf32>
      %jit3A_621 = arith.constant 0.000000e+00 : f32
      %broadcast_in_dim3A_622 = vector.broadcast %jit3A_621 : f32 to vector<8x4096xf32>
      %select_n3A_623 = arith.select %eq3A_620, %get3A_1, %broadcast_in_dim3A_622 : vector<8x4096xi1>, vector<8x4096xf32>
      %reduce_sum3A_624 = arith.constant dense<0.000000e+00> : vector<8xf32>
      %reduce_sum3A_625 = vector.multi_reduction <add>, %select_n3A_623, %reduce_sum3A_624 [1] : vector<8x4096xf32> to vector<8xf32>
      %broadcast_in_dim3A_626 = vector.shape_cast %reduce_sum3A_625 : vector<8xf32> to vector<8x1xf32>
      %jit3A_627 = arith.constant 0.000000e+00 : f32
      %broadcast_in_dim3A_628 = vector.broadcast %jit3A_627 : f32 to vector<8x4096xf32>
      %select_n3A_629 = arith.select %eq3A_620, %get3A_4, %broadcast_in_dim3A_628 : vector<8x4096xi1>, vector<8x4096xf32>
      %reduce_sum3A_630 = arith.constant dense<0.000000e+00> : vector<8xf32>
      %reduce_sum3A_631 = vector.multi_reduction <add>, %select_n3A_629, %reduce_sum3A_630 [1] : vector<8x4096xf32> to vector<8xf32>
      %broadcast_in_dim3A_632 = vector.shape_cast %reduce_sum3A_631 : vector<8xf32> to vector<8x1xf32>
      %jit3A_633 = arith.constant 0.000000e+00 : f32
      %broadcast_in_dim3A_634 = vector.broadcast %jit3A_633 : f32 to vector<8x4096xf32>
      %select_n3A_635 = arith.select %eq3A_620, %get3A_7, %broadcast_in_dim3A_634 : vector<8x4096xi1>, vector<8x4096xf32>
      %reduce_sum3A_636 = arith.constant dense<0.000000e+00> : vector<8xf32>
      %reduce_sum3A_637 = vector.multi_reduction <add>, %select_n3A_635, %reduce_sum3A_636 [1] : vector<8x4096xf32> to vector<8xf32>
      %broadcast_in_dim3A_638 = vector.shape_cast %reduce_sum3A_637 : vector<8xf32> to vector<8x1xf32>
      %scan3A_639 = arith.constant 11 : i32
      %scan3A_640 = arith.addi %scan3A_27, %scan3A_639 : i32
      %eq3A_641 = vector.broadcast %scan3A_640 : i32 to vector<8x1024xi32>
      %eq3A_642 = arith.cmpi eq, %iota3A_8, %eq3A_641 : vector<8x1024xi32>
      %broadcast_in_dim3A_643 = vector.shape_cast %broadcast_in_dim3A_626 : vector<8x1xf32> to vector<8x1xf32>
      %broadcast_in_dim3A_644 = vector.broadcast %broadcast_in_dim3A_643 : vector<8x1xf32> to vector<8x1024xf32>
      %select_n3A_645 = arith.select %eq3A_642, %broadcast_in_dim3A_644, %select_n3A_589 : vector<8x1024xi1>, vector<8x1024xf32>
      %broadcast_in_dim3A_646 = vector.shape_cast %broadcast_in_dim3A_632 : vector<8x1xf32> to vector<8x1xf32>
      %broadcast_in_dim3A_647 = vector.broadcast %broadcast_in_dim3A_646 : vector<8x1xf32> to vector<8x1024xf32>
      %select_n3A_648 = arith.select %eq3A_642, %broadcast_in_dim3A_647, %select_n3A_592 : vector<8x1024xi1>, vector<8x1024xf32>
      %broadcast_in_dim3A_649 = vector.shape_cast %broadcast_in_dim3A_638 : vector<8x1xf32> to vector<8x1xf32>
      %broadcast_in_dim3A_650 = vector.broadcast %broadcast_in_dim3A_649 : vector<8x1xf32> to vector<8x1024xf32>
      %select_n3A_651 = arith.select %eq3A_642, %broadcast_in_dim3A_650, %select_n3A_595 : vector<8x1024xi1>, vector<8x1024xf32>
      %sub3A_652 = vector.broadcast %broadcast_in_dim3A_626 : vector<8x1xf32> to vector<8x4096xf32>
      %sub3A_653 = arith.subf %get3A_1, %sub3A_652 : vector<8x4096xf32>
      %sub3A_654 = vector.broadcast %broadcast_in_dim3A_632 : vector<8x1xf32> to vector<8x4096xf32>
      %sub3A_655 = arith.subf %get3A_4, %sub3A_654 : vector<8x4096xf32>
      %sub3A_656 = vector.broadcast %broadcast_in_dim3A_638 : vector<8x1xf32> to vector<8x4096xf32>
      %sub3A_657 = arith.subf %get3A_7, %sub3A_656 : vector<8x4096xf32>
      %mul3A_658 = arith.mulf %sub3A_653, %sub3A_653 : vector<8x4096xf32>
      %mul3A_659 = arith.mulf %sub3A_655, %sub3A_655 : vector<8x4096xf32>
      %add3A_660 = arith.addf %mul3A_658, %mul3A_659 : vector<8x4096xf32>
      %mul3A_661 = arith.mulf %sub3A_657, %sub3A_657 : vector<8x4096xf32>
      %add3A_662 = arith.addf %add3A_660, %mul3A_661 : vector<8x4096xf32>
      %min3A_663 = arith.minimumf %min3A_607, %add3A_662 : vector<8x4096xf32>
      %reduce_max3A_664 = arith.constant dense<0xFF800000> : vector<8xf32>
      %reduce_max3A_665 = vector.multi_reduction <maximumf>, %min3A_663, %reduce_max3A_664 [1] : vector<8x4096xf32> to vector<8xf32>
      %broadcast_in_dim3A_666 = vector.shape_cast %reduce_max3A_665 : vector<8xf32> to vector<8x1xf32>
      %eq3A_667 = vector.broadcast %broadcast_in_dim3A_666 : vector<8x1xf32> to vector<8x4096xf32>
      %eq3A_668 = arith.cmpf oeq, %min3A_663, %eq3A_667 : vector<8x4096xf32>
      %jit3A_669 = arith.constant 4.096000e+03 : f32
      %broadcast_in_dim3A_670 = vector.broadcast %jit3A_669 : f32 to vector<8x4096xf32>
      %select_n3A_671 = arith.select %eq3A_668, %convert_element_type3A, %broadcast_in_dim3A_670 : vector<8x4096xi1>, vector<8x4096xf32>
      %reduce_min3A_672 = arith.constant dense<0x7F800000> : vector<8xf32>
      %reduce_min3A_673 = vector.multi_reduction <minimumf>, %select_n3A_671, %reduce_min3A_672 [1] : vector<8x4096xf32> to vector<8xf32>
      %broadcast_in_dim3A_674 = vector.shape_cast %reduce_min3A_673 : vector<8xf32> to vector<8x1xf32>
      %eq3A_675 = vector.broadcast %broadcast_in_dim3A_674 : vector<8x1xf32> to vector<8x4096xf32>
      %eq3A_676 = arith.cmpf oeq, %convert_element_type3A, %eq3A_675 : vector<8x4096xf32>
      %jit3A_677 = arith.constant 0.000000e+00 : f32
      %broadcast_in_dim3A_678 = vector.broadcast %jit3A_677 : f32 to vector<8x4096xf32>
      %select_n3A_679 = arith.select %eq3A_676, %get3A_1, %broadcast_in_dim3A_678 : vector<8x4096xi1>, vector<8x4096xf32>
      %reduce_sum3A_680 = arith.constant dense<0.000000e+00> : vector<8xf32>
      %reduce_sum3A_681 = vector.multi_reduction <add>, %select_n3A_679, %reduce_sum3A_680 [1] : vector<8x4096xf32> to vector<8xf32>
      %broadcast_in_dim3A_682 = vector.shape_cast %reduce_sum3A_681 : vector<8xf32> to vector<8x1xf32>
      %jit3A_683 = arith.constant 0.000000e+00 : f32
      %broadcast_in_dim3A_684 = vector.broadcast %jit3A_683 : f32 to vector<8x4096xf32>
      %select_n3A_685 = arith.select %eq3A_676, %get3A_4, %broadcast_in_dim3A_684 : vector<8x4096xi1>, vector<8x4096xf32>
      %reduce_sum3A_686 = arith.constant dense<0.000000e+00> : vector<8xf32>
      %reduce_sum3A_687 = vector.multi_reduction <add>, %select_n3A_685, %reduce_sum3A_686 [1] : vector<8x4096xf32> to vector<8xf32>
      %broadcast_in_dim3A_688 = vector.shape_cast %reduce_sum3A_687 : vector<8xf32> to vector<8x1xf32>
      %jit3A_689 = arith.constant 0.000000e+00 : f32
      %broadcast_in_dim3A_690 = vector.broadcast %jit3A_689 : f32 to vector<8x4096xf32>
      %select_n3A_691 = arith.select %eq3A_676, %get3A_7, %broadcast_in_dim3A_690 : vector<8x4096xi1>, vector<8x4096xf32>
      %reduce_sum3A_692 = arith.constant dense<0.000000e+00> : vector<8xf32>
      %reduce_sum3A_693 = vector.multi_reduction <add>, %select_n3A_691, %reduce_sum3A_692 [1] : vector<8x4096xf32> to vector<8xf32>
      %broadcast_in_dim3A_694 = vector.shape_cast %reduce_sum3A_693 : vector<8xf32> to vector<8x1xf32>
      %scan3A_695 = arith.constant 12 : i32
      %scan3A_696 = arith.addi %scan3A_27, %scan3A_695 : i32
      %eq3A_697 = vector.broadcast %scan3A_696 : i32 to vector<8x1024xi32>
      %eq3A_698 = arith.cmpi eq, %iota3A_8, %eq3A_697 : vector<8x1024xi32>
      %broadcast_in_dim3A_699 = vector.shape_cast %broadcast_in_dim3A_682 : vector<8x1xf32> to vector<8x1xf32>
      %broadcast_in_dim3A_700 = vector.broadcast %broadcast_in_dim3A_699 : vector<8x1xf32> to vector<8x1024xf32>
      %select_n3A_701 = arith.select %eq3A_698, %broadcast_in_dim3A_700, %select_n3A_645 : vector<8x1024xi1>, vector<8x1024xf32>
      %broadcast_in_dim3A_702 = vector.shape_cast %broadcast_in_dim3A_688 : vector<8x1xf32> to vector<8x1xf32>
      %broadcast_in_dim3A_703 = vector.broadcast %broadcast_in_dim3A_702 : vector<8x1xf32> to vector<8x1024xf32>
      %select_n3A_704 = arith.select %eq3A_698, %broadcast_in_dim3A_703, %select_n3A_648 : vector<8x1024xi1>, vector<8x1024xf32>
      %broadcast_in_dim3A_705 = vector.shape_cast %broadcast_in_dim3A_694 : vector<8x1xf32> to vector<8x1xf32>
      %broadcast_in_dim3A_706 = vector.broadcast %broadcast_in_dim3A_705 : vector<8x1xf32> to vector<8x1024xf32>
      %select_n3A_707 = arith.select %eq3A_698, %broadcast_in_dim3A_706, %select_n3A_651 : vector<8x1024xi1>, vector<8x1024xf32>
      %sub3A_708 = vector.broadcast %broadcast_in_dim3A_682 : vector<8x1xf32> to vector<8x4096xf32>
      %sub3A_709 = arith.subf %get3A_1, %sub3A_708 : vector<8x4096xf32>
      %sub3A_710 = vector.broadcast %broadcast_in_dim3A_688 : vector<8x1xf32> to vector<8x4096xf32>
      %sub3A_711 = arith.subf %get3A_4, %sub3A_710 : vector<8x4096xf32>
      %sub3A_712 = vector.broadcast %broadcast_in_dim3A_694 : vector<8x1xf32> to vector<8x4096xf32>
      %sub3A_713 = arith.subf %get3A_7, %sub3A_712 : vector<8x4096xf32>
      %mul3A_714 = arith.mulf %sub3A_709, %sub3A_709 : vector<8x4096xf32>
      %mul3A_715 = arith.mulf %sub3A_711, %sub3A_711 : vector<8x4096xf32>
      %add3A_716 = arith.addf %mul3A_714, %mul3A_715 : vector<8x4096xf32>
      %mul3A_717 = arith.mulf %sub3A_713, %sub3A_713 : vector<8x4096xf32>
      %add3A_718 = arith.addf %add3A_716, %mul3A_717 : vector<8x4096xf32>
      %min3A_719 = arith.minimumf %min3A_663, %add3A_718 : vector<8x4096xf32>
      %reduce_max3A_720 = arith.constant dense<0xFF800000> : vector<8xf32>
      %reduce_max3A_721 = vector.multi_reduction <maximumf>, %min3A_719, %reduce_max3A_720 [1] : vector<8x4096xf32> to vector<8xf32>
      %broadcast_in_dim3A_722 = vector.shape_cast %reduce_max3A_721 : vector<8xf32> to vector<8x1xf32>
      %eq3A_723 = vector.broadcast %broadcast_in_dim3A_722 : vector<8x1xf32> to vector<8x4096xf32>
      %eq3A_724 = arith.cmpf oeq, %min3A_719, %eq3A_723 : vector<8x4096xf32>
      %jit3A_725 = arith.constant 4.096000e+03 : f32
      %broadcast_in_dim3A_726 = vector.broadcast %jit3A_725 : f32 to vector<8x4096xf32>
      %select_n3A_727 = arith.select %eq3A_724, %convert_element_type3A, %broadcast_in_dim3A_726 : vector<8x4096xi1>, vector<8x4096xf32>
      %reduce_min3A_728 = arith.constant dense<0x7F800000> : vector<8xf32>
      %reduce_min3A_729 = vector.multi_reduction <minimumf>, %select_n3A_727, %reduce_min3A_728 [1] : vector<8x4096xf32> to vector<8xf32>
      %broadcast_in_dim3A_730 = vector.shape_cast %reduce_min3A_729 : vector<8xf32> to vector<8x1xf32>
      %eq3A_731 = vector.broadcast %broadcast_in_dim3A_730 : vector<8x1xf32> to vector<8x4096xf32>
      %eq3A_732 = arith.cmpf oeq, %convert_element_type3A, %eq3A_731 : vector<8x4096xf32>
      %jit3A_733 = arith.constant 0.000000e+00 : f32
      %broadcast_in_dim3A_734 = vector.broadcast %jit3A_733 : f32 to vector<8x4096xf32>
      %select_n3A_735 = arith.select %eq3A_732, %get3A_1, %broadcast_in_dim3A_734 : vector<8x4096xi1>, vector<8x4096xf32>
      %reduce_sum3A_736 = arith.constant dense<0.000000e+00> : vector<8xf32>
      %reduce_sum3A_737 = vector.multi_reduction <add>, %select_n3A_735, %reduce_sum3A_736 [1] : vector<8x4096xf32> to vector<8xf32>
      %broadcast_in_dim3A_738 = vector.shape_cast %reduce_sum3A_737 : vector<8xf32> to vector<8x1xf32>
      %jit3A_739 = arith.constant 0.000000e+00 : f32
      %broadcast_in_dim3A_740 = vector.broadcast %jit3A_739 : f32 to vector<8x4096xf32>
      %select_n3A_741 = arith.select %eq3A_732, %get3A_4, %broadcast_in_dim3A_740 : vector<8x4096xi1>, vector<8x4096xf32>
      %reduce_sum3A_742 = arith.constant dense<0.000000e+00> : vector<8xf32>
      %reduce_sum3A_743 = vector.multi_reduction <add>, %select_n3A_741, %reduce_sum3A_742 [1] : vector<8x4096xf32> to vector<8xf32>
      %broadcast_in_dim3A_744 = vector.shape_cast %reduce_sum3A_743 : vector<8xf32> to vector<8x1xf32>
      %jit3A_745 = arith.constant 0.000000e+00 : f32
      %broadcast_in_dim3A_746 = vector.broadcast %jit3A_745 : f32 to vector<8x4096xf32>
      %select_n3A_747 = arith.select %eq3A_732, %get3A_7, %broadcast_in_dim3A_746 : vector<8x4096xi1>, vector<8x4096xf32>
      %reduce_sum3A_748 = arith.constant dense<0.000000e+00> : vector<8xf32>
      %reduce_sum3A_749 = vector.multi_reduction <add>, %select_n3A_747, %reduce_sum3A_748 [1] : vector<8x4096xf32> to vector<8xf32>
      %broadcast_in_dim3A_750 = vector.shape_cast %reduce_sum3A_749 : vector<8xf32> to vector<8x1xf32>
      %scan3A_751 = arith.constant 13 : i32
      %scan3A_752 = arith.addi %scan3A_27, %scan3A_751 : i32
      %eq3A_753 = vector.broadcast %scan3A_752 : i32 to vector<8x1024xi32>
      %eq3A_754 = arith.cmpi eq, %iota3A_8, %eq3A_753 : vector<8x1024xi32>
      %broadcast_in_dim3A_755 = vector.shape_cast %broadcast_in_dim3A_738 : vector<8x1xf32> to vector<8x1xf32>
      %broadcast_in_dim3A_756 = vector.broadcast %broadcast_in_dim3A_755 : vector<8x1xf32> to vector<8x1024xf32>
      %select_n3A_757 = arith.select %eq3A_754, %broadcast_in_dim3A_756, %select_n3A_701 : vector<8x1024xi1>, vector<8x1024xf32>
      %broadcast_in_dim3A_758 = vector.shape_cast %broadcast_in_dim3A_744 : vector<8x1xf32> to vector<8x1xf32>
      %broadcast_in_dim3A_759 = vector.broadcast %broadcast_in_dim3A_758 : vector<8x1xf32> to vector<8x1024xf32>
      %select_n3A_760 = arith.select %eq3A_754, %broadcast_in_dim3A_759, %select_n3A_704 : vector<8x1024xi1>, vector<8x1024xf32>
      %broadcast_in_dim3A_761 = vector.shape_cast %broadcast_in_dim3A_750 : vector<8x1xf32> to vector<8x1xf32>
      %broadcast_in_dim3A_762 = vector.broadcast %broadcast_in_dim3A_761 : vector<8x1xf32> to vector<8x1024xf32>
      %select_n3A_763 = arith.select %eq3A_754, %broadcast_in_dim3A_762, %select_n3A_707 : vector<8x1024xi1>, vector<8x1024xf32>
      %sub3A_764 = vector.broadcast %broadcast_in_dim3A_738 : vector<8x1xf32> to vector<8x4096xf32>
      %sub3A_765 = arith.subf %get3A_1, %sub3A_764 : vector<8x4096xf32>
      %sub3A_766 = vector.broadcast %broadcast_in_dim3A_744 : vector<8x1xf32> to vector<8x4096xf32>
      %sub3A_767 = arith.subf %get3A_4, %sub3A_766 : vector<8x4096xf32>
      %sub3A_768 = vector.broadcast %broadcast_in_dim3A_750 : vector<8x1xf32> to vector<8x4096xf32>
      %sub3A_769 = arith.subf %get3A_7, %sub3A_768 : vector<8x4096xf32>
      %mul3A_770 = arith.mulf %sub3A_765, %sub3A_765 : vector<8x4096xf32>
      %mul3A_771 = arith.mulf %sub3A_767, %sub3A_767 : vector<8x4096xf32>
      %add3A_772 = arith.addf %mul3A_770, %mul3A_771 : vector<8x4096xf32>
      %mul3A_773 = arith.mulf %sub3A_769, %sub3A_769 : vector<8x4096xf32>
      %add3A_774 = arith.addf %add3A_772, %mul3A_773 : vector<8x4096xf32>
      %min3A_775 = arith.minimumf %min3A_719, %add3A_774 : vector<8x4096xf32>
      %reduce_max3A_776 = arith.constant dense<0xFF800000> : vector<8xf32>
      %reduce_max3A_777 = vector.multi_reduction <maximumf>, %min3A_775, %reduce_max3A_776 [1] : vector<8x4096xf32> to vector<8xf32>
      %broadcast_in_dim3A_778 = vector.shape_cast %reduce_max3A_777 : vector<8xf32> to vector<8x1xf32>
      %eq3A_779 = vector.broadcast %broadcast_in_dim3A_778 : vector<8x1xf32> to vector<8x4096xf32>
      %eq3A_780 = arith.cmpf oeq, %min3A_775, %eq3A_779 : vector<8x4096xf32>
      %jit3A_781 = arith.constant 4.096000e+03 : f32
      %broadcast_in_dim3A_782 = vector.broadcast %jit3A_781 : f32 to vector<8x4096xf32>
      %select_n3A_783 = arith.select %eq3A_780, %convert_element_type3A, %broadcast_in_dim3A_782 : vector<8x4096xi1>, vector<8x4096xf32>
      %reduce_min3A_784 = arith.constant dense<0x7F800000> : vector<8xf32>
      %reduce_min3A_785 = vector.multi_reduction <minimumf>, %select_n3A_783, %reduce_min3A_784 [1] : vector<8x4096xf32> to vector<8xf32>
      %broadcast_in_dim3A_786 = vector.shape_cast %reduce_min3A_785 : vector<8xf32> to vector<8x1xf32>
      %eq3A_787 = vector.broadcast %broadcast_in_dim3A_786 : vector<8x1xf32> to vector<8x4096xf32>
      %eq3A_788 = arith.cmpf oeq, %convert_element_type3A, %eq3A_787 : vector<8x4096xf32>
      %jit3A_789 = arith.constant 0.000000e+00 : f32
      %broadcast_in_dim3A_790 = vector.broadcast %jit3A_789 : f32 to vector<8x4096xf32>
      %select_n3A_791 = arith.select %eq3A_788, %get3A_1, %broadcast_in_dim3A_790 : vector<8x4096xi1>, vector<8x4096xf32>
      %reduce_sum3A_792 = arith.constant dense<0.000000e+00> : vector<8xf32>
      %reduce_sum3A_793 = vector.multi_reduction <add>, %select_n3A_791, %reduce_sum3A_792 [1] : vector<8x4096xf32> to vector<8xf32>
      %broadcast_in_dim3A_794 = vector.shape_cast %reduce_sum3A_793 : vector<8xf32> to vector<8x1xf32>
      %jit3A_795 = arith.constant 0.000000e+00 : f32
      %broadcast_in_dim3A_796 = vector.broadcast %jit3A_795 : f32 to vector<8x4096xf32>
      %select_n3A_797 = arith.select %eq3A_788, %get3A_4, %broadcast_in_dim3A_796 : vector<8x4096xi1>, vector<8x4096xf32>
      %reduce_sum3A_798 = arith.constant dense<0.000000e+00> : vector<8xf32>
      %reduce_sum3A_799 = vector.multi_reduction <add>, %select_n3A_797, %reduce_sum3A_798 [1] : vector<8x4096xf32> to vector<8xf32>
      %broadcast_in_dim3A_800 = vector.shape_cast %reduce_sum3A_799 : vector<8xf32> to vector<8x1xf32>
      %jit3A_801 = arith.constant 0.000000e+00 : f32
      %broadcast_in_dim3A_802 = vector.broadcast %jit3A_801 : f32 to vector<8x4096xf32>
      %select_n3A_803 = arith.select %eq3A_788, %get3A_7, %broadcast_in_dim3A_802 : vector<8x4096xi1>, vector<8x4096xf32>
      %reduce_sum3A_804 = arith.constant dense<0.000000e+00> : vector<8xf32>
      %reduce_sum3A_805 = vector.multi_reduction <add>, %select_n3A_803, %reduce_sum3A_804 [1] : vector<8x4096xf32> to vector<8xf32>
      %broadcast_in_dim3A_806 = vector.shape_cast %reduce_sum3A_805 : vector<8xf32> to vector<8x1xf32>
      %scan3A_807 = arith.constant 14 : i32
      %scan3A_808 = arith.addi %scan3A_27, %scan3A_807 : i32
      %eq3A_809 = vector.broadcast %scan3A_808 : i32 to vector<8x1024xi32>
      %eq3A_810 = arith.cmpi eq, %iota3A_8, %eq3A_809 : vector<8x1024xi32>
      %broadcast_in_dim3A_811 = vector.shape_cast %broadcast_in_dim3A_794 : vector<8x1xf32> to vector<8x1xf32>
      %broadcast_in_dim3A_812 = vector.broadcast %broadcast_in_dim3A_811 : vector<8x1xf32> to vector<8x1024xf32>
      %select_n3A_813 = arith.select %eq3A_810, %broadcast_in_dim3A_812, %select_n3A_757 : vector<8x1024xi1>, vector<8x1024xf32>
      %broadcast_in_dim3A_814 = vector.shape_cast %broadcast_in_dim3A_800 : vector<8x1xf32> to vector<8x1xf32>
      %broadcast_in_dim3A_815 = vector.broadcast %broadcast_in_dim3A_814 : vector<8x1xf32> to vector<8x1024xf32>
      %select_n3A_816 = arith.select %eq3A_810, %broadcast_in_dim3A_815, %select_n3A_760 : vector<8x1024xi1>, vector<8x1024xf32>
      %broadcast_in_dim3A_817 = vector.shape_cast %broadcast_in_dim3A_806 : vector<8x1xf32> to vector<8x1xf32>
      %broadcast_in_dim3A_818 = vector.broadcast %broadcast_in_dim3A_817 : vector<8x1xf32> to vector<8x1024xf32>
      %select_n3A_819 = arith.select %eq3A_810, %broadcast_in_dim3A_818, %select_n3A_763 : vector<8x1024xi1>, vector<8x1024xf32>
      %sub3A_820 = vector.broadcast %broadcast_in_dim3A_794 : vector<8x1xf32> to vector<8x4096xf32>
      %sub3A_821 = arith.subf %get3A_1, %sub3A_820 : vector<8x4096xf32>
      %sub3A_822 = vector.broadcast %broadcast_in_dim3A_800 : vector<8x1xf32> to vector<8x4096xf32>
      %sub3A_823 = arith.subf %get3A_4, %sub3A_822 : vector<8x4096xf32>
      %sub3A_824 = vector.broadcast %broadcast_in_dim3A_806 : vector<8x1xf32> to vector<8x4096xf32>
      %sub3A_825 = arith.subf %get3A_7, %sub3A_824 : vector<8x4096xf32>
      %mul3A_826 = arith.mulf %sub3A_821, %sub3A_821 : vector<8x4096xf32>
      %mul3A_827 = arith.mulf %sub3A_823, %sub3A_823 : vector<8x4096xf32>
      %add3A_828 = arith.addf %mul3A_826, %mul3A_827 : vector<8x4096xf32>
      %mul3A_829 = arith.mulf %sub3A_825, %sub3A_825 : vector<8x4096xf32>
      %add3A_830 = arith.addf %add3A_828, %mul3A_829 : vector<8x4096xf32>
      %min3A_831 = arith.minimumf %min3A_775, %add3A_830 : vector<8x4096xf32>
      %reduce_max3A_832 = arith.constant dense<0xFF800000> : vector<8xf32>
      %reduce_max3A_833 = vector.multi_reduction <maximumf>, %min3A_831, %reduce_max3A_832 [1] : vector<8x4096xf32> to vector<8xf32>
      %broadcast_in_dim3A_834 = vector.shape_cast %reduce_max3A_833 : vector<8xf32> to vector<8x1xf32>
      %eq3A_835 = vector.broadcast %broadcast_in_dim3A_834 : vector<8x1xf32> to vector<8x4096xf32>
      %eq3A_836 = arith.cmpf oeq, %min3A_831, %eq3A_835 : vector<8x4096xf32>
      %jit3A_837 = arith.constant 4.096000e+03 : f32
      %broadcast_in_dim3A_838 = vector.broadcast %jit3A_837 : f32 to vector<8x4096xf32>
      %select_n3A_839 = arith.select %eq3A_836, %convert_element_type3A, %broadcast_in_dim3A_838 : vector<8x4096xi1>, vector<8x4096xf32>
      %reduce_min3A_840 = arith.constant dense<0x7F800000> : vector<8xf32>
      %reduce_min3A_841 = vector.multi_reduction <minimumf>, %select_n3A_839, %reduce_min3A_840 [1] : vector<8x4096xf32> to vector<8xf32>
      %broadcast_in_dim3A_842 = vector.shape_cast %reduce_min3A_841 : vector<8xf32> to vector<8x1xf32>
      %eq3A_843 = vector.broadcast %broadcast_in_dim3A_842 : vector<8x1xf32> to vector<8x4096xf32>
      %eq3A_844 = arith.cmpf oeq, %convert_element_type3A, %eq3A_843 : vector<8x4096xf32>
      %jit3A_845 = arith.constant 0.000000e+00 : f32
      %broadcast_in_dim3A_846 = vector.broadcast %jit3A_845 : f32 to vector<8x4096xf32>
      %select_n3A_847 = arith.select %eq3A_844, %get3A_1, %broadcast_in_dim3A_846 : vector<8x4096xi1>, vector<8x4096xf32>
      %reduce_sum3A_848 = arith.constant dense<0.000000e+00> : vector<8xf32>
      %reduce_sum3A_849 = vector.multi_reduction <add>, %select_n3A_847, %reduce_sum3A_848 [1] : vector<8x4096xf32> to vector<8xf32>
      %broadcast_in_dim3A_850 = vector.shape_cast %reduce_sum3A_849 : vector<8xf32> to vector<8x1xf32>
      %jit3A_851 = arith.constant 0.000000e+00 : f32
      %broadcast_in_dim3A_852 = vector.broadcast %jit3A_851 : f32 to vector<8x4096xf32>
      %select_n3A_853 = arith.select %eq3A_844, %get3A_4, %broadcast_in_dim3A_852 : vector<8x4096xi1>, vector<8x4096xf32>
      %reduce_sum3A_854 = arith.constant dense<0.000000e+00> : vector<8xf32>
      %reduce_sum3A_855 = vector.multi_reduction <add>, %select_n3A_853, %reduce_sum3A_854 [1] : vector<8x4096xf32> to vector<8xf32>
      %broadcast_in_dim3A_856 = vector.shape_cast %reduce_sum3A_855 : vector<8xf32> to vector<8x1xf32>
      %jit3A_857 = arith.constant 0.000000e+00 : f32
      %broadcast_in_dim3A_858 = vector.broadcast %jit3A_857 : f32 to vector<8x4096xf32>
      %select_n3A_859 = arith.select %eq3A_844, %get3A_7, %broadcast_in_dim3A_858 : vector<8x4096xi1>, vector<8x4096xf32>
      %reduce_sum3A_860 = arith.constant dense<0.000000e+00> : vector<8xf32>
      %reduce_sum3A_861 = vector.multi_reduction <add>, %select_n3A_859, %reduce_sum3A_860 [1] : vector<8x4096xf32> to vector<8xf32>
      %broadcast_in_dim3A_862 = vector.shape_cast %reduce_sum3A_861 : vector<8xf32> to vector<8x1xf32>
      %scan3A_863 = arith.constant 15 : i32
      %scan3A_864 = arith.addi %scan3A_27, %scan3A_863 : i32
      %eq3A_865 = vector.broadcast %scan3A_864 : i32 to vector<8x1024xi32>
      %eq3A_866 = arith.cmpi eq, %iota3A_8, %eq3A_865 : vector<8x1024xi32>
      %broadcast_in_dim3A_867 = vector.shape_cast %broadcast_in_dim3A_850 : vector<8x1xf32> to vector<8x1xf32>
      %broadcast_in_dim3A_868 = vector.broadcast %broadcast_in_dim3A_867 : vector<8x1xf32> to vector<8x1024xf32>
      %select_n3A_869 = arith.select %eq3A_866, %broadcast_in_dim3A_868, %select_n3A_813 : vector<8x1024xi1>, vector<8x1024xf32>
      %broadcast_in_dim3A_870 = vector.shape_cast %broadcast_in_dim3A_856 : vector<8x1xf32> to vector<8x1xf32>
      %broadcast_in_dim3A_871 = vector.broadcast %broadcast_in_dim3A_870 : vector<8x1xf32> to vector<8x1024xf32>
      %select_n3A_872 = arith.select %eq3A_866, %broadcast_in_dim3A_871, %select_n3A_816 : vector<8x1024xi1>, vector<8x1024xf32>
      %broadcast_in_dim3A_873 = vector.shape_cast %broadcast_in_dim3A_862 : vector<8x1xf32> to vector<8x1xf32>
      %broadcast_in_dim3A_874 = vector.broadcast %broadcast_in_dim3A_873 : vector<8x1xf32> to vector<8x1024xf32>
      %select_n3A_875 = arith.select %eq3A_866, %broadcast_in_dim3A_874, %select_n3A_819 : vector<8x1024xi1>, vector<8x1024xf32>
      %sub3A_876 = vector.broadcast %broadcast_in_dim3A_850 : vector<8x1xf32> to vector<8x4096xf32>
      %sub3A_877 = arith.subf %get3A_1, %sub3A_876 : vector<8x4096xf32>
      %sub3A_878 = vector.broadcast %broadcast_in_dim3A_856 : vector<8x1xf32> to vector<8x4096xf32>
      %sub3A_879 = arith.subf %get3A_4, %sub3A_878 : vector<8x4096xf32>
      %sub3A_880 = vector.broadcast %broadcast_in_dim3A_862 : vector<8x1xf32> to vector<8x4096xf32>
      %sub3A_881 = arith.subf %get3A_7, %sub3A_880 : vector<8x4096xf32>
      %mul3A_882 = arith.mulf %sub3A_877, %sub3A_877 : vector<8x4096xf32>
      %mul3A_883 = arith.mulf %sub3A_879, %sub3A_879 : vector<8x4096xf32>
      %add3A_884 = arith.addf %mul3A_882, %mul3A_883 : vector<8x4096xf32>
      %mul3A_885 = arith.mulf %sub3A_881, %sub3A_881 : vector<8x4096xf32>
      %add3A_886 = arith.addf %add3A_884, %mul3A_885 : vector<8x4096xf32>
      %min3A_887 = arith.minimumf %min3A_831, %add3A_886 : vector<8x4096xf32>
      %reduce_max3A_888 = arith.constant dense<0xFF800000> : vector<8xf32>
      %reduce_max3A_889 = vector.multi_reduction <maximumf>, %min3A_887, %reduce_max3A_888 [1] : vector<8x4096xf32> to vector<8xf32>
      %broadcast_in_dim3A_890 = vector.shape_cast %reduce_max3A_889 : vector<8xf32> to vector<8x1xf32>
      %eq3A_891 = vector.broadcast %broadcast_in_dim3A_890 : vector<8x1xf32> to vector<8x4096xf32>
      %eq3A_892 = arith.cmpf oeq, %min3A_887, %eq3A_891 : vector<8x4096xf32>
      %jit3A_893 = arith.constant 4.096000e+03 : f32
      %broadcast_in_dim3A_894 = vector.broadcast %jit3A_893 : f32 to vector<8x4096xf32>
      %select_n3A_895 = arith.select %eq3A_892, %convert_element_type3A, %broadcast_in_dim3A_894 : vector<8x4096xi1>, vector<8x4096xf32>
      %reduce_min3A_896 = arith.constant dense<0x7F800000> : vector<8xf32>
      %reduce_min3A_897 = vector.multi_reduction <minimumf>, %select_n3A_895, %reduce_min3A_896 [1] : vector<8x4096xf32> to vector<8xf32>
      %broadcast_in_dim3A_898 = vector.shape_cast %reduce_min3A_897 : vector<8xf32> to vector<8x1xf32>
      %eq3A_899 = vector.broadcast %broadcast_in_dim3A_898 : vector<8x1xf32> to vector<8x4096xf32>
      %eq3A_900 = arith.cmpf oeq, %convert_element_type3A, %eq3A_899 : vector<8x4096xf32>
      %jit3A_901 = arith.constant 0.000000e+00 : f32
      %broadcast_in_dim3A_902 = vector.broadcast %jit3A_901 : f32 to vector<8x4096xf32>
      %select_n3A_903 = arith.select %eq3A_900, %get3A_1, %broadcast_in_dim3A_902 : vector<8x4096xi1>, vector<8x4096xf32>
      %reduce_sum3A_904 = arith.constant dense<0.000000e+00> : vector<8xf32>
      %reduce_sum3A_905 = vector.multi_reduction <add>, %select_n3A_903, %reduce_sum3A_904 [1] : vector<8x4096xf32> to vector<8xf32>
      %broadcast_in_dim3A_906 = vector.shape_cast %reduce_sum3A_905 : vector<8xf32> to vector<8x1xf32>
      %jit3A_907 = arith.constant 0.000000e+00 : f32
      %broadcast_in_dim3A_908 = vector.broadcast %jit3A_907 : f32 to vector<8x4096xf32>
      %select_n3A_909 = arith.select %eq3A_900, %get3A_4, %broadcast_in_dim3A_908 : vector<8x4096xi1>, vector<8x4096xf32>
      %reduce_sum3A_910 = arith.constant dense<0.000000e+00> : vector<8xf32>
      %reduce_sum3A_911 = vector.multi_reduction <add>, %select_n3A_909, %reduce_sum3A_910 [1] : vector<8x4096xf32> to vector<8xf32>
      %broadcast_in_dim3A_912 = vector.shape_cast %reduce_sum3A_911 : vector<8xf32> to vector<8x1xf32>
      %jit3A_913 = arith.constant 0.000000e+00 : f32
      %broadcast_in_dim3A_914 = vector.broadcast %jit3A_913 : f32 to vector<8x4096xf32>
      %select_n3A_915 = arith.select %eq3A_900, %get3A_7, %broadcast_in_dim3A_914 : vector<8x4096xi1>, vector<8x4096xf32>
      %reduce_sum3A_916 = arith.constant dense<0.000000e+00> : vector<8xf32>
      %reduce_sum3A_917 = vector.multi_reduction <add>, %select_n3A_915, %reduce_sum3A_916 [1] : vector<8x4096xf32> to vector<8xf32>
      %broadcast_in_dim3A_918 = vector.shape_cast %reduce_sum3A_917 : vector<8xf32> to vector<8x1xf32>
      scf.yield %min3A_887, %broadcast_in_dim3A_906, %broadcast_in_dim3A_912, %broadcast_in_dim3A_918, %select_n3A_869, %select_n3A_872, %select_n3A_875 : vector<8x4096xf32>, vector<8x1xf32>, vector<8x1xf32>, vector<8x1xf32>, vector<8x1024xf32>, vector<8x1024xf32>, vector<8x1024xf32>
    }
    %scan3A_18 = arith.constant 1024 : i32
    %swap3A = arith.constant 0 : index
    %swap3A_19 = arith.constant 0 : index
    %swap3A_20 = vector.load %arg3[%swap3A, %swap3A_19] : memref<8x1024xf32, #tpu.memory_space<vmem>>, vector<8x1024xf32>
    tpu.vector_store %arg3[%swap3A, %swap3A_19], %scan3A_17#4 {strides = array<i32>} : memref<8x1024xf32, #tpu.memory_space<vmem>>, vector<8x1024xf32>,
    %swap3A_21 = arith.constant 0 : index
    %swap3A_22 = arith.constant 0 : index
    %swap3A_23 = vector.load %arg4[%swap3A_21, %swap3A_22] : memref<8x1024xf32, #tpu.memory_space<vmem>>, vector<8x1024xf32>
    tpu.vector_store %arg4[%swap3A_21, %swap3A_22], %scan3A_17#5 {strides = array<i32>} : memref<8x1024xf32, #tpu.memory_space<vmem>>, vector<8x1024xf32>,
    %swap3A_24 = arith.constant 0 : index
    %swap3A_25 = arith.constant 0 : index
    %swap3A_26 = vector.load %arg5[%swap3A_24, %swap3A_25] : memref<8x1024xf32, #tpu.memory_space<vmem>>, vector<8x1024xf32>
    tpu.vector_store %arg5[%swap3A_24, %swap3A_25], %scan3A_17#6 {strides = array<i32>} : memref<8x1024xf32, #tpu.memory_space<vmem>>, vector<8x1024xf32>,
    return
  }
}

module attributes {stable_mosaic.version = 14 : i64} {
  func.func @_mlp_body(%arg0: i32, %arg1: memref<4096x128xf32, #tpu.memory_space<vmem>>, %arg2: memref<1x128x3xf32, #tpu.memory_space<vmem>>, %arg3: memref<128x64xf32, #tpu.memory_space<vmem>>, %arg4: memref<3x64xf32, #tpu.memory_space<vmem>>, %arg5: memref<1x64xf32, #tpu.memory_space<vmem>>, %arg6: memref<64x64xf32, #tpu.memory_space<vmem>>, %arg7: memref<1x64xf32, #tpu.memory_space<vmem>>, %arg8: memref<64x128xf32, #tpu.memory_space<vmem>>, %arg9: memref<1x128xf32, #tpu.memory_space<vmem>>, %arg10: memref<1x128x128xf32, #tpu.memory_space<vmem>>) attributes {dimension_semantics = [#tpu.dimension_semantics<parallel>], iteration_bounds = array<i64: 64>, scalar_prefetch = 0 : i64, scratch_operands = 0 : i64, tpu.core_type = #tpu.core_type<tc>, window_params = [{transform_indices = @transform_0, window_bounds = array<i64: 4096, 128>}, {transform_indices = @transform_1, window_bounds = array<i64: 1, 128, 3>}, {pipeline_mode = #tpu.pipeline_mode<synchronous>, transform_indices = @transform_2, window_bounds = array<i64: 128, 64>}, {pipeline_mode = #tpu.pipeline_mode<synchronous>, transform_indices = @transform_3, window_bounds = array<i64: 3, 64>}, {pipeline_mode = #tpu.pipeline_mode<synchronous>, transform_indices = @transform_4, window_bounds = array<i64: 1, 64>}, {pipeline_mode = #tpu.pipeline_mode<synchronous>, transform_indices = @transform_5, window_bounds = array<i64: 64, 64>}, {pipeline_mode = #tpu.pipeline_mode<synchronous>, transform_indices = @transform_6, window_bounds = array<i64: 1, 64>}, {pipeline_mode = #tpu.pipeline_mode<synchronous>, transform_indices = @transform_7, window_bounds = array<i64: 64, 128>}, {pipeline_mode = #tpu.pipeline_mode<synchronous>, transform_indices = @transform_8, window_bounds = array<i64: 1, 128>}, {transform_indices = @transform_9, window_bounds = array<i64: 1, 128, 128>}]} {
    %get3A = arith.constant 0 : index
    %get3A_0 = arith.constant 0 : index
    %get3A_1 = vector.load %arg1[%get3A, %get3A_0] : memref<4096x128xf32, #tpu.memory_space<vmem>>, vector<4096x128xf32>
    %get3A_2 = arith.constant 0 : index
    %get3A_3 = arith.constant 0 : index
    %get3A_4 = vector.load %arg3[%get3A_2, %get3A_3] : memref<128x64xf32, #tpu.memory_space<vmem>>, vector<128x64xf32>
    %dot_general3A = arith.constant dense<0.000000e+00> : vector<4096x64xf32>
    %dot_general3A_5 = tpu.matmul %get3A_1, %get3A_4, %dot_general3A {dimension_numbers = #tpu.dot_dimension_numbers<[1], [0], [0], [1], [0, 0, 1, 1], [], []>, transpose_lhs_hint = false} : vector<4096x128xf32>, vector<128x64xf32>, vector<4096x64xf32> -> vector<4096x64xf32>
    %get3A_6 = arith.constant 0 : index
    %get3A_7 = arith.constant 0 : index
    %get3A_8 = arith.constant 0 : index
    %get3A_9 = vector.load %arg2[%get3A_6, %get3A_7, %get3A_8] : memref<1x128x3xf32, #tpu.memory_space<vmem>>, vector<1x128x3xf32>
    %reshape3A = vector.shape_cast %get3A_9 : vector<1x128x3xf32> to vector<128x3xf32>
    %get3A_10 = arith.constant 0 : index
    %get3A_11 = arith.constant 0 : index
    %get3A_12 = vector.load %arg4[%get3A_10, %get3A_11] : memref<3x64xf32, #tpu.memory_space<vmem>>, vector<3x64xf32>
    %slice3A = vector.extract_strided_slice %reshape3A {offsets = [0, 0], sizes = [128, 1], strides = [1, 1]} : vector<128x3xf32> to vector<128x1xf32>
    %slice3A_13 = vector.extract_strided_slice %get3A_12 {offsets = [0, 0], sizes = [1, 64], strides = [1, 1]} : vector<3x64xf32> to vector<1x64xf32>
    %mul3A = vector.broadcast %slice3A : vector<128x1xf32> to vector<128x64xf32>
    %mul3A_14 = vector.broadcast %slice3A_13 : vector<1x64xf32> to vector<128x64xf32>
    %mul3A_15 = arith.mulf %mul3A, %mul3A_14 : vector<128x64xf32>
    %slice3A_16 = vector.extract_strided_slice %reshape3A {offsets = [0, 1], sizes = [128, 1], strides = [1, 1]} : vector<128x3xf32> to vector<128x1xf32>
    %slice3A_17 = vector.extract_strided_slice %get3A_12 {offsets = [1, 0], sizes = [1, 64], strides = [1, 1]} : vector<3x64xf32> to vector<1x64xf32>
    %mul3A_18 = vector.broadcast %slice3A_16 : vector<128x1xf32> to vector<128x64xf32>
    %mul3A_19 = vector.broadcast %slice3A_17 : vector<1x64xf32> to vector<128x64xf32>
    %mul3A_20 = arith.mulf %mul3A_18, %mul3A_19 : vector<128x64xf32>
    %add3A = arith.addf %mul3A_15, %mul3A_20 : vector<128x64xf32>
    %slice3A_21 = vector.extract_strided_slice %reshape3A {offsets = [0, 2], sizes = [128, 1], strides = [1, 1]} : vector<128x3xf32> to vector<128x1xf32>
    %slice3A_22 = vector.extract_strided_slice %get3A_12 {offsets = [2, 0], sizes = [1, 64], strides = [1, 1]} : vector<3x64xf32> to vector<1x64xf32>
    %mul3A_23 = vector.broadcast %slice3A_21 : vector<128x1xf32> to vector<128x64xf32>
    %mul3A_24 = vector.broadcast %slice3A_22 : vector<1x64xf32> to vector<128x64xf32>
    %mul3A_25 = arith.mulf %mul3A_23, %mul3A_24 : vector<128x64xf32>
    %add3A_26 = arith.addf %add3A, %mul3A_25 : vector<128x64xf32>
    %reshape3A_27 = vector.shape_cast %dot_general3A_5 : vector<4096x64xf32> to vector<128x32x64xf32>
    %broadcast_in_dim3A = vector.shape_cast %add3A_26 : vector<128x64xf32> to vector<128x1x64xf32>
    %sub3A = vector.broadcast %broadcast_in_dim3A : vector<128x1x64xf32> to vector<128x32x64xf32>
    %sub3A_28 = arith.subf %reshape3A_27, %sub3A : vector<128x32x64xf32>
    %get3A_29 = arith.constant 0 : index
    %get3A_30 = arith.constant 0 : index
    %get3A_31 = vector.load %arg5[%get3A_29, %get3A_30] : memref<1x64xf32, #tpu.memory_space<vmem>>, vector<1x64xf32>
    %broadcast_in_dim3A_32 = vector.shape_cast %get3A_31 : vector<1x64xf32> to vector<1x1x64xf32>
    %add3A_33 = vector.broadcast %broadcast_in_dim3A_32 : vector<1x1x64xf32> to vector<128x32x64xf32>
    %add3A_34 = arith.addf %sub3A_28, %add3A_33 : vector<128x32x64xf32>
    %max3A = arith.constant 0.000000e+00 : f32
    %max3A_35 = vector.broadcast %max3A : f32 to vector<128x32x64xf32>
    %max3A_36 = arith.maximumf %add3A_34, %max3A_35 : vector<128x32x64xf32>
    %reshape3A_37 = vector.shape_cast %max3A_36 : vector<128x32x64xf32> to vector<4096x64xf32>
    %get3A_38 = arith.constant 0 : index
    %get3A_39 = arith.constant 0 : index
    %get3A_40 = vector.load %arg6[%get3A_38, %get3A_39] : memref<64x64xf32, #tpu.memory_space<vmem>>, vector<64x64xf32>
    %dot_general3A_41 = arith.constant dense<0.000000e+00> : vector<4096x64xf32>
    %dot_general3A_42 = tpu.matmul %reshape3A_37, %get3A_40, %dot_general3A_41 {dimension_numbers = #tpu.dot_dimension_numbers<[1], [0], [0], [1], [0, 0, 1, 1], [], []>, transpose_lhs_hint = false} : vector<4096x64xf32>, vector<64x64xf32>, vector<4096x64xf32> -> vector<4096x64xf32>
    %get3A_43 = arith.constant 0 : index
    %get3A_44 = arith.constant 0 : index
    %get3A_45 = vector.load %arg7[%get3A_43, %get3A_44] : memref<1x64xf32, #tpu.memory_space<vmem>>, vector<1x64xf32>
    %add3A_46 = vector.broadcast %get3A_45 : vector<1x64xf32> to vector<4096x64xf32>
    %add3A_47 = arith.addf %dot_general3A_42, %add3A_46 : vector<4096x64xf32>
    %max3A_48 = arith.constant 0.000000e+00 : f32
    %max3A_49 = vector.broadcast %max3A_48 : f32 to vector<4096x64xf32>
    %max3A_50 = arith.maximumf %add3A_47, %max3A_49 : vector<4096x64xf32>
    %get3A_51 = arith.constant 0 : index
    %get3A_52 = arith.constant 0 : index
    %get3A_53 = vector.load %arg8[%get3A_51, %get3A_52] : memref<64x128xf32, #tpu.memory_space<vmem>>, vector<64x128xf32>
    %dot_general3A_54 = arith.constant dense<0.000000e+00> : vector<4096x128xf32>
    %dot_general3A_55 = tpu.matmul %max3A_50, %get3A_53, %dot_general3A_54 {dimension_numbers = #tpu.dot_dimension_numbers<[1], [0], [0], [1], [0, 0, 1, 1], [], []>, transpose_lhs_hint = false} : vector<4096x64xf32>, vector<64x128xf32>, vector<4096x128xf32> -> vector<4096x128xf32>
    %get3A_56 = arith.constant 0 : index
    %get3A_57 = arith.constant 0 : index
    %get3A_58 = vector.load %arg9[%get3A_56, %get3A_57] : memref<1x128xf32, #tpu.memory_space<vmem>>, vector<1x128xf32>
    %add3A_59 = vector.broadcast %get3A_58 : vector<1x128xf32> to vector<4096x128xf32>
    %add3A_60 = arith.addf %dot_general3A_55, %add3A_59 : vector<4096x128xf32>
    %max3A_61 = arith.constant 0.000000e+00 : f32
    %max3A_62 = vector.broadcast %max3A_61 : f32 to vector<4096x128xf32>
    %max3A_63 = arith.maximumf %add3A_60, %max3A_62 : vector<4096x128xf32>
    %reshape3A_64 = vector.shape_cast %max3A_63 : vector<4096x128xf32> to vector<128x32x128xf32>
    %reduce_max3A = arith.constant dense<0xFF800000> : vector<128x128xf32>
    %reduce_max3A_65 = vector.multi_reduction <maximumf>, %reshape3A_64, %reduce_max3A [1] : vector<128x32x128xf32> to vector<128x128xf32>
    %transpose3A = tpu.transpose %reduce_max3A_65, [1, 0] : vector<128x128xf32> -> vector<128x128xf32>
    %reshape3A_66 = vector.shape_cast %transpose3A : vector<128x128xf32> to vector<1x128x128xf32>
    %swap3A = arith.constant 0 : index
    %swap3A_67 = arith.constant 0 : index
    %swap3A_68 = arith.constant 0 : index
    %swap3A_69 = vector.load %arg10[%swap3A, %swap3A_67, %swap3A_68] : memref<1x128x128xf32, #tpu.memory_space<vmem>>, vector<1x128x128xf32>
    tpu.vector_store %arg10[%swap3A, %swap3A_67, %swap3A_68], %reshape3A_66 {strides = array<i32>} : memref<1x128x128xf32, #tpu.memory_space<vmem>>, vector<1x128x128xf32>,
    return
  }
  func.func @transform_0(%arg0: i32) -> (i32, i32) {
    %c0_i32 = arith.constant 0 : i32
    %c0_i32_0 = arith.constant 0 : i32
    return %arg0, %c0_i32 : i32, i32
  }
  func.func @transform_1(%arg0: i32) -> (i32, i32, i32) {
    %jit3A = arith.constant 8 : i32
    %div3A = arith.divsi %arg0, %jit3A : i32
    %sign3A = arith.constant 0 : i32
    %sign3A_0 = arith.cmpi sgt, %arg0, %sign3A : i32
    %sign3A_1 = arith.extui %sign3A_0 : i1 to i32
    %sign3A_2 = arith.constant 0 : i32
    %sign3A_3 = arith.cmpi slt, %arg0, %sign3A_2 : i32
    %sign3A_4 = arith.extui %sign3A_3 : i1 to i32
    %sign3A_5 = arith.subi %sign3A_1, %sign3A_4 : i32
    %sign3A_6 = arith.constant 0 : i32
    %sign3A_7 = arith.cmpi sgt, %jit3A, %sign3A_6 : i32
    %sign3A_8 = arith.extui %sign3A_7 : i1 to i32
    %sign3A_9 = arith.constant 0 : i32
    %sign3A_10 = arith.cmpi slt, %jit3A, %sign3A_9 : i32
    %sign3A_11 = arith.extui %sign3A_10 : i1 to i32
    %sign3A_12 = arith.subi %sign3A_8, %sign3A_11 : i32
    %ne3A = arith.cmpi ne, %sign3A_5, %sign3A_12 : i32
    %rem3A = arith.remsi %arg0, %jit3A : i32
    %ne3A_13 = arith.constant 0 : i32
    %ne3A_14 = arith.cmpi ne, %rem3A, %ne3A_13 : i32
    %and3A = arith.andi %ne3A, %ne3A_14 : i1
    %sub3A = arith.constant 1 : i32
    %sub3A_15 = arith.subi %div3A, %sub3A : i32
    %select_n3A = arith.select %and3A, %sub3A_15, %div3A : i32
    %jit3A_16 = arith.constant 8 : i32
    %eq3A = arith.constant 0 : i32
    %eq3A_17 = arith.cmpi eq, %jit3A_16, %eq3A : i32
    %jit3A_18 = arith.constant 1 : i32
    %select_n3A_19 = arith.select %eq3A_17, %jit3A_18, %jit3A_16 : i32
    %rem3A_20 = arith.remsi %arg0, %select_n3A_19 : i32
    %ne3A_21 = arith.constant 0 : i32
    %ne3A_22 = arith.cmpi ne, %rem3A_20, %ne3A_21 : i32
    %lt3A = arith.constant 0 : i32
    %lt3A_23 = arith.cmpi slt, %rem3A_20, %lt3A : i32
    %lt3A_24 = arith.constant 0 : i32
    %lt3A_25 = arith.cmpi slt, %select_n3A_19, %lt3A_24 : i32
    %ne3A_26 = arith.xori %lt3A_23, %lt3A_25 : i1
    %and3A_27 = arith.andi %ne3A_26, %ne3A_22 : i1
    %add3A = arith.addi %rem3A_20, %select_n3A_19 : i32
    %select_n3A_28 = arith.select %and3A_27, %add3A, %rem3A_20 : i32
    %c0_i32 = arith.constant 0 : i32
    %c0_i32_29 = arith.constant 0 : i32
    return %select_n3A, %select_n3A_28, %c0_i32 : i32, i32, i32
  }
  func.func @transform_2(%arg0: i32) -> (i32, i32) {
    %c0_i32 = arith.constant 0 : i32
    %c0_i32_0 = arith.constant 0 : i32
    %c0_i32_1 = arith.constant 0 : i32
    return %c0_i32, %c0_i32_0 : i32, i32
  }
  func.func @transform_3(%arg0: i32) -> (i32, i32) {
    %c0_i32 = arith.constant 0 : i32
    %c0_i32_0 = arith.constant 0 : i32
    %c0_i32_1 = arith.constant 0 : i32
    return %c0_i32, %c0_i32_0 : i32, i32
  }
  func.func @transform_4(%arg0: i32) -> (i32, i32) {
    %c0_i32 = arith.constant 0 : i32
    %c0_i32_0 = arith.constant 0 : i32
    %c0_i32_1 = arith.constant 0 : i32
    return %c0_i32, %c0_i32_0 : i32, i32
  }
  func.func @transform_5(%arg0: i32) -> (i32, i32) {
    %c0_i32 = arith.constant 0 : i32
    %c0_i32_0 = arith.constant 0 : i32
    %c0_i32_1 = arith.constant 0 : i32
    return %c0_i32, %c0_i32_0 : i32, i32
  }
  func.func @transform_6(%arg0: i32) -> (i32, i32) {
    %c0_i32 = arith.constant 0 : i32
    %c0_i32_0 = arith.constant 0 : i32
    %c0_i32_1 = arith.constant 0 : i32
    return %c0_i32, %c0_i32_0 : i32, i32
  }
  func.func @transform_7(%arg0: i32) -> (i32, i32) {
    %c0_i32 = arith.constant 0 : i32
    %c0_i32_0 = arith.constant 0 : i32
    %c0_i32_1 = arith.constant 0 : i32
    return %c0_i32, %c0_i32_0 : i32, i32
  }
  func.func @transform_8(%arg0: i32) -> (i32, i32) {
    %c0_i32 = arith.constant 0 : i32
    %c0_i32_0 = arith.constant 0 : i32
    %c0_i32_1 = arith.constant 0 : i32
    return %c0_i32, %c0_i32_0 : i32, i32
  }
  func.func @transform_9(%arg0: i32) -> (i32, i32, i32) {
    %jit3A = arith.constant 8 : i32
    %div3A = arith.divsi %arg0, %jit3A : i32
    %sign3A = arith.constant 0 : i32
    %sign3A_0 = arith.cmpi sgt, %arg0, %sign3A : i32
    %sign3A_1 = arith.extui %sign3A_0 : i1 to i32
    %sign3A_2 = arith.constant 0 : i32
    %sign3A_3 = arith.cmpi slt, %arg0, %sign3A_2 : i32
    %sign3A_4 = arith.extui %sign3A_3 : i1 to i32
    %sign3A_5 = arith.subi %sign3A_1, %sign3A_4 : i32
    %sign3A_6 = arith.constant 0 : i32
    %sign3A_7 = arith.cmpi sgt, %jit3A, %sign3A_6 : i32
    %sign3A_8 = arith.extui %sign3A_7 : i1 to i32
    %sign3A_9 = arith.constant 0 : i32
    %sign3A_10 = arith.cmpi slt, %jit3A, %sign3A_9 : i32
    %sign3A_11 = arith.extui %sign3A_10 : i1 to i32
    %sign3A_12 = arith.subi %sign3A_8, %sign3A_11 : i32
    %ne3A = arith.cmpi ne, %sign3A_5, %sign3A_12 : i32
    %rem3A = arith.remsi %arg0, %jit3A : i32
    %ne3A_13 = arith.constant 0 : i32
    %ne3A_14 = arith.cmpi ne, %rem3A, %ne3A_13 : i32
    %and3A = arith.andi %ne3A, %ne3A_14 : i1
    %sub3A = arith.constant 1 : i32
    %sub3A_15 = arith.subi %div3A, %sub3A : i32
    %select_n3A = arith.select %and3A, %sub3A_15, %div3A : i32
    %jit3A_16 = arith.constant 8 : i32
    %eq3A = arith.constant 0 : i32
    %eq3A_17 = arith.cmpi eq, %jit3A_16, %eq3A : i32
    %jit3A_18 = arith.constant 1 : i32
    %select_n3A_19 = arith.select %eq3A_17, %jit3A_18, %jit3A_16 : i32
    %rem3A_20 = arith.remsi %arg0, %select_n3A_19 : i32
    %ne3A_21 = arith.constant 0 : i32
    %ne3A_22 = arith.cmpi ne, %rem3A_20, %ne3A_21 : i32
    %lt3A = arith.constant 0 : i32
    %lt3A_23 = arith.cmpi slt, %rem3A_20, %lt3A : i32
    %lt3A_24 = arith.constant 0 : i32
    %lt3A_25 = arith.cmpi slt, %select_n3A_19, %lt3A_24 : i32
    %ne3A_26 = arith.xori %lt3A_23, %lt3A_25 : i1
    %and3A_27 = arith.andi %ne3A_26, %ne3A_22 : i1
    %add3A = arith.addi %rem3A_20, %select_n3A_19 : i32
    %select_n3A_28 = arith.select %and3A_27, %add3A, %rem3A_20 : i32
    %c0_i32 = arith.constant 0 : i32
    %c0_i32_29 = arith.constant 0 : i32
    return %select_n3A, %c0_i32, %select_n3A_28 : i32, i32, i32
  }
}

</mosaic_0001>

<sc_bundles>
// kernel: kernel.6.cloned.1.call-start
scs
__scs_entry_jumppad:
0x0: {  	(pc) =	sbr.rel $0x88, $3  }
0x1: {  	(tag) =	ssettag $0x0;
	lr =	simm.s32 $0x1  }
0x2: {  	[smem:$0x3F99] =	sst lr;
	_ =	strace $0xD0000000  }
0x3: {  	_ = 	snop  }
0x4: {  	_ = 	snop  }
0x5: {  	_ = 	snop  }
0x6: {  	_ = 	snop  }
0x7: {  	_ = 	snop  }
__scs_overlays_trampoline_lowered:
0x8: {  	[smem:$0x3FA8] =	sst s0  }
0x9: {  	[smem:$0x3FA9] =	sst s1  }
0xa: {  	[smem:$0x3FAA] =	sst s2  }
0xb: {  	[smem:$0x3FAB] =	sst s3  }
0xc: {  	[smem:$0x3FAC] =	sst s4  }
0xd: {  	[smem:$0x3FAD] =	sst s5  }
0xe: {  	[smem:$0x3FAE] =	sst s6  }
0xf: {  	[smem:$0x3FAF] =	sst s7  }
0x10: {  	[smem:$0x3FB0] =	sst s8  }
0x11: {  	[smem:$0x3FB1] =	sst s9;
	s0 =	simm.s32 @!p0 $0x0  }
0x12: {  	s1 =	sld [smem:$0x3F97];
	s0 =	simm.s32 @p0 $0x1  }
0x13: {  	[smem:$0x3FB2] =	sst s0;
	s0 =	simm.s32 @!p1 $0x0  }
0x14: {  	s2 =	sld [smem:$0x3F96];
	s0 =	simm.s32 @p1 $0x1  }
0x15: {  	[smem:$0x3FB3] =	sst s0;
	s0 =	simm.s32 @!p2 $0x0  }
0x16: {  	s3 =	sld [smem:$0x3FDB];
	s0 =	simm.s32 @p2 $0x1  }
0x17: {  	s4 =	simm.s32 $0x1BF5;
	[smem:$0x3FB5] =	sst s0  }
0x18: {  	s0 =	sld [smem:$0x3F98];
	_ =	swait.ge [sflag:s4], $0x0  }
0x19: {  	s7 =	sld [smem:$0x3F99]  }
0x1a: {  	s8 =	sadd.s32 $0xFFFFE003, lr  }
0x1b: {  	s9 =	sadd.s32 $0xFFFFFEF7, lr;
	s5 =	simm.s32 $0xFFFFFFFF;
	p2 =	slt.u32 s8, $0xFFFFF086  }
0x1c: {  	p1 =	slt.u32 s9, $0xF7A;
	s5 =	simm.s32 @!p2 $0x0  }
0x1d: {  	s5 =	simm.s32 @p1 $0x1;
	p0 =	seq.s32 s7, s2  }
0x1e: {  	s7 =	smul.u32 @!p0 $0xF7A, s2;
	p2 =	seq.s32 @!p0 s5, $0x0  }
0x1f: {  	s9 =	smul.u32 $0xF7A, s1;
	s8 =	simm.s32 @!p0 $0x1BF5;
	p2 =	por !p2, p0  }
0x20: {  	[sflag:s8] =	ssyncset.s32 @!p0 $0xFFFFF086;
	s6 =	sadd.s32 @!p0 s3, s7;
	s7 =	simm.s32 @!p0 $0x108  }
0x21: {  	s3 =	sadd.s32 s3, s9;
	s6 =	sadd.s32 @!p0 $0x88, s6;
	s7 =	simm.s32 @p2 $0x1082  }
0x22: {  	[simem:s7], [sflag:s8] =	dma.local @!p0 [hbm:s6], $0xF7A  }
0x23: {  	s9 =	sor.u32 $0xD0000000, s2;
	s6 =	simm.s32 $0x108;
	_ =	swait.ge @!p0 [sflag:s8], $0x0  }
0x24: {  	s3 =	sadd.s32 $0x88, s3;
	s6 =	simm.s32 @!p1 $0x1082;
	[sflag:s4] =	ssyncset.s32 $0xFFFFF086  }
0x25: {  	[simem:s6], [sflag:s4] =	dma.local [hbm:s3], $0xF7A  }
0x26: {  	[smem:$0x3F99] =	sst s1;
	(tag) =	ssettag s2;
	_ =	strace s9  }
0x27: {  	s1 =	sld [smem:$0x3FA9]  }
0x28: {  	s2 =	sld [smem:$0x3FAA]  }
0x29: {  	s4 =	sld [smem:$0x3FAC]  }
0x2a: {  	p0 =	seq.s32 s5, $0x0;
	s5 =	sld [smem:$0x3FAD]  }
0x2b: {  	s6 =	sld [smem:$0x3FAE]  }
0x2c: {  	s7 =	sld [smem:$0x3FAF]  }
0x2d: {  	s3 =	simm.s32 $0x108;
	s8 =	sld [smem:$0x3FB0]  }
0x2e: {  	s3 =	simm.s32 @!p0 $0x1082;
	s9 =	sld [smem:$0x3FB1]  }
0x2f: {  	lr =	sadd.s32 s0, s3;
	s0 =	sld [smem:$0x3FA8]  }
0x30: {  	s3 =	sld [smem:$0x3FAB]  }
0x31: {  	[smem:$0x3FB4] =	sst s10  }
0x32: {  	s10 =	sld [smem:$0x3FB2];
	_ =	sdelay $0x3  }
0x33: {  	p0 =	seq.s32 s10, $0x1;
	s10 =	sld [smem:$0x3FB4];
	_ =	sdelay $0x3  }
0x34: {  	[smem:$0x3FB4] =	sst s10  }
0x35: {  	s10 =	sld [smem:$0x3FB3];
	_ =	sdelay $0x3  }
0x36: {  	p1 =	seq.s32 s10, $0x1;
	s10 =	sld [smem:$0x3FB4];
	_ =	sdelay $0x3  }
0x37: {  	[smem:$0x3FB4] =	sst s10  }
0x38: {  	s10 =	sld [smem:$0x3FB5]  }
0x39: {  	_ = 	snop;
	(pc) =	sbr.ind lr, $3  }
0x3a: {  	_ = 	snop  }
0x3b: {  	_ = 	snop  }
0x3c: {  	p2 =	seq.s32 s10, $0x1;
	s10 =	sld [smem:$0x3FB4]  }
0x3d: {  	_ =	shalt  }
0x3e: {  	_ =	shalt  }
0x3f: {  	_ =	shalt  }
0x40: {  	_ =	shalt  }
0x41: {  	_ =	shalt  }
0x42: {  	_ =	shalt  }
0x43: {  	_ =	shalt  }
0x44: {  	_ =	shalt  }
0x45: {  	_ =	shalt  }
0x46: {  	_ =	shalt  }
0x47: {  	_ =	shalt  }
0x48: {  	_ =	shalt  }
0x49: {  	_ =	shalt  }
0x4a: {  	_ =	shalt  }
0x4b: {  	_ =	shalt  }
0x4c: {  	_ =	shalt  }
0x4d: {  	_ =	shalt  }
0x4e: {  	_ =	shalt  }
0x4f: {  	_ =	shalt  }
0x50: {  	_ =	shalt  }
0x51: {  	_ =	shalt  }
0x52: {  	_ =	shalt  }
0x53: {  	_ =	shalt  }
0x54: {  	_ =	shalt  }
0x55: {  	_ =	shalt  }
0x56: {  	_ =	shalt  }
0x57: {  	_ =	shalt  }
0x58: {  	_ =	shalt  }
0x59: {  	_ =	shalt  }
0x5a: {  	_ =	shalt  }
0x5b: {  	_ =	shalt  }
0x5c: {  	_ =	shalt  }
0x5d: {  	_ =	shalt  }
0x5e: {  	_ =	shalt  }
0x5f: {  	_ =	shalt  }
0x60: {  	_ =	shalt  }
0x61: {  	_ =	shalt  }
0x62: {  	_ =	shalt  }
0x63: {  	_ =	shalt  }
0x64: {  	_ =	shalt  }
0x65: {  	_ =	shalt  }
0x66: {  	_ =	shalt  }
0x67: {  	_ =	shalt  }
0x68: {  	_ =	shalt  }
0x69: {  	_ =	shalt  }
0x6a: {  	_ =	shalt  }
0x6b: {  	_ =	shalt  }
0x6c: {  	_ =	shalt  }
0x6d: {  	_ =	shalt  }
0x6e: {  	_ =	shalt  }
0x6f: {  	_ =	shalt  }
0x70: {  	_ =	shalt  }
0x71: {  	_ =	shalt  }
0x72: {  	_ =	shalt  }
0x73: {  	_ =	shalt  }
0x74: {  	_ =	shalt  }
0x75: {  	_ =	shalt  }
0x76: {  	_ =	shalt  }
0x77: {  	_ =	shalt  }
0x78: {  	_ =	shalt  }
0x79: {  	_ =	shalt  }
0x7a: {  	_ =	shalt  }
0x7b: {  	_ =	shalt  }
0x7c: {  	_ =	shalt  }
0x7d: {  	_ =	shalt  }
0x7e: {  	_ =	shalt  }
0x7f: {  	_ =	shalt  }
0x80: {  	_ =	shalt  }
0x81: {  	_ =	shalt  }
0x82: {  	_ =	shalt  }
0x83: {  	_ =	shalt  }
0x84: {  	_ =	shalt  }
0x85: {  	_ =	shalt  }
0x86: {  	_ =	shalt  }
0x87: {  	_ =	shalt  }
.Lfunc_end0:
.L_simem_size_0:
called_computation_lowered:
.L_overlay_start_0:
0x88: {  	s2 =	sld [smem:$0x3FD9]  }
0x89: {  	s3 =	sld [smem:$0x3FFE];
	_ =	sdelay $0x1  }
0x8a: {  	s1 =	srdreg.scid  }
0x8b: {  	s0 =	sand.u32 $0x1, s1  }
0x8c: {  	s14 =	sshll.u32 s0, $0xA;
	s2 =	sadd.s32 s3, s2  }
0x8d: {  	s2 =	sadd.s32 s2, s14  }
0x8e: {  	[smem:$0x3FC0] =	sst s2  }
0x8f: {  	_ = 	snop  }
0x90: {  	s2 =	sld [smem:$0x3FD0];
	_ =	sdelay $0x2  }
0x91: {  	s15 =	simm.s32 $0xA;
	s4 =	simm.s32 $0x10  }
0x92: {  	[smem:s4], [sflag:s15] =	dma.local [hbm:s2], $0x1  }
0x93: {  	_ =	swait.eq [sflag:s15], $0x1  }
0x94: {  	[sflag:s15] =	ssyncset.done $0x0  }
0x95: {  	[sflag:s15] =	ssyncadd.s32 $0xFFFFFFFF  }
0x96: {  	s16 =	sld [smem:$0x11];
	(tm) =	ssettm $0x1  }
0x97: {  	s17 =	sld [smem:$0x3FFB];
	_ =	sdelay $0x3  }
0x98: {  	_ =	strace s17  }
0x99: {  	s3 =	sld [smem:$0x3FFC];
	_ =	sdelay $0x3  }
0x9a: {  	_ =	strace s3  }
0x9b: {  	s3 =	sld [smem:$0x3FFD];
	_ =	sdelay $0x3  }
0x9c: {  	_ =	strace s3  }
0x9d: {  	_ =	strace $0x8FFFFFFF  }
0x9e: {  	s18 =	sld [smem:$0x3FDB];
	_ =	sdelay $0x1  }
0x9f: {  	s19 =	simm.s32 $_scs_section_size  }
0xa0: {  	s5 =	simm.s32 $_size__tile_overlayer_lowered;
	s6 =	simm.s32 $_tile_overlayer_lowered  }
0xa1: {  	s22 =	simm.s32 $0x1BFF;
	s21 =	sshll.u32 s6, $0x1;
	s3 =	sadd.s32 s19, s18  }
0xa2: {  	s7 =	simm.s32 $0x0;
	s20 =	sshll.u32 s5, $0x1;
	s5 =	sadd.s32 s21, s3  }
0xa3: {  	[timem:s7], [sflag:s22] =	dma.local [hbm:s5], s20  }
0xa4: {  	_ =	swait.ge [sflag:s22], s20  }
0xa5: {  	s4 =	ssub.s32 $0x0, s20;
	[sflag:s22] =	ssyncset.done $0x0  }
0xa6: {  	[sflag:s22] =	ssyncadd.s32 s4;
	_ =	sdelay $0x1  }
0xa7: {  	s23 =	simm.s32 $0x1B8B  }
0xa8: {  	_ =	swait.ge [sflag:s23], $0x1  }
0xa9: {  	[sflag:s23] =	ssyncset.done $0x0  }
0xaa: {  	s25 =	simm.s32 $0x1B8E;
	s24 =	sld [smem:$0x3FFE];
	[sflag:s23] =	ssyncadd.s32 $0xFFFFFFFF  }
0xab: {  	s26 =	simm.s32 $execute0_lowered;
	[smem:$0x3FD2] =	sst s25  }
0xac: {  	s5 =	sshll.u32 s26, $0x1;
	_ =	strace $0x80000046;
	[dreg:$0x1] =	wrdreg $0xFFFFFFFF  }
0xad: {  	s28 =	simm.s32 $_size_execute0_lowered;
	s3 =	sadd.s32 s3, s5;
	[dreg:$0x0] =	wrdreg $0x0  }
0xae: {  	s5 =	sshll.u32 s28, $0x1;
	[dreg:$0x2] =	wrdreg s3  }
0xaf: {  	[dreg:$0x3] =	wrdreg s5  }
0xb0: {  	[dreg:$0x4] =	wrdreg $0xC0  }
0xb1: {  	_ =	task [dreg:s7], $0x5FFFF  }
0xb2: {  	[dreg:$0x1] =	wrdreg $0xFFFFFFFF  }
0xb3: {  	[dreg:$0x0] =	wrdreg $0x60  }
0xb4: {  	[dreg:$0x2] =	wrdreg s24  }
0xb5: {  	[dreg:$0x3] =	wrdreg s16  }
0xb6: {  	[dreg:$0x4] =	wrdreg $0x9  }
0xb7: {  	_ =	task.clear_ibuf [dreg:s7], $0x5FFFF;
	_ =	strace $0x90000046  }
0xb8: {  	s29 =	simm.s32 $0x9;
	_ =	strace $0x8000004F  }
0xb9: {  	_ =	swait.ge [sflag:s29], $0x1  }
0xba: {  	[sflag:s29] =	ssyncadd.s32 $0xFFFFFFFF  }
0xbb: {  	_ =	strace $0x9000004F  }
0xbc: {  	_ =	sfence  }
0xbd: {  	s30 =	sld [smem:$0x0];
	_ =	sdelay $0x2  }
0xbe: {  	s31 =	sshll.u32 s1, $0xD;
	s1 =	sshrl.u32 s1, $0x2  }
0xbf: {  	s3 =	sand.u32 $0x4000, s31;
	s1 =	sadd.s32 s1, s30  }
0xc0: {  	s0 =	sor.u32 s3, s0;
	s1 =	sshll.u32 s1, $0x11  }
0xc1: {  	s0 =	sor.u32 s1, s0  }
0xc2: {  	s0 =	sadd.s32 $0x8F2B, s0  }
0xc3: {  	[sflag:s0] =	ssyncadd.remote.s32 $0x1  }
0xc4: {  	_ =	sfence.sel $0xFFFF  }
0xc5: {  	[dreg:$0x0] =	wrdreg $0xFFFFFFFF;
	(pc) =	sbr.abs _section_cstart, $3  }
0xc6: {  	[dreg:$0x1] =	wrdreg $0xFFFFFFFF  }
0xc7: {  	_ =	task.clear_ibuf [dreg:s7], $0x2FFFF;
	_ =	strace $0x9FFFFFFF  }
0xc8: {  	(tm) =	ssettm $0x7FFFFFFF  }
0xc9: {  	_ =	shalt  }
tec
execute0_lowered:
.L_overlay_start_1:
0x0: {  	(tag) =	ssettag $0x1  }
0x1: {  	s4 =	rddreg [dreg:$0x0]  }
0x2: {  	s1 =	rddreg [dreg:$0x1]  }
0x3: {  	s0 =	rddreg [dreg:$0x2];
	s2 =	simm.s32 $0x0  }
0x4: {  	s5 =	srdreg.scid;
	s8 =	simm.s32 $0x100;
	s9 =	simm.s32 $0x4  }
0x5: {  	s10 =	simm.s32 $0x0;
	[smem:$0x7FF] =	sst s2;
	s3 =	sadd.s32 $0x3400, s4  }
0x6: {  	s4 =	sadd.s32 $0x83400, s4;
	_ =	strace $0x80000047;
	[dreg:$0x3] =	wrdreg s3  }
0x7: {  	s5 =	sand.u32 $0x1, s5;
	s3 =	stileid.u32;
	[dreg:$0x5] =	wrdreg s4  }
0x8: {  	s6 =	ssub.s32 $0x2, s5;
	s5 =	sshll.u32 s5, $0x4;
	[dreg:$0x4] =	wrdreg s8  }
0x9: {  	s8 =	simm.s32 $0x5;
	s7 =	sshrl.u32 s6, $0x1;
	s5 =	sor.u32 s3, s5  }
0xa: {  	s6 =	ssub.s32 s6, s7;
	s31 =	sshll.u32 s5, $0xA;
	s4 =	sshll.u32 s5, $0x5  }
0xb: {  	s7 =	simm.s32 $0x1;
	s5 =	sadd.s32 s1, s31;
	s6 =	smax.u32 s6, $0x1  }
.LBB2_1:
0xc: {  	_ =	strace $0x80000048;
	s11 =	simm.s32 $0x1;
	p0 =	por $0x0, $0x0  }
0xd: {  	[tilespmem:s2], [sflag:$0x1] =	stream.linear.gather [hbm4b:s5+s2], $0x100, $0x200038;
	[tilespmem:$0x10200] =	vst v63  }
0xe: {  	s11 =	simm.s32 @p0 $0x0  }
0xf: {  	p4 =	por $0x1, $0x1;
	s20 =	sand.u32 $0x1, s2;
	p1 =	sne.s32 s11, $0x0  }
0x10: {  	p2 =	por $0x1, $0x1;
	s18 =	simm.s32 $0x1E;
	p0 =	por !p4, !p1  }
0x11: {  	s16 =	simm.s32 $0x0;
	p5 =	por $0x0, $0x0;
	p0 =	por !p0, !p0  }
0x12: {  	s23 =	sadd.s32 $0x0, s4;
	s30 =	sadd.s32 $0x1, s20;
	s12 =	sadd.s32 @p0 s4, s11  }
0x13: {  	_ =	strace $0x90000048;
	s13 =	sand.u32 @p0 $0x1, s7;
	s12 =	sshll.u32 @p0 s12, $0x5  }
0x14: {  	_ =	strace @p0 $0x80000049;
	s15 =	simm.s32 @p0 $0x0;
	s12 =	sand.u32 @p0 $0x1FFFFFE0, s12  }
0x15: {  	s14 =	sshll.u32 @p0 s13, $0x8;
	s13 =	sadd.s32 @p0 $0x1, s13;
	s12 =	sadd.s32 @p0 s1, s12  }
0x16: {  	[tilespmem:s14], [sflag:s13] =	stream.linear.gather @p0 [hbm4b:s12+s15], $0x100, $0x200038;
	[tilespmem:$0x10200] =	vst v63  }
0x17: {  	p3 =	por p2, p2;
	s21 =	sshll.u32 s20, $0xF;
	_ =	strace @p0 $0x90000049  }
0x18: {  	s16 =	sand.u32 $0x100, s16;
	p2 =	por p5, p5;
	_ =	strace $0x8000004A  }
0x19: {  	s17 =	sadd.s32 $0x1, s11;
	s22 =	sor.u32 $0x200, s21;
	_ =	swait.ge [sflag:s30], $0x100  }
0x1a: {  	s21 =	simm.s32 $0x1;
	p6 =	por p1, p1;
	[sflag:s30] =	ssyncset.done $0x0  }
0x1b: {  	p1 =	por p3, p3;
	p4 =	por $0x1, $0x1;
	[sflag:s30] =	ssyncadd.s32 $0xFFFFFF00  }
0x1c: {  	s12 =	simm.s32 $0x1F;
	s15 =	sand.u32 @!p3 $0x1, s2;
	_ =	strace $0x9000004A  }
0x1d: {  	s13 =	simm.s32 $0x1;
	p3 =	seq.s32 s17, $0x20;
	_ =	strace $0x8000004B  }
0x1e: {  	s13 =	simm.s32 @!p0 $0x0;
	s17 =	simm.s32 @p3 $0x0;
	s19 =	rddreg [dreg:$0x4]  }
0x1f: {  	p0 =	por $0x0, $0x0;
	s14 =	sadd.s32 $0x1, s13;
	s31 =	rddreg [dreg:$0x3]  }
0x20: {  	[tilespmem:s22], [sflag:$0x5] =	stream.indirect.gather [hbm4b:s31+s19], $0x80, s16, s19, $0x2000b8;
	[tilespmem:$0x10200] =	vst v63  }
0x21: {  	p3 =	sne.s32 s11, s17;
	s21 =	simm.s32 @!p0 $0x0;
	_ =	swait.ge [sflag:s8], $0x8000  }
0x22: {  	p5 =	por !p4, !p3;
	p4 =	por $0x0, $0x0;
	[sflag:s8] =	ssyncset.done $0x0  }
0x23: {  	s13 =	simm.s32 $0x0;
	p6 =	por p4, p6;
	[sflag:s8] =	ssyncadd.s32 $0xFFFF8000  }
0x24: {  	s16 =	simm.s32 $0x0;
	s19 =	simm.s32 $0x0;
	_ =	strace $0x9000004B  }
.LBB2_2:
0x25: {  	_ =	strace @p6 $0x8000004C;
	s13 =	sadd.s32 s21, s13;
	s21 =	smov.u32 s12  }
0x26: {  	s12 =	smov.u32 s18;
	s18 =	sadd.s32 $0xFFFFFFFF, s18;
	p0 =	por p3, p3  }
0x27: {  	s28 =	sshll.u32 @p6 s23, $0xC;
	s20 =	sadd.s32 @p6 $0x3, s20;
	s24 =	simm.s32 @!p0 $0x0  }
0x28: {  	s25 =	rddreg [dreg:$0x5];
	s28 =	sand.u32 @p6 $0x1FFFF000, s28;
	s24 =	simm.s32 @p0 $0x1  }
0x29: {  	s25 =	sadd.s32 @p6 s25, s28;
	s28 =	simm.s32 @p6 $0x0;
	p0 =	sne.s32 s18, $0x0  }
0x2a: {  	[hbm4b:s25+s28] =	stream.linear.scatter @p6 [tilespmem:s22], [sflag:s20], $0x8000, $0x200038;
	[tilespmem:$0x10200] =	vst v63  }
0x2b: {  	s20 =	sadd.s32 @!p1 $0x3, s15;
	s15 =	simm.s32 @!p0 $0x0  }
0x2c: {  	s26 =	simm.s32 $0x1;
	[smem:$0x7FC] =	sst s24;
	s15 =	simm.s32 @p0 $0x1  }
0x2d: {  	s26 =	simm.s32 @!p6 $0x0;
	_ =	strace @p6 $0x9000004C;
	[smem:$0x7FD] =	sst s15  }
0x2e: {  	p5 =	por !p5, !p5;
	s19 =	sadd.s32 s26, s19;
	_ =	strace @!p1 $0x8000004D  }
0x2f: {  	s24 =	sand.u32 @!p2 $0x1, s13;
	s22 =	sand.u32 @p5 $0x1, s14;
	_ =	swait.ge @!p1 [sflag:s20], $0x8000  }
0x30: {  	s15 =	smov.u32 s24;
	s24 =	sadd.s32 @p5 s4, s17;
	[sflag:s20] =	ssyncset.done @!p1 $0x0  }
0x31: {  	s25 =	sshll.u32 @p5 s22, $0x8;
	s24 =	sshll.u32 @p5 s24, $0x5;
	[sflag:s20] =	ssyncadd.s32 @!p1 $0xFFFF8000  }
0x32: {  	s20 =	sadd.s32 @p5 $0x1, s22;
	s22 =	sand.u32 @p5 $0x1FFFFFE0, s24;
	_ =	strace @!p1 $0x9000004D  }
0x33: {  	s24 =	simm.s32 @p5 $0x0;
	s22 =	sadd.s32 @p5 s1, s22;
	_ =	strace @p5 $0x80000049  }
0x34: {  	[tilespmem:s25], [sflag:s20] =	stream.linear.gather @p5 [hbm4b:s22+s24], $0x100, $0x200038;
	[tilespmem:$0x10200] =	vst v63  }
0x35: {  	s16 =	sadd.s32 s26, s16;
	s26 =	sand.u32 $0x1, s19;
	_ =	strace @p5 $0x90000049  }
0x36: {  	s24 =	sadd.s32 $0x1, s26;
	_ =	strace $0x8000004A  }
0x37: {  	_ =	swait.ge [sflag:s24], $0x100  }
0x38: {  	[sflag:s24] =	ssyncset.done $0x0  }
0x39: {  	s20 =	simm.s32 $0x1;
	[sflag:s24] =	ssyncadd.s32 $0xFFFFFF00  }
0x3a: {  	s20 =	simm.s32 @!p5 $0x0;
	_ =	strace $0x9000004A  }
0x3b: {  	s14 =	sadd.s32 s20, s14;
	s20 =	sand.u32 $0x1, s16;
	_ =	strace $0x8000004B  }
0x3c: {  	s29 =	sshll.u32 s19, $0x8;
	s25 =	sshll.u32 s20, $0xF;
	s26 =	rddreg [dreg:$0x4]  }
0x3d: {  	s29 =	sand.u32 $0x100, s29;
	s22 =	sor.u32 $0x200, s25;
	s30 =	rddreg [dreg:$0x3]  }
0x3e: {  	[tilespmem:s22], [sflag:$0x5] =	stream.indirect.gather [hbm4b:s30+s26], $0x80, s29, s26, $0x2000b8;
	[tilespmem:$0x10200] =	vst v63  }
0x3f: {  	_ =	swait.ge [sflag:s8], $0x8000  }
0x40: {  	s31 =	sadd.s32 $0x1, s17;
	[sflag:s8] =	ssyncset.done $0x0  }
0x41: {  	s23 =	sadd.s32 s4, s11;
	s11 =	smov.u32 s17;
	[sflag:s8] =	ssyncadd.s32 $0xFFFF8000  }
0x42: {  	p3 =	seq.s32 s31, $0x20;
	s17 =	smov.u32 s31;
	_ =	strace $0x9000004B  }
0x43: {  	s17 =	simm.s32 @p3 $0x0;
	s31 =	sld [smem:$0x7FD]  }
0x44: {  	p6 =	sne.s32 s12, $0x1;
	p0 =	sne.s32 s21, $0x20;
	p3 =	sne.s32 s11, s17  }
0x45: {  	p5 =	por !p6, !p3;
	p6 =	seq.s32 s21, $0x1;
	s21 =	simm.s32 $0x1  }
0x46: {  	s21 =	simm.s32 @!p0 $0x0;
	p0 =	seq.s32 s31, $0x1  }
.Ltmp0:
0x47: {  	s30 =	sld [smem:$0x7FC];
	(pc) =	sbr.rel @p0 .LBB2_2-.Ltmp0, $4  }
0x48: {  	_ = 	snop  }
0x49: {  	p4 =	seq.s32 s12, $0x20  }
0x4a: {  	p1 =	por p2, p2;
	p2 =	por p4, p4;
	p4 =	seq.s32 s30, $0x1  }
0x4b: {  	p6 =	por p6, p4  }
0x4c: {  	_ =	strace @p6 $0x8000004C;
	s23 =	sshll.u32 @p6 s23, $0xC  }
0x4d: {  	s18 =	rddreg [dreg:$0x5];
	s23 =	sand.u32 @p6 $0x1FFFF000, s23  }
0x4e: {  	s20 =	sadd.s32 @p6 $0x3, s20;
	s18 =	sadd.s32 @p6 s18, s23;
	s23 =	simm.s32 @p6 $0x0  }
0x4f: {  	[hbm4b:s18+s23] =	stream.linear.scatter @p6 [tilespmem:s22], [sflag:s20], $0x8000, $0x200038;
	[tilespmem:$0x10200] =	vst v63  }
0x50: {  	p0 =	por !p5, !p5;
	_ =	strace @p6 $0x9000004C  }
0x51: {  	s15 =	sadd.s32 @!p1 $0x3, s15;
	s17 =	sadd.s32 @p0 s4, s17;
	_ =	strace @!p1 $0x8000004D  }
0x52: {  	s14 =	sand.u32 @p0 $0x1, s14;
	s17 =	sshll.u32 @p0 s17, $0x5;
	_ =	swait.ge @!p1 [sflag:s15], $0x8000  }
0x53: {  	s18 =	simm.s32 $0x1;
	s20 =	sshll.u32 @p0 s14, $0x8;
	[sflag:s15] =	ssyncset.done @!p1 $0x0  }
0x54: {  	s14 =	sadd.s32 @p0 $0x1, s14;
	s18 =	simm.s32 @!p6 $0x0;
	[sflag:s15] =	ssyncadd.s32 @!p1 $0xFFFF8000  }
0x55: {  	s19 =	sadd.s32 s18, s19;
	s15 =	sand.u32 @p0 $0x1FFFFFE0, s17;
	_ =	strace @!p1 $0x9000004D  }
0x56: {  	s17 =	simm.s32 @p0 $0x0;
	s15 =	sadd.s32 @p0 s1, s15;
	_ =	strace @p0 $0x80000049  }
0x57: {  	[tilespmem:s20], [sflag:s14] =	stream.linear.gather @p0 [hbm4b:s15+s17], $0x100, $0x200038;
	[tilespmem:$0x10200] =	vst v63  }
0x58: {  	s25 =	sand.u32 $0x1, s19;
	_ =	strace @p0 $0x90000049  }
0x59: {  	s14 =	sadd.s32 $0x1, s25;
	_ =	strace $0x8000004A  }
0x5a: {  	_ =	swait.ge [sflag:s14], $0x100  }
0x5b: {  	[sflag:s14] =	ssyncset.done $0x0  }
0x5c: {  	[sflag:s14] =	ssyncadd.s32 $0xFFFFFF00  }
0x5d: {  	s26 =	sadd.s32 s18, s16;
	_ =	strace $0x9000004A  }
0x5e: {  	s14 =	sand.u32 $0x1, s26;
	_ =	strace $0x8000004B  }
0x5f: {  	s30 =	sshll.u32 s19, $0x8;
	s31 =	sshll.u32 s14, $0xF;
	s28 =	rddreg [dreg:$0x4]  }
0x60: {  	s17 =	sand.u32 $0x100, s30;
	s18 =	sor.u32 $0x200, s31;
	s29 =	rddreg [dreg:$0x3]  }
0x61: {  	[tilespmem:s18], [sflag:$0x5] =	stream.indirect.gather [hbm4b:s29+s28], $0x80, s17, s28, $0x2000b8;
	[tilespmem:$0x10200] =	vst v63  }
0x62: {  	_ =	swait.ge [sflag:s8], $0x8000  }
0x63: {  	[sflag:s8] =	ssyncset.done $0x0  }
0x64: {  	p5 =	por p3, p3;
	p6 =	seq.s32 s12, $0x1;
	[sflag:s8] =	ssyncadd.s32 $0xFFFF8000  }
0x65: {  	s11 =	sadd.s32 s4, s11;
	p0 =	por p6, p5;
	_ =	strace $0x9000004B  }
0x66: {  	s11 =	sshll.u32 @p0 s11, $0xC;
	_ =	strace @p0 $0x8000004C  }
0x67: {  	s13 =	sadd.s32 s21, s13;
	s11 =	sand.u32 @p0 $0x1FFFF000, s11;
	s12 =	rddreg [dreg:$0x5]  }
0x68: {  	s14 =	sadd.s32 @p0 $0x3, s14;
	s11 =	sadd.s32 @p0 s12, s11;
	s12 =	simm.s32 @p0 $0x0  }
0x69: {  	[hbm4b:s11+s12] =	stream.linear.scatter @p0 [tilespmem:s18], [sflag:s14], $0x8000, $0x200038;
	[tilespmem:$0x10200] =	vst v63  }
0x6a: {  	p1 =	por p2, p2;
	s11 =	sand.u32 @!p2 $0x1, s13;
	_ =	strace @p0 $0x9000004C  }
0x6b: {  	s11 =	sadd.s32 @!p1 $0x3, s11;
	_ =	strace @!p1 $0x8000004D  }
0x6c: {  	_ =	swait.ge @!p1 [sflag:s11], $0x8000  }
0x6d: {  	[sflag:s11] =	ssyncset.done @!p1 $0x0  }
0x6e: {  	s10 =	sadd.s32 $0x1, s10;
	[sflag:s11] =	ssyncadd.s32 @!p1 $0xFFFF8000  }
0x6f: {  	p0 =	sne.s32 s10, s6;
	_ =	strace @!p1 $0x9000004D  }
.Ltmp1:
0x70: {  	_ =	strace $0x8000004E;
	(pc) =	sbr.rel @p0 .LBB2_1-.Ltmp1, $4  }
0x71: {  	_ =	swait.ge [sflag:s9], $0x8000  }
0x72: {  	[sflag:s9] =	ssyncset.done $0x0  }
0x73: {  	[sflag:s9] =	ssyncadd.s32 $0xFFFF8000  }
0x74: {  	_ =	strace $0x9000004E  }
0x75: {  	_ =	sfence.sel $0x180000  }
0x76: {  	[bflag:$0x0] =	sbarrier.arrive $0xFFFF  }
0x77: {  	p0 =	sne.s32 s3, $0x0;
	_ =	strace $0x90000047  }
0x78: {  	s0 =	sadd.s32 @!p0 $0x100000, s0;
	[bflag:$0x2] =	sbarrier.arrive $0xFFFF  }
0x79: {  	[sflag:s0] =	ssyncadd.tile.s32 @!p0 $0x1;
	_ =	shalt  }
.Lfunc_end2:
_tile_overlayer_lowered:
.L_overlay_start_2:
0x7a: {  	(tag) =	ssettag $0x2  }
0x7b: {  	s0 =	rddreg [dreg:$0x0];
	s2 =	stileid.u32  }
0x7c: {  	s1 =	rddreg [dreg:$0x1];
	p0 =	sne.s32 s2, $0x0  }
0x7d: {  	s3 =	rddreg [dreg:$0x2];
	[bflag:$0x3] =	sbarrier.arrive $0xFFFF;
	s2 =	simm.s32 @!p0 $0x1C01  }
0x7e: {  	[timem:s3], [sflag:s2] =	dma.local @!p0 [hbm:s0], s1  }
0x7f: {  	s0 =	simm.s32 @!p0 $0x1  }
0x80: {  	_ =	swait.ge @!p0 [sflag:s0], s1  }
0x81: {  	s1 =	ssub.s32 @!p0 $0x0, s1;
	[sflag:s0] =	ssyncset.done @!p0 $0x0  }
0x82: {  	[sflag:s0] =	ssyncadd.s32 @!p0 s1  }
0x83: {  	[bflag:$0x3] =	sbarrier.arrive $0xFFFF  }
0x84: {  	_ =	shalt  }

</sc_bundles>
